<compile_context>
chip_gen: v7x
topology: tpu7x:2x2x1
jax: 0.10.2.dev20260603
libtpu: 0.0.44.dev20260713+nightly
codegen_flags: <defaults>
</compile_context>

<pallas_src>
import functools

import jax
import jax.numpy as jnp
from jax import lax
from jax.experimental import pallas as pl
from jax.experimental.pallas import tpu as pltpu
from jax.experimental.pallas import tpu_sc as plsc

_B, _H, _W = 8, 512, 512
_P = _B * _H * _W
_NC, _NS, _L = 2, 16, 16
_NW = _NC * _NS
_PIX_PER_W = _P // _NW
_CHUNK = 4096
_NCHUNK = _PIX_PER_W // _CHUNK
_GB = 128
_NGB = _CHUNK // _GB


def _sc_body(ttop, tbot, gx_hbm, gy_hbm, out_hbm,
             gxv, gyv, idxv, ptv, pbv,
             wav, wbv, wcv, wdv, outv, tmpi, sem0, sem1, semg):
    wid = lax.axis_index("s") * _NC + lax.axis_index("c")

    def prefetch(c, q):
        base = wid * _PIX_PER_W + c * _CHUNK
        pltpu.async_copy(gx_hbm.at[pl.ds(base, _CHUNK)], gxv.at[q], semg)
        pltpu.async_copy(gy_hbm.at[pl.ds(base, _CHUNK)], gyv.at[q], semg)

    def compute_and_fire(c, q, prefetch_next):
        base = wid * _PIX_PER_W + c * _CHUNK
        bbase = (base >> 18) << 18
        pltpu.make_async_copy(gx_hbm.at[pl.ds(0, _CHUNK)], gxv.at[q], semg).wait()
        pltpu.make_async_copy(gx_hbm.at[pl.ds(0, _CHUNK)], gyv.at[q], semg).wait()
        if prefetch_next:
            prefetch(c + 1, 1 - q)

        sem = sem0 if q == 0 else sem1

        def batch_body(j, _):
            @plsc.parallel_loop(j * (_GB // _L), (j + 1) * (_GB // _L), 1,
                                unroll=4)
            def idx_body(i):
                off = i * _L
                gx = gxv[q, pl.ds(off, _L)]
                gy = gyv[q, pl.ds(off, _L)]
                gxc = jnp.minimum(jnp.maximum(gx, 0.0), float(_W - 1))
                gyc = jnp.minimum(jnp.maximum(gy, 0.0), float(_H - 1))
                x0c = gxc.astype(jnp.int32)
                y0c = gyc.astype(jnp.int32)
                fxr = gxc - x0c.astype(jnp.float32)
                fyr = gyc - y0c.astype(jnp.float32)
                exr = 1.0 - fxr
                eyr = 1.0 - fyr
                wa = exr * eyr
                wb = fxr * eyr
                wc = exr * fyr
                wd = fxr * fyr
                gidx = bbase + (y0c << 9) + x0c
                idxv[q, pl.ds(off, _L)] = gidx
                wav[q, pl.ds(off, _L)] = wa
                wbv[q, pl.ds(off, _L)] = wb
                wcv[q, pl.ds(off, _L)] = wc
                wdv[q, pl.ds(off, _L)] = wd

            sl = pl.ds(j * _GB, _GB)
            isl = idxv.at[q].at[sl]
            pltpu.async_copy(ttop.at[isl], ptv.at[q].at[sl], sem)
            pltpu.async_copy(tbot.at[isl], pbv.at[q].at[sl], sem)
            return 0

        lax.fori_loop(0, _NGB, batch_body, 0)

    def drain_and_blend(c, q):
        base = wid * _PIX_PER_W + c * _CHUNK
        sem = sem0 if q == 0 else sem1
        dummy = ttop.at[pl.ds(0, _CHUNK)]
        pltpu.make_async_copy(dummy, ptv.at[q], sem).wait()
        pltpu.make_async_copy(dummy, pbv.at[q], sem).wait()
        tmpf = tmpi.bitcast(jnp.float32)
        ptf = ptv.bitcast(jnp.float32)
        pbf = pbv.bitcast(jnp.float32)

        @plsc.parallel_loop(0, _CHUNK // _L, 1, unroll=4)
        def blend_body(i):
            off = i * _L
            sl = pl.ds(off, _L)
            tmpi[0, sl] = ptv[q, sl] << 16
            tmpi[1, sl] = pbv[q, sl] << 16
            o = (wav[q, sl] * tmpf[0, sl] + wbv[q, sl] * ptf[q, sl]
                 + wcv[q, sl] * tmpf[1, sl] + wdv[q, sl] * pbf[q, sl])
            outv[sl] = o
        pltpu.sync_copy(outv, out_hbm.at[pl.ds(base, _CHUNK)])

    prefetch(0, 0)
    compute_and_fire(0, 0, True)

    def chunk_pair(m, _):
        c = 2 * m + 1
        compute_and_fire(c, 1, True)
        drain_and_blend(c - 1, 0)
        compute_and_fire(c + 1, 0, True)
        drain_and_blend(c, 1)
        return 0

    lax.fori_loop(0, (_NCHUNK - 2) // 2, chunk_pair, 0)
    compute_and_fire(_NCHUNK - 1, 1, False)
    drain_and_blend(_NCHUNK - 2, 0)
    drain_and_blend(_NCHUNK - 1, 1)


_sc_call = functools.partial(
    pl.kernel,
    out_type=jax.ShapeDtypeStruct((_P,), jnp.float32),
    mesh=plsc.VectorSubcoreMesh(core_axis_name="c", subcore_axis_name="s",
                                num_cores=_NC, num_subcores=_NS),
    scratch_types=[
        pltpu.VMEM((2, _CHUNK), jnp.float32),
        pltpu.VMEM((2, _CHUNK), jnp.float32),
        pltpu.VMEM((2, _CHUNK), jnp.int32),
        pltpu.VMEM((2, _CHUNK), jnp.int32),
        pltpu.VMEM((2, _CHUNK), jnp.int32),
        pltpu.VMEM((2, _CHUNK), jnp.float32),
        pltpu.VMEM((2, _CHUNK), jnp.float32),
        pltpu.VMEM((2, _CHUNK), jnp.float32),
        pltpu.VMEM((2, _CHUNK), jnp.float32),
        pltpu.VMEM((_CHUNK,), jnp.float32),
        pltpu.VMEM((2, _CHUNK), jnp.int32),
        pltpu.SemaphoreType.DMA,
        pltpu.SemaphoreType.DMA,
        pltpu.SemaphoreType.DMA,
    ],
)(_sc_body)


def kernel(src, flow):
    s = src[..., 0]
    sx = jnp.concatenate([s[:, :, 1:], s[:, :, -1:]], axis=2)
    sy = jnp.concatenate([s[:, 1:, :], s[:, -1:, :]], axis=1)
    sxy = jnp.concatenate([sx[:, 1:, :], sx[:, -1:, :]], axis=1)
    bf = jnp.bfloat16
    ttop = lax.bitcast_convert_type(
        jnp.stack([s.astype(bf), sx.astype(bf)], axis=-1), jnp.int32
    ).reshape(_P)
    tbot = lax.bitcast_convert_type(
        jnp.stack([sy.astype(bf), sxy.astype(bf)], axis=-1), jnp.int32
    ).reshape(_P)
    xs = jnp.arange(_W, dtype=jnp.float32)
    ys = jnp.arange(_H, dtype=jnp.float32)
    gx = (flow[..., 0] + xs[None, None, :]).reshape(_P)
    gy = (flow[..., 1] + ys[None, :, None]).reshape(_P)
    out = _sc_call(ttop, tbot, gx, gy)
    return out.reshape(_B, _H, _W, 1)

# --- scband reference (transcript-rebuilt; emitter-appended) ---
"""Pipeline reference for scband-spatial-transformer-36524401885483 (READ-ONLY COPY).

The authoritative reference and input builder live on the scoring server;
editing this copy changes nothing except your own understanding.
"""

import jax, jax.numpy as jnp
import numpy as np


def setup_inputs(seed: int = 0) -> dict:
    key = jax.random.key(seed)
    k1, k2 = jax.random.split(key)
    src = jax.random.normal(k1, (8, 512, 512, 1), dtype=jnp.float32)
    flow = jax.random.normal(k2, (8, 512, 512, 2), dtype=jnp.float32)
    return {"src": src, "flow": flow}


def reference(src, flow):
    B, H, W, C = src.shape
    x_coords, y_coords = jnp.meshgrid(jnp.arange(W), jnp.arange(H))  # 'xy' indexing like tf.meshgrid
    grid = jnp.stack([x_coords, y_coords], axis=-1).astype(jnp.float32)  # [H, W, 2]
    grid = grid[None, ...] + flow  # [B, H, W, 2]

    gx = grid[..., 0]
    gy = grid[..., 1]
    x0f = jnp.floor(gx)
    x1f = x0f + 1.0
    y0f = jnp.floor(gy)
    y1f = y0f + 1.0

    wa = ((x1f - gx) * (y1f - gy))[..., None]
    wb = ((gx - x0f) * (y1f - gy))[..., None]
    wc = ((x1f - gx) * (gy - y0f))[..., None]
    wd = ((gx - x0f) * (gy - y0f))[..., None]

    x0 = jnp.clip(x0f, 0.0, float(W - 1)).astype(jnp.int32)
    x1 = jnp.clip(x1f, 0.0, float(W - 1)).astype(jnp.int32)
    y0 = jnp.clip(y0f, 0.0, float(H - 1)).astype(jnp.int32)
    y1 = jnp.clip(y1f, 0.0, float(H - 1)).astype(jnp.int32)

    batch_idx = jnp.arange(B, dtype=jnp.int32)[:, None, None]  # [B,1,1], broadcasts to [B,H,W]

    # Note: the original TF layer gathers with a trailing 0 index, i.e. it samples
    # ONLY channel 0 of src. We reproduce that faithfully.
    pa = src[batch_idx, y0, x0, 0][..., None]
    pb = src[batch_idx, y0, x1, 0][..., None]
    pc = src[batch_idx, y1, x0, 0][..., None]
    pd = src[batch_idx, y1, x1, 0][..., None]

    warped = wa * pa + wb * pb + wc * pc + wd * pd  # [B, H, W, 1]
    return warped

if __name__ == "__main__":
    import jax
    _d = setup_inputs()
    print(jax.jit(kernel)(*tuple(_d.values())))

</pallas_src>

<mosaic_0001>
#map = affine_map<(d0, d1) -> (0)>
module attributes {stable_mosaic.version = 14 : i64} {
  func.func @_sc_body(%arg0: i32, %arg1: i32, %arg2: memref<2097152xi32, #tpu.memory_space<hbm>>, %arg3: memref<2097152xi32, #tpu.memory_space<hbm>>, %arg4: memref<2097152xf32, #tpu.memory_space<hbm>>, %arg5: memref<2097152xf32, #tpu.memory_space<hbm>>, %arg6: memref<2097152xf32, #tpu.memory_space<hbm>>, %arg7: memref<2x4096xf32, #tpu.memory_space<vmem>>, %arg8: memref<2x4096xf32, #tpu.memory_space<vmem>>, %arg9: memref<2x4096xi32, #tpu.memory_space<vmem>>, %arg10: memref<2x4096xi32, #tpu.memory_space<vmem>>, %arg11: memref<2x4096xi32, #tpu.memory_space<vmem>>, %arg12: memref<2x4096xf32, #tpu.memory_space<vmem>>, %arg13: memref<2x4096xf32, #tpu.memory_space<vmem>>, %arg14: memref<2x4096xf32, #tpu.memory_space<vmem>>, %arg15: memref<2x4096xf32, #tpu.memory_space<vmem>>, %arg16: memref<4096xf32, #tpu.memory_space<vmem>>, %arg17: memref<2x4096xi32, #tpu.memory_space<vmem>>, %arg18: memref<!tpu.dma_semaphore, #tpu.memory_space<semaphore_mem>>, %arg19: memref<!tpu.dma_semaphore, #tpu.memory_space<semaphore_mem>>, %arg20: memref<!tpu.dma_semaphore, #tpu.memory_space<semaphore_mem>>) attributes {dimension_semantics = [#tpu.dimension_semantics<core_parallel>, #tpu.dimension_semantics<subcore_parallel>], iteration_bounds = array<i64: 2, 16>, scalar_prefetch = 0 : i64, scratch_operands = 14 : i64, tpu.core_type = #tpu.core_type<sc_vector_subcore>, window_params = [{transform_indices = #map}, {transform_indices = #map}, {transform_indices = #map}, {transform_indices = #map}, {transform_indices = #map}]} {
    %mul3A = arith.constant 2 : i32
    %mul3A_0 = arith.muli %arg1, %mul3A : i32
    %add3A = arith.addi %mul3A_0, %arg0 : i32
    %mul3A_1 = arith.constant 65536 : i32
    %mul3A_2 = arith.muli %add3A, %mul3A_1 : i32
    %add3A_3 = arith.constant 0 : i32
    %add3A_4 = arith.addi %mul3A_2, %add3A_3 : i32
    %dma_start3A = arith.constant 0 : i32
    %dma_start3A_5 = arith.constant 0 : i32
    %dma_start3A_6 = tpu.memref_slice %arg7[%dma_start3A, %dma_start3A_5] : memref<2x4096xf32, #tpu.memory_space<vmem>> -> memref<1x4096xf32, #tpu.memory_space<vmem>>
    %dma_start3A_7 = tpu.memref_squeeze %dma_start3A_6 : memref<1x4096xf32, #tpu.memory_space<vmem>> -> memref<4096xf32, #tpu.memory_space<vmem>>
    %dma_start3A_8 = tpu.memref_slice %arg4[%add3A_4] : memref<2097152xf32, #tpu.memory_space<hbm>> -> memref<4096xf32, #tpu.memory_space<hbm>>
    %dma_start3A_9 = arith.constant 0 : i32
    %dma_start3A_10 = tpu.memref_slice %arg7[%dma_start3A, %dma_start3A_9] : memref<2x4096xf32, #tpu.memory_space<vmem>> -> memref<1x4096xf32, #tpu.memory_space<vmem>>
    %dma_start3A_11 = tpu.memref_squeeze %dma_start3A_10 : memref<1x4096xf32, #tpu.memory_space<vmem>> -> memref<4096xf32, #tpu.memory_space<vmem>>
    %dma_start3A_12 = tpu.memref_slice %arg4[%add3A_4] : memref<2097152xf32, #tpu.memory_space<hbm>> -> memref<4096xf32, #tpu.memory_space<hbm>>
    tpu.enqueue_dma source(%dma_start3A_12 : memref<4096xf32, #tpu.memory_space<hbm>>) target(%dma_start3A_11 : memref<4096xf32, #tpu.memory_space<vmem>>) target_semaphore(%arg20 : memref<!tpu.dma_semaphore, #tpu.memory_space<semaphore_mem>>)
    %dma_start3A_13 = arith.constant 0 : i32
    %dma_start3A_14 = arith.constant 0 : i32
    %dma_start3A_15 = tpu.memref_slice %arg8[%dma_start3A_13, %dma_start3A_14] : memref<2x4096xf32, #tpu.memory_space<vmem>> -> memref<1x4096xf32, #tpu.memory_space<vmem>>
    %dma_start3A_16 = tpu.memref_squeeze %dma_start3A_15 : memref<1x4096xf32, #tpu.memory_space<vmem>> -> memref<4096xf32, #tpu.memory_space<vmem>>
    %dma_start3A_17 = tpu.memref_slice %arg5[%add3A_4] : memref<2097152xf32, #tpu.memory_space<hbm>> -> memref<4096xf32, #tpu.memory_space<hbm>>
    %dma_start3A_18 = arith.constant 0 : i32
    %dma_start3A_19 = tpu.memref_slice %arg8[%dma_start3A_13, %dma_start3A_18] : memref<2x4096xf32, #tpu.memory_space<vmem>> -> memref<1x4096xf32, #tpu.memory_space<vmem>>
    %dma_start3A_20 = tpu.memref_squeeze %dma_start3A_19 : memref<1x4096xf32, #tpu.memory_space<vmem>> -> memref<4096xf32, #tpu.memory_space<vmem>>
    %dma_start3A_21 = tpu.memref_slice %arg5[%add3A_4] : memref<2097152xf32, #tpu.memory_space<hbm>> -> memref<4096xf32, #tpu.memory_space<hbm>>
    tpu.enqueue_dma source(%dma_start3A_21 : memref<4096xf32, #tpu.memory_space<hbm>>) target(%dma_start3A_20 : memref<4096xf32, #tpu.memory_space<vmem>>) target_semaphore(%arg20 : memref<!tpu.dma_semaphore, #tpu.memory_space<semaphore_mem>>)
    %mul3A_22 = arith.constant 65536 : i32
    %mul3A_23 = arith.muli %add3A, %mul3A_22 : i32
    %add3A_24 = arith.constant 0 : i32
    %add3A_25 = arith.addi %mul3A_23, %add3A_24 : i32
    %shift_right_arithmetic3A = arith.constant 18 : i32
    %shift_right_arithmetic3A_26 = arith.shrsi %add3A_25, %shift_right_arithmetic3A : i32
    %shift_left3A = arith.constant 18 : i32
    %shift_left3A_27 = arith.shli %shift_right_arithmetic3A_26, %shift_left3A : i32
    %dma_wait3A = arith.constant 0 : i32
    %dma_wait3A_28 = arith.constant 0 : i32
    %dma_wait3A_29 = tpu.memref_slice %arg7[%dma_wait3A, %dma_wait3A_28] : memref<2x4096xf32, #tpu.memory_space<vmem>> -> memref<1x4096xf32, #tpu.memory_space<vmem>>
    %dma_wait3A_30 = tpu.memref_squeeze %dma_wait3A_29 : memref<1x4096xf32, #tpu.memory_space<vmem>> -> memref<4096xf32, #tpu.memory_space<vmem>>
    %dma_wait3A_31 = arith.constant 0 : i32
    %dma_wait3A_32 = tpu.memref_slice %arg4[%dma_wait3A_31] : memref<2097152xf32, #tpu.memory_space<hbm>> -> memref<4096xf32, #tpu.memory_space<hbm>>
    %dma_wait3A_33 = arith.constant 0 : i32
    %dma_wait3A_34 = tpu.memref_slice %arg7[%dma_wait3A, %dma_wait3A_33] : memref<2x4096xf32, #tpu.memory_space<vmem>> -> memref<1x4096xf32, #tpu.memory_space<vmem>>
    %dma_wait3A_35 = tpu.memref_squeeze %dma_wait3A_34 : memref<1x4096xf32, #tpu.memory_space<vmem>> -> memref<4096xf32, #tpu.memory_space<vmem>>
    %dma_wait3A_36 = arith.constant 0 : i32
    %dma_wait3A_37 = tpu.memref_slice %arg4[%dma_wait3A_36] : memref<2097152xf32, #tpu.memory_space<hbm>> -> memref<4096xf32, #tpu.memory_space<hbm>>
    tpu.wait_dma2 semaphore(%arg20 : memref<!tpu.dma_semaphore, #tpu.memory_space<semaphore_mem>>) src(%dma_wait3A_37 : memref<4096xf32, #tpu.memory_space<hbm>>) dst(%dma_wait3A_35 : memref<4096xf32, #tpu.memory_space<vmem>>)
    %dma_wait3A_38 = arith.constant 0 : i32
    %dma_wait3A_39 = arith.constant 0 : i32
    %dma_wait3A_40 = tpu.memref_slice %arg8[%dma_wait3A_38, %dma_wait3A_39] : memref<2x4096xf32, #tpu.memory_space<vmem>> -> memref<1x4096xf32, #tpu.memory_space<vmem>>
    %dma_wait3A_41 = tpu.memref_squeeze %dma_wait3A_40 : memref<1x4096xf32, #tpu.memory_space<vmem>> -> memref<4096xf32, #tpu.memory_space<vmem>>
    %dma_wait3A_42 = arith.constant 0 : i32
    %dma_wait3A_43 = tpu.memref_slice %arg4[%dma_wait3A_42] : memref<2097152xf32, #tpu.memory_space<hbm>> -> memref<4096xf32, #tpu.memory_space<hbm>>
    %dma_wait3A_44 = arith.constant 0 : i32
    %dma_wait3A_45 = tpu.memref_slice %arg8[%dma_wait3A_38, %dma_wait3A_44] : memref<2x4096xf32, #tpu.memory_space<vmem>> -> memref<1x4096xf32, #tpu.memory_space<vmem>>
    %dma_wait3A_46 = tpu.memref_squeeze %dma_wait3A_45 : memref<1x4096xf32, #tpu.memory_space<vmem>> -> memref<4096xf32, #tpu.memory_space<vmem>>
    %dma_wait3A_47 = arith.constant 0 : i32
    %dma_wait3A_48 = tpu.memref_slice %arg4[%dma_wait3A_47] : memref<2097152xf32, #tpu.memory_space<hbm>> -> memref<4096xf32, #tpu.memory_space<hbm>>
    tpu.wait_dma2 semaphore(%arg20 : memref<!tpu.dma_semaphore, #tpu.memory_space<semaphore_mem>>) src(%dma_wait3A_48 : memref<4096xf32, #tpu.memory_space<hbm>>) dst(%dma_wait3A_46 : memref<4096xf32, #tpu.memory_space<vmem>>)
    %mul3A_49 = arith.constant 65536 : i32
    %mul3A_50 = arith.muli %add3A, %mul3A_49 : i32
    %add3A_51 = arith.constant 4096 : i32
    %add3A_52 = arith.addi %mul3A_50, %add3A_51 : i32
    %dma_start3A_53 = arith.constant 1 : i32
    %dma_start3A_54 = arith.constant 0 : i32
    %dma_start3A_55 = tpu.memref_slice %arg7[%dma_start3A_53, %dma_start3A_54] : memref<2x4096xf32, #tpu.memory_space<vmem>> -> memref<1x4096xf32, #tpu.memory_space<vmem>>
    %dma_start3A_56 = tpu.memref_squeeze %dma_start3A_55 : memref<1x4096xf32, #tpu.memory_space<vmem>> -> memref<4096xf32, #tpu.memory_space<vmem>>
    %dma_start3A_57 = tpu.memref_slice %arg4[%add3A_52] : memref<2097152xf32, #tpu.memory_space<hbm>> -> memref<4096xf32, #tpu.memory_space<hbm>>
    %dma_start3A_58 = arith.constant 0 : i32
    %dma_start3A_59 = tpu.memref_slice %arg7[%dma_start3A_53, %dma_start3A_58] : memref<2x4096xf32, #tpu.memory_space<vmem>> -> memref<1x4096xf32, #tpu.memory_space<vmem>>
    %dma_start3A_60 = tpu.memref_squeeze %dma_start3A_59 : memref<1x4096xf32, #tpu.memory_space<vmem>> -> memref<4096xf32, #tpu.memory_space<vmem>>
    %dma_start3A_61 = tpu.memref_slice %arg4[%add3A_52] : memref<2097152xf32, #tpu.memory_space<hbm>> -> memref<4096xf32, #tpu.memory_space<hbm>>
    tpu.enqueue_dma source(%dma_start3A_61 : memref<4096xf32, #tpu.memory_space<hbm>>) target(%dma_start3A_60 : memref<4096xf32, #tpu.memory_space<vmem>>) target_semaphore(%arg20 : memref<!tpu.dma_semaphore, #tpu.memory_space<semaphore_mem>>)
    %dma_start3A_62 = arith.constant 1 : i32
    %dma_start3A_63 = arith.constant 0 : i32
    %dma_start3A_64 = tpu.memref_slice %arg8[%dma_start3A_62, %dma_start3A_63] : memref<2x4096xf32, #tpu.memory_space<vmem>> -> memref<1x4096xf32, #tpu.memory_space<vmem>>
    %dma_start3A_65 = tpu.memref_squeeze %dma_start3A_64 : memref<1x4096xf32, #tpu.memory_space<vmem>> -> memref<4096xf32, #tpu.memory_space<vmem>>
    %dma_start3A_66 = tpu.memref_slice %arg5[%add3A_52] : memref<2097152xf32, #tpu.memory_space<hbm>> -> memref<4096xf32, #tpu.memory_space<hbm>>
    %dma_start3A_67 = arith.constant 0 : i32
    %dma_start3A_68 = tpu.memref_slice %arg8[%dma_start3A_62, %dma_start3A_67] : memref<2x4096xf32, #tpu.memory_space<vmem>> -> memref<1x4096xf32, #tpu.memory_space<vmem>>
    %dma_start3A_69 = tpu.memref_squeeze %dma_start3A_68 : memref<1x4096xf32, #tpu.memory_space<vmem>> -> memref<4096xf32, #tpu.memory_space<vmem>>
    %dma_start3A_70 = tpu.memref_slice %arg5[%add3A_52] : memref<2097152xf32, #tpu.memory_space<hbm>> -> memref<4096xf32, #tpu.memory_space<hbm>>
    tpu.enqueue_dma source(%dma_start3A_70 : memref<4096xf32, #tpu.memory_space<hbm>>) target(%dma_start3A_69 : memref<4096xf32, #tpu.memory_space<vmem>>) target_semaphore(%arg20 : memref<!tpu.dma_semaphore, #tpu.memory_space<semaphore_mem>>)
    %scan3A = arith.constant 0 : i32
    %scan3A_71 = arith.constant 0 : i32
    %scan3A_72 = arith.constant 32 : i32
    %scan3A_73 = arith.addi %scan3A_71, %scan3A_72 : i32
    %scan3A_74 = arith.constant 1 : i32
    %scan3A_75 = scf.for %scan3A_178 = %scan3A_71 to %scan3A_73 step %scan3A_74 iter_args(%scan3A_179 = %scan3A) -> (i32)  : i32 {
      %mul3A_180 = arith.constant 8 : i32
      %mul3A_181 = arith.muli %scan3A_178, %mul3A_180 : i32
      %add3A_182 = arith.constant 1 : i32
      %add3A_183 = arith.addi %scan3A_178, %add3A_182 : i32
      %mul3A_184 = arith.constant 8 : i32
      %mul3A_185 = arith.muli %add3A_183, %mul3A_184 : i32
      %parallel_loop3A_186 = arith.constant 1 : i32
      scf.for %parallel_loop3A_214 = %mul3A_181 to %mul3A_185 step %parallel_loop3A_186  : i32 {
        %parallel_loop3A_215 = arith.constant 16 : i32
        %parallel_loop3A_216 = arith.muli %parallel_loop3A_214, %parallel_loop3A_215 : i32
        %parallel_loop3A_217 = arith.constant 0 : i32
        %parallel_loop3A_218 = arith.index_cast %parallel_loop3A_217 : i32 to index
        %parallel_loop3A_219 = arith.index_cast %parallel_loop3A_216 : i32 to index
        %parallel_loop3A_220 = tpu.vector_load %arg7[%parallel_loop3A_218, %parallel_loop3A_219] {strides = array<i32>} : memref<2x4096xf32, #tpu.memory_space<vmem>>, vector<1x16xf32>,
        %parallel_loop3A_221 = vector.shape_cast %parallel_loop3A_220 : vector<1x16xf32> to vector<16xf32>
        %parallel_loop3A_222 = arith.constant 0 : i32
        %parallel_loop3A_223 = arith.index_cast %parallel_loop3A_222 : i32 to index
        %parallel_loop3A_224 = arith.index_cast %parallel_loop3A_216 : i32 to index
        %parallel_loop3A_225 = tpu.vector_load %arg8[%parallel_loop3A_223, %parallel_loop3A_224] {strides = array<i32>} : memref<2x4096xf32, #tpu.memory_space<vmem>>, vector<1x16xf32>,
        %parallel_loop3A_226 = vector.shape_cast %parallel_loop3A_225 : vector<1x16xf32> to vector<16xf32>
        %parallel_loop3A_227 = arith.constant 0.000000e+00 : f32
        %parallel_loop3A_228 = vector.broadcast %parallel_loop3A_227 : f32 to vector<16xf32>
        %parallel_loop3A_229 = arith.maximumf %parallel_loop3A_221, %parallel_loop3A_228 : vector<16xf32>
        %parallel_loop3A_230 = arith.constant 5.110000e+02 : f32
        %parallel_loop3A_231 = vector.broadcast %parallel_loop3A_230 : f32 to vector<16xf32>
        %parallel_loop3A_232 = arith.minimumf %parallel_loop3A_229, %parallel_loop3A_231 : vector<16xf32>
        %parallel_loop3A_233 = arith.constant 0.000000e+00 : f32
        %parallel_loop3A_234 = vector.broadcast %parallel_loop3A_233 : f32 to vector<16xf32>
        %parallel_loop3A_235 = arith.maximumf %parallel_loop3A_226, %parallel_loop3A_234 : vector<16xf32>
        %parallel_loop3A_236 = arith.constant 5.110000e+02 : f32
        %parallel_loop3A_237 = vector.broadcast %parallel_loop3A_236 : f32 to vector<16xf32>
        %parallel_loop3A_238 = arith.minimumf %parallel_loop3A_235, %parallel_loop3A_237 : vector<16xf32>
        %parallel_loop3A_239 = arith.fptosi %parallel_loop3A_232 : vector<16xf32> to vector<16xi32>
        %parallel_loop3A_240 = arith.fptosi %parallel_loop3A_238 : vector<16xf32> to vector<16xi32>
        %parallel_loop3A_241 = arith.sitofp %parallel_loop3A_239 : vector<16xi32> to vector<16xf32>
        %parallel_loop3A_242 = arith.subf %parallel_loop3A_232, %parallel_loop3A_241 : vector<16xf32>
        %parallel_loop3A_243 = arith.sitofp %parallel_loop3A_240 : vector<16xi32> to vector<16xf32>
        %parallel_loop3A_244 = arith.subf %parallel_loop3A_238, %parallel_loop3A_243 : vector<16xf32>
        %parallel_loop3A_245 = arith.constant 1.000000e+00 : f32
        %parallel_loop3A_246 = vector.broadcast %parallel_loop3A_245 : f32 to vector<16xf32>
        %parallel_loop3A_247 = arith.subf %parallel_loop3A_246, %parallel_loop3A_242 : vector<16xf32>
        %parallel_loop3A_248 = arith.constant 1.000000e+00 : f32
        %parallel_loop3A_249 = vector.broadcast %parallel_loop3A_248 : f32 to vector<16xf32>
        %parallel_loop3A_250 = arith.subf %parallel_loop3A_249, %parallel_loop3A_244 : vector<16xf32>
        %parallel_loop3A_251 = arith.mulf %parallel_loop3A_247, %parallel_loop3A_250 : vector<16xf32>
        %parallel_loop3A_252 = arith.mulf %parallel_loop3A_242, %parallel_loop3A_250 : vector<16xf32>
        %parallel_loop3A_253 = arith.mulf %parallel_loop3A_247, %parallel_loop3A_244 : vector<16xf32>
        %parallel_loop3A_254 = arith.mulf %parallel_loop3A_242, %parallel_loop3A_244 : vector<16xf32>
        %parallel_loop3A_255 = arith.constant 9 : i32
        %parallel_loop3A_256 = vector.broadcast %parallel_loop3A_255 : i32 to vector<16xi32>
        %parallel_loop3A_257 = arith.shli %parallel_loop3A_240, %parallel_loop3A_256 : vector<16xi32>
        %parallel_loop3A_258 = vector.broadcast %shift_left3A_27 : i32 to vector<16xi32>
        %parallel_loop3A_259 = arith.addi %parallel_loop3A_258, %parallel_loop3A_257 : vector<16xi32>
        %parallel_loop3A_260 = arith.addi %parallel_loop3A_259, %parallel_loop3A_239 : vector<16xi32>
        %parallel_loop3A_261 = arith.constant 0 : i32
        %parallel_loop3A_262 = arith.index_cast %parallel_loop3A_261 : i32 to index
        %parallel_loop3A_263 = arith.index_cast %parallel_loop3A_216 : i32 to index
        %parallel_loop3A_264 = tpu.vector_load %arg9[%parallel_loop3A_262, %parallel_loop3A_263] {strides = array<i32>} : memref<2x4096xi32, #tpu.memory_space<vmem>>, vector<1x16xi32>,
        %parallel_loop3A_265 = vector.shape_cast %parallel_loop3A_264 : vector<1x16xi32> to vector<16xi32>
        %parallel_loop3A_266 = vector.shape_cast %parallel_loop3A_260 : vector<16xi32> to vector<1x16xi32>
        tpu.vector_store %arg9[%parallel_loop3A_262, %parallel_loop3A_263], %parallel_loop3A_266 {strides = array<i32>} : memref<2x4096xi32, #tpu.memory_space<vmem>>, vector<1x16xi32>,
        %parallel_loop3A_267 = arith.constant 0 : i32
        %parallel_loop3A_268 = arith.index_cast %parallel_loop3A_267 : i32 to index
        %parallel_loop3A_269 = arith.index_cast %parallel_loop3A_216 : i32 to index
        %parallel_loop3A_270 = tpu.vector_load %arg12[%parallel_loop3A_268, %parallel_loop3A_269] {strides = array<i32>} : memref<2x4096xf32, #tpu.memory_space<vmem>>, vector<1x16xf32>,
        %parallel_loop3A_271 = vector.shape_cast %parallel_loop3A_270 : vector<1x16xf32> to vector<16xf32>
        %parallel_loop3A_272 = vector.shape_cast %parallel_loop3A_251 : vector<16xf32> to vector<1x16xf32>
        tpu.vector_store %arg12[%parallel_loop3A_268, %parallel_loop3A_269], %parallel_loop3A_272 {strides = array<i32>} : memref<2x4096xf32, #tpu.memory_space<vmem>>, vector<1x16xf32>,
        %parallel_loop3A_273 = arith.constant 0 : i32
        %parallel_loop3A_274 = arith.index_cast %parallel_loop3A_273 : i32 to index
        %parallel_loop3A_275 = arith.index_cast %parallel_loop3A_216 : i32 to index
        %parallel_loop3A_276 = tpu.vector_load %arg13[%parallel_loop3A_274, %parallel_loop3A_275] {strides = array<i32>} : memref<2x4096xf32, #tpu.memory_space<vmem>>, vector<1x16xf32>,
        %parallel_loop3A_277 = vector.shape_cast %parallel_loop3A_276 : vector<1x16xf32> to vector<16xf32>
        %parallel_loop3A_278 = vector.shape_cast %parallel_loop3A_252 : vector<16xf32> to vector<1x16xf32>
        tpu.vector_store %arg13[%parallel_loop3A_274, %parallel_loop3A_275], %parallel_loop3A_278 {strides = array<i32>} : memref<2x4096xf32, #tpu.memory_space<vmem>>, vector<1x16xf32>,
        %parallel_loop3A_279 = arith.constant 0 : i32
        %parallel_loop3A_280 = arith.index_cast %parallel_loop3A_279 : i32 to index
        %parallel_loop3A_281 = arith.index_cast %parallel_loop3A_216 : i32 to index
        %parallel_loop3A_282 = tpu.vector_load %arg14[%parallel_loop3A_280, %parallel_loop3A_281] {strides = array<i32>} : memref<2x4096xf32, #tpu.memory_space<vmem>>, vector<1x16xf32>,
        %parallel_loop3A_283 = vector.shape_cast %parallel_loop3A_282 : vector<1x16xf32> to vector<16xf32>
        %parallel_loop3A_284 = vector.shape_cast %parallel_loop3A_253 : vector<16xf32> to vector<1x16xf32>
        tpu.vector_store %arg14[%parallel_loop3A_280, %parallel_loop3A_281], %parallel_loop3A_284 {strides = array<i32>} : memref<2x4096xf32, #tpu.memory_space<vmem>>, vector<1x16xf32>,
        %parallel_loop3A_285 = arith.constant 0 : i32
        %parallel_loop3A_286 = arith.index_cast %parallel_loop3A_285 : i32 to index
        %parallel_loop3A_287 = arith.index_cast %parallel_loop3A_216 : i32 to index
        %parallel_loop3A_288 = tpu.vector_load %arg15[%parallel_loop3A_286, %parallel_loop3A_287] {strides = array<i32>} : memref<2x4096xf32, #tpu.memory_space<vmem>>, vector<1x16xf32>,
        %parallel_loop3A_289 = vector.shape_cast %parallel_loop3A_288 : vector<1x16xf32> to vector<16xf32>
        %parallel_loop3A_290 = vector.shape_cast %parallel_loop3A_254 : vector<16xf32> to vector<1x16xf32>
        tpu.vector_store %arg15[%parallel_loop3A_286, %parallel_loop3A_287], %parallel_loop3A_290 {strides = array<i32>} : memref<2x4096xf32, #tpu.memory_space<vmem>>, vector<1x16xf32>,
      } {sc.loop_unroll_factor = 4 : i64, sc.parallel_access}
      %mul3A_187 = arith.constant 128 : i32
      %mul3A_188 = arith.muli %scan3A_178, %mul3A_187 : i32
      %dma_start3A_189 = arith.constant 0 : i32
      %dma_start3A_190 = arith.constant 0 : i32
      %dma_start3A_191 = arith.constant 0 : i32
      %dma_start3A_192 = tpu.memref_slice %arg10[%dma_start3A_190, %dma_start3A_191] : memref<2x4096xi32, #tpu.memory_space<vmem>> -> memref<1x4096xi32, #tpu.memory_space<vmem>>
      %dma_start3A_193 = tpu.memref_squeeze %dma_start3A_192 : memref<1x4096xi32, #tpu.memory_space<vmem>> -> memref<4096xi32, #tpu.memory_space<vmem>>
      %dma_start3A_194 = tpu.memref_slice %dma_start3A_193[%mul3A_188] : memref<4096xi32, #tpu.memory_space<vmem>> -> memref<128xi32, #tpu.memory_space<vmem>>
      %dma_start3A_195 = arith.constant 0 : i32
      %dma_start3A_196 = tpu.memref_slice %arg9[%dma_start3A_189, %dma_start3A_195] : memref<2x4096xi32, #tpu.memory_space<vmem>> -> memref<1x4096xi32, #tpu.memory_space<vmem>>
      %dma_start3A_197 = tpu.memref_squeeze %dma_start3A_196 : memref<1x4096xi32, #tpu.memory_space<vmem>> -> memref<4096xi32, #tpu.memory_space<vmem>>
      %dma_start3A_198 = tpu.memref_slice %dma_start3A_197[%mul3A_188] : memref<4096xi32, #tpu.memory_space<vmem>> -> memref<128xi32, #tpu.memory_space<vmem>>
      %dma_start3A_199 = arith.constant 0 : i32
      %dma_start3A_200 = tpu.memref_slice %arg2[%dma_start3A_199] : memref<2097152xi32, #tpu.memory_space<hbm>> -> memref<2097152xi32, #tpu.memory_space<hbm>>
      tpu.enqueue_indirect_dma source(%dma_start3A_200 : memref<2097152xi32, #tpu.memory_space<hbm>>) target(%dma_start3A_194 : memref<128xi32, #tpu.memory_space<vmem>>) offsets(%dma_start3A_198 : memref<128xi32, #tpu.memory_space<vmem>>) semaphore(%arg18 : memref<!tpu.dma_semaphore, #tpu.memory_space<semaphore_mem>>)
      %dma_start3A_201 = arith.constant 0 : i32
      %dma_start3A_202 = arith.constant 0 : i32
      %dma_start3A_203 = arith.constant 0 : i32
      %dma_start3A_204 = tpu.memref_slice %arg11[%dma_start3A_202, %dma_start3A_203] : memref<2x4096xi32, #tpu.memory_space<vmem>> -> memref<1x4096xi32, #tpu.memory_space<vmem>>
      %dma_start3A_205 = tpu.memref_squeeze %dma_start3A_204 : memref<1x4096xi32, #tpu.memory_space<vmem>> -> memref<4096xi32, #tpu.memory_space<vmem>>
      %dma_start3A_206 = tpu.memref_slice %dma_start3A_205[%mul3A_188] : memref<4096xi32, #tpu.memory_space<vmem>> -> memref<128xi32, #tpu.memory_space<vmem>>
      %dma_start3A_207 = arith.constant 0 : i32
      %dma_start3A_208 = tpu.memref_slice %arg9[%dma_start3A_201, %dma_start3A_207] : memref<2x4096xi32, #tpu.memory_space<vmem>> -> memref<1x4096xi32, #tpu.memory_space<vmem>>
      %dma_start3A_209 = tpu.memref_squeeze %dma_start3A_208 : memref<1x4096xi32, #tpu.memory_space<vmem>> -> memref<4096xi32, #tpu.memory_space<vmem>>
      %dma_start3A_210 = tpu.memref_slice %dma_start3A_209[%mul3A_188] : memref<4096xi32, #tpu.memory_space<vmem>> -> memref<128xi32, #tpu.memory_space<vmem>>
      %dma_start3A_211 = arith.constant 0 : i32
      %dma_start3A_212 = tpu.memref_slice %arg3[%dma_start3A_211] : memref<2097152xi32, #tpu.memory_space<hbm>> -> memref<2097152xi32, #tpu.memory_space<hbm>>
      tpu.enqueue_indirect_dma source(%dma_start3A_212 : memref<2097152xi32, #tpu.memory_space<hbm>>) target(%dma_start3A_206 : memref<128xi32, #tpu.memory_space<vmem>>) offsets(%dma_start3A_210 : memref<128xi32, #tpu.memory_space<vmem>>) semaphore(%arg18 : memref<!tpu.dma_semaphore, #tpu.memory_space<semaphore_mem>>)
      %scan3A_213 = arith.constant 0 : i32
      scf.yield %scan3A_213 : i32
    }
    %scan3A_76 = arith.constant 32 : i32
    %scan3A_77 = arith.constant 0 : i32
    %scan3A_78 = arith.constant 0 : i32
    %scan3A_79 = arith.constant 7 : i32
    %scan3A_80 = arith.addi %scan3A_78, %scan3A_79 : i32
    %scan3A_81 = arith.constant 1 : i32
    %scan3A_82 = scf.for %scan3A_178 = %scan3A_78 to %scan3A_80 step %scan3A_81 iter_args(%scan3A_179 = %scan3A_77) -> (i32)  : i32 {
      %mul3A_180 = arith.constant 2 : i32
      %mul3A_181 = arith.muli %mul3A_180, %scan3A_178 : i32
      %add3A_182 = arith.constant 1 : i32
      %add3A_183 = arith.addi %mul3A_181, %add3A_182 : i32
      %mul3A_184 = arith.constant 65536 : i32
      %mul3A_185 = arith.muli %add3A, %mul3A_184 : i32
      %mul3A_186 = arith.constant 4096 : i32
      %mul3A_187 = arith.muli %add3A_183, %mul3A_186 : i32
      %add3A_188 = arith.addi %mul3A_185, %mul3A_187 : i32
      %shift_right_arithmetic3A_189 = arith.constant 18 : i32
      %shift_right_arithmetic3A_190 = arith.shrsi %add3A_188, %shift_right_arithmetic3A_189 : i32
      %shift_left3A_191 = arith.constant 18 : i32
      %shift_left3A_192 = arith.shli %shift_right_arithmetic3A_190, %shift_left3A_191 : i32
      %dma_wait3A_193 = arith.constant 1 : i32
      %dma_wait3A_194 = arith.constant 0 : i32
      %dma_wait3A_195 = tpu.memref_slice %arg7[%dma_wait3A_193, %dma_wait3A_194] : memref<2x4096xf32, #tpu.memory_space<vmem>> -> memref<1x4096xf32, #tpu.memory_space<vmem>>
      %dma_wait3A_196 = tpu.memref_squeeze %dma_wait3A_195 : memref<1x4096xf32, #tpu.memory_space<vmem>> -> memref<4096xf32, #tpu.memory_space<vmem>>
      %dma_wait3A_197 = arith.constant 0 : i32
      %dma_wait3A_198 = tpu.memref_slice %arg4[%dma_wait3A_197] : memref<2097152xf32, #tpu.memory_space<hbm>> -> memref<4096xf32, #tpu.memory_space<hbm>>
      %dma_wait3A_199 = arith.constant 0 : i32
      %dma_wait3A_200 = tpu.memref_slice %arg7[%dma_wait3A_193, %dma_wait3A_199] : memref<2x4096xf32, #tpu.memory_space<vmem>> -> memref<1x4096xf32, #tpu.memory_space<vmem>>
      %dma_wait3A_201 = tpu.memref_squeeze %dma_wait3A_200 : memref<1x4096xf32, #tpu.memory_space<vmem>> -> memref<4096xf32, #tpu.memory_space<vmem>>
      %dma_wait3A_202 = arith.constant 0 : i32
      %dma_wait3A_203 = tpu.memref_slice %arg4[%dma_wait3A_202] : memref<2097152xf32, #tpu.memory_space<hbm>> -> memref<4096xf32, #tpu.memory_space<hbm>>
      tpu.wait_dma2 semaphore(%arg20 : memref<!tpu.dma_semaphore, #tpu.memory_space<semaphore_mem>>) src(%dma_wait3A_203 : memref<4096xf32, #tpu.memory_space<hbm>>) dst(%dma_wait3A_201 : memref<4096xf32, #tpu.memory_space<vmem>>)
      %dma_wait3A_204 = arith.constant 1 : i32
      %dma_wait3A_205 = arith.constant 0 : i32
      %dma_wait3A_206 = tpu.memref_slice %arg8[%dma_wait3A_204, %dma_wait3A_205] : memref<2x4096xf32, #tpu.memory_space<vmem>> -> memref<1x4096xf32, #tpu.memory_space<vmem>>
      %dma_wait3A_207 = tpu.memref_squeeze %dma_wait3A_206 : memref<1x4096xf32, #tpu.memory_space<vmem>> -> memref<4096xf32, #tpu.memory_space<vmem>>
      %dma_wait3A_208 = arith.constant 0 : i32
      %dma_wait3A_209 = tpu.memref_slice %arg4[%dma_wait3A_208] : memref<2097152xf32, #tpu.memory_space<hbm>> -> memref<4096xf32, #tpu.memory_space<hbm>>
      %dma_wait3A_210 = arith.constant 0 : i32
      %dma_wait3A_211 = tpu.memref_slice %arg8[%dma_wait3A_204, %dma_wait3A_210] : memref<2x4096xf32, #tpu.memory_space<vmem>> -> memref<1x4096xf32, #tpu.memory_space<vmem>>
      %dma_wait3A_212 = tpu.memref_squeeze %dma_wait3A_211 : memref<1x4096xf32, #tpu.memory_space<vmem>> -> memref<4096xf32, #tpu.memory_space<vmem>>
      %dma_wait3A_213 = arith.constant 0 : i32
      %dma_wait3A_214 = tpu.memref_slice %arg4[%dma_wait3A_213] : memref<2097152xf32, #tpu.memory_space<hbm>> -> memref<4096xf32, #tpu.memory_space<hbm>>
      tpu.wait_dma2 semaphore(%arg20 : memref<!tpu.dma_semaphore, #tpu.memory_space<semaphore_mem>>) src(%dma_wait3A_214 : memref<4096xf32, #tpu.memory_space<hbm>>) dst(%dma_wait3A_212 : memref<4096xf32, #tpu.memory_space<vmem>>)
      %add3A_215 = arith.constant 1 : i32
      %add3A_216 = arith.addi %add3A_183, %add3A_215 : i32
      %mul3A_217 = arith.constant 65536 : i32
      %mul3A_218 = arith.muli %add3A, %mul3A_217 : i32
      %mul3A_219 = arith.constant 4096 : i32
      %mul3A_220 = arith.muli %add3A_216, %mul3A_219 : i32
      %add3A_221 = arith.addi %mul3A_218, %mul3A_220 : i32
      %dma_start3A_222 = arith.constant 0 : i32
      %dma_start3A_223 = arith.constant 0 : i32
      %dma_start3A_224 = tpu.memref_slice %arg7[%dma_start3A_222, %dma_start3A_223] : memref<2x4096xf32, #tpu.memory_space<vmem>> -> memref<1x4096xf32, #tpu.memory_space<vmem>>
      %dma_start3A_225 = tpu.memref_squeeze %dma_start3A_224 : memref<1x4096xf32, #tpu.memory_space<vmem>> -> memref<4096xf32, #tpu.memory_space<vmem>>
      %dma_start3A_226 = tpu.memref_slice %arg4[%add3A_221] : memref<2097152xf32, #tpu.memory_space<hbm>> -> memref<4096xf32, #tpu.memory_space<hbm>>
      %dma_start3A_227 = arith.constant 0 : i32
      %dma_start3A_228 = tpu.memref_slice %arg7[%dma_start3A_222, %dma_start3A_227] : memref<2x4096xf32, #tpu.memory_space<vmem>> -> memref<1x4096xf32, #tpu.memory_space<vmem>>
      %dma_start3A_229 = tpu.memref_squeeze %dma_start3A_228 : memref<1x4096xf32, #tpu.memory_space<vmem>> -> memref<4096xf32, #tpu.memory_space<vmem>>
      %dma_start3A_230 = tpu.memref_slice %arg4[%add3A_221] : memref<2097152xf32, #tpu.memory_space<hbm>> -> memref<4096xf32, #tpu.memory_space<hbm>>
      tpu.enqueue_dma source(%dma_start3A_230 : memref<4096xf32, #tpu.memory_space<hbm>>) target(%dma_start3A_229 : memref<4096xf32, #tpu.memory_space<vmem>>) target_semaphore(%arg20 : memref<!tpu.dma_semaphore, #tpu.memory_space<semaphore_mem>>)
      %dma_start3A_231 = arith.constant 0 : i32
      %dma_start3A_232 = arith.constant 0 : i32
      %dma_start3A_233 = tpu.memref_slice %arg8[%dma_start3A_231, %dma_start3A_232] : memref<2x4096xf32, #tpu.memory_space<vmem>> -> memref<1x4096xf32, #tpu.memory_space<vmem>>
      %dma_start3A_234 = tpu.memref_squeeze %dma_start3A_233 : memref<1x4096xf32, #tpu.memory_space<vmem>> -> memref<4096xf32, #tpu.memory_space<vmem>>
      %dma_start3A_235 = tpu.memref_slice %arg5[%add3A_221] : memref<2097152xf32, #tpu.memory_space<hbm>> -> memref<4096xf32, #tpu.memory_space<hbm>>
      %dma_start3A_236 = arith.constant 0 : i32
      %dma_start3A_237 = tpu.memref_slice %arg8[%dma_start3A_231, %dma_start3A_236] : memref<2x4096xf32, #tpu.memory_space<vmem>> -> memref<1x4096xf32, #tpu.memory_space<vmem>>
      %dma_start3A_238 = tpu.memref_squeeze %dma_start3A_237 : memref<1x4096xf32, #tpu.memory_space<vmem>> -> memref<4096xf32, #tpu.memory_space<vmem>>
      %dma_start3A_239 = tpu.memref_slice %arg5[%add3A_221] : memref<2097152xf32, #tpu.memory_space<hbm>> -> memref<4096xf32, #tpu.memory_space<hbm>>
      tpu.enqueue_dma source(%dma_start3A_239 : memref<4096xf32, #tpu.memory_space<hbm>>) target(%dma_start3A_238 : memref<4096xf32, #tpu.memory_space<vmem>>) target_semaphore(%arg20 : memref<!tpu.dma_semaphore, #tpu.memory_space<semaphore_mem>>)
      %scan3A_240 = arith.constant 0 : i32
      %scan3A_241 = arith.constant 0 : i32
      %scan3A_242 = arith.constant 32 : i32
      %scan3A_243 = arith.addi %scan3A_241, %scan3A_242 : i32
      %scan3A_244 = arith.constant 1 : i32
      %scan3A_245 = scf.for %scan3A_374 = %scan3A_241 to %scan3A_243 step %scan3A_244 iter_args(%scan3A_375 = %scan3A_240) -> (i32)  : i32 {
        %mul3A_376 = arith.constant 8 : i32
        %mul3A_377 = arith.muli %scan3A_374, %mul3A_376 : i32
        %add3A_378 = arith.constant 1 : i32
        %add3A_379 = arith.addi %scan3A_374, %add3A_378 : i32
        %mul3A_380 = arith.constant 8 : i32
        %mul3A_381 = arith.muli %add3A_379, %mul3A_380 : i32
        %parallel_loop3A_382 = arith.constant 1 : i32
        scf.for %parallel_loop3A_410 = %mul3A_377 to %mul3A_381 step %parallel_loop3A_382  : i32 {
          %parallel_loop3A_411 = arith.constant 16 : i32
          %parallel_loop3A_412 = arith.muli %parallel_loop3A_410, %parallel_loop3A_411 : i32
          %parallel_loop3A_413 = arith.constant 1 : i32
          %parallel_loop3A_414 = arith.index_cast %parallel_loop3A_413 : i32 to index
          %parallel_loop3A_415 = arith.index_cast %parallel_loop3A_412 : i32 to index
          %parallel_loop3A_416 = tpu.vector_load %arg7[%parallel_loop3A_414, %parallel_loop3A_415] {strides = array<i32>} : memref<2x4096xf32, #tpu.memory_space<vmem>>, vector<1x16xf32>,
          %parallel_loop3A_417 = vector.shape_cast %parallel_loop3A_416 : vector<1x16xf32> to vector<16xf32>
          %parallel_loop3A_418 = arith.constant 1 : i32
          %parallel_loop3A_419 = arith.index_cast %parallel_loop3A_418 : i32 to index
          %parallel_loop3A_420 = arith.index_cast %parallel_loop3A_412 : i32 to index
          %parallel_loop3A_421 = tpu.vector_load %arg8[%parallel_loop3A_419, %parallel_loop3A_420] {strides = array<i32>} : memref<2x4096xf32, #tpu.memory_space<vmem>>, vector<1x16xf32>,
          %parallel_loop3A_422 = vector.shape_cast %parallel_loop3A_421 : vector<1x16xf32> to vector<16xf32>
          %parallel_loop3A_423 = arith.constant 0.000000e+00 : f32
          %parallel_loop3A_424 = vector.broadcast %parallel_loop3A_423 : f32 to vector<16xf32>
          %parallel_loop3A_425 = arith.maximumf %parallel_loop3A_417, %parallel_loop3A_424 : vector<16xf32>
          %parallel_loop3A_426 = arith.constant 5.110000e+02 : f32
          %parallel_loop3A_427 = vector.broadcast %parallel_loop3A_426 : f32 to vector<16xf32>
          %parallel_loop3A_428 = arith.minimumf %parallel_loop3A_425, %parallel_loop3A_427 : vector<16xf32>
          %parallel_loop3A_429 = arith.constant 0.000000e+00 : f32
          %parallel_loop3A_430 = vector.broadcast %parallel_loop3A_429 : f32 to vector<16xf32>
          %parallel_loop3A_431 = arith.maximumf %parallel_loop3A_422, %parallel_loop3A_430 : vector<16xf32>
          %parallel_loop3A_432 = arith.constant 5.110000e+02 : f32
          %parallel_loop3A_433 = vector.broadcast %parallel_loop3A_432 : f32 to vector<16xf32>
          %parallel_loop3A_434 = arith.minimumf %parallel_loop3A_431, %parallel_loop3A_433 : vector<16xf32>
          %parallel_loop3A_435 = arith.fptosi %parallel_loop3A_428 : vector<16xf32> to vector<16xi32>
          %parallel_loop3A_436 = arith.fptosi %parallel_loop3A_434 : vector<16xf32> to vector<16xi32>
          %parallel_loop3A_437 = arith.sitofp %parallel_loop3A_435 : vector<16xi32> to vector<16xf32>
          %parallel_loop3A_438 = arith.subf %parallel_loop3A_428, %parallel_loop3A_437 : vector<16xf32>
          %parallel_loop3A_439 = arith.sitofp %parallel_loop3A_436 : vector<16xi32> to vector<16xf32>
          %parallel_loop3A_440 = arith.subf %parallel_loop3A_434, %parallel_loop3A_439 : vector<16xf32>
          %parallel_loop3A_441 = arith.constant 1.000000e+00 : f32
          %parallel_loop3A_442 = vector.broadcast %parallel_loop3A_441 : f32 to vector<16xf32>
          %parallel_loop3A_443 = arith.subf %parallel_loop3A_442, %parallel_loop3A_438 : vector<16xf32>
          %parallel_loop3A_444 = arith.constant 1.000000e+00 : f32
          %parallel_loop3A_445 = vector.broadcast %parallel_loop3A_444 : f32 to vector<16xf32>
          %parallel_loop3A_446 = arith.subf %parallel_loop3A_445, %parallel_loop3A_440 : vector<16xf32>
          %parallel_loop3A_447 = arith.mulf %parallel_loop3A_443, %parallel_loop3A_446 : vector<16xf32>
          %parallel_loop3A_448 = arith.mulf %parallel_loop3A_438, %parallel_loop3A_446 : vector<16xf32>
          %parallel_loop3A_449 = arith.mulf %parallel_loop3A_443, %parallel_loop3A_440 : vector<16xf32>
          %parallel_loop3A_450 = arith.mulf %parallel_loop3A_438, %parallel_loop3A_440 : vector<16xf32>
          %parallel_loop3A_451 = arith.constant 9 : i32
          %parallel_loop3A_452 = vector.broadcast %parallel_loop3A_451 : i32 to vector<16xi32>
          %parallel_loop3A_453 = arith.shli %parallel_loop3A_436, %parallel_loop3A_452 : vector<16xi32>
          %parallel_loop3A_454 = vector.broadcast %shift_left3A_192 : i32 to vector<16xi32>
          %parallel_loop3A_455 = arith.addi %parallel_loop3A_454, %parallel_loop3A_453 : vector<16xi32>
          %parallel_loop3A_456 = arith.addi %parallel_loop3A_455, %parallel_loop3A_435 : vector<16xi32>
          %parallel_loop3A_457 = arith.constant 1 : i32
          %parallel_loop3A_458 = arith.index_cast %parallel_loop3A_457 : i32 to index
          %parallel_loop3A_459 = arith.index_cast %parallel_loop3A_412 : i32 to index
          %parallel_loop3A_460 = tpu.vector_load %arg9[%parallel_loop3A_458, %parallel_loop3A_459] {strides = array<i32>} : memref<2x4096xi32, #tpu.memory_space<vmem>>, vector<1x16xi32>,
          %parallel_loop3A_461 = vector.shape_cast %parallel_loop3A_460 : vector<1x16xi32> to vector<16xi32>
          %parallel_loop3A_462 = vector.shape_cast %parallel_loop3A_456 : vector<16xi32> to vector<1x16xi32>
          tpu.vector_store %arg9[%parallel_loop3A_458, %parallel_loop3A_459], %parallel_loop3A_462 {strides = array<i32>} : memref<2x4096xi32, #tpu.memory_space<vmem>>, vector<1x16xi32>,
          %parallel_loop3A_463 = arith.constant 1 : i32
          %parallel_loop3A_464 = arith.index_cast %parallel_loop3A_463 : i32 to index
          %parallel_loop3A_465 = arith.index_cast %parallel_loop3A_412 : i32 to index
          %parallel_loop3A_466 = tpu.vector_load %arg12[%parallel_loop3A_464, %parallel_loop3A_465] {strides = array<i32>} : memref<2x4096xf32, #tpu.memory_space<vmem>>, vector<1x16xf32>,
          %parallel_loop3A_467 = vector.shape_cast %parallel_loop3A_466 : vector<1x16xf32> to vector<16xf32>
          %parallel_loop3A_468 = vector.shape_cast %parallel_loop3A_447 : vector<16xf32> to vector<1x16xf32>
          tpu.vector_store %arg12[%parallel_loop3A_464, %parallel_loop3A_465], %parallel_loop3A_468 {strides = array<i32>} : memref<2x4096xf32, #tpu.memory_space<vmem>>, vector<1x16xf32>,
          %parallel_loop3A_469 = arith.constant 1 : i32
          %parallel_loop3A_470 = arith.index_cast %parallel_loop3A_469 : i32 to index
          %parallel_loop3A_471 = arith.index_cast %parallel_loop3A_412 : i32 to index
          %parallel_loop3A_472 = tpu.vector_load %arg13[%parallel_loop3A_470, %parallel_loop3A_471] {strides = array<i32>} : memref<2x4096xf32, #tpu.memory_space<vmem>>, vector<1x16xf32>,
          %parallel_loop3A_473 = vector.shape_cast %parallel_loop3A_472 : vector<1x16xf32> to vector<16xf32>
          %parallel_loop3A_474 = vector.shape_cast %parallel_loop3A_448 : vector<16xf32> to vector<1x16xf32>
          tpu.vector_store %arg13[%parallel_loop3A_470, %parallel_loop3A_471], %parallel_loop3A_474 {strides = array<i32>} : memref<2x4096xf32, #tpu.memory_space<vmem>>, vector<1x16xf32>,
          %parallel_loop3A_475 = arith.constant 1 : i32
          %parallel_loop3A_476 = arith.index_cast %parallel_loop3A_475 : i32 to index
          %parallel_loop3A_477 = arith.index_cast %parallel_loop3A_412 : i32 to index
          %parallel_loop3A_478 = tpu.vector_load %arg14[%parallel_loop3A_476, %parallel_loop3A_477] {strides = array<i32>} : memref<2x4096xf32, #tpu.memory_space<vmem>>, vector<1x16xf32>,
          %parallel_loop3A_479 = vector.shape_cast %parallel_loop3A_478 : vector<1x16xf32> to vector<16xf32>
          %parallel_loop3A_480 = vector.shape_cast %parallel_loop3A_449 : vector<16xf32> to vector<1x16xf32>
          tpu.vector_store %arg14[%parallel_loop3A_476, %parallel_loop3A_477], %parallel_loop3A_480 {strides = array<i32>} : memref<2x4096xf32, #tpu.memory_space<vmem>>, vector<1x16xf32>,
          %parallel_loop3A_481 = arith.constant 1 : i32
          %parallel_loop3A_482 = arith.index_cast %parallel_loop3A_481 : i32 to index
          %parallel_loop3A_483 = arith.index_cast %parallel_loop3A_412 : i32 to index
          %parallel_loop3A_484 = tpu.vector_load %arg15[%parallel_loop3A_482, %parallel_loop3A_483] {strides = array<i32>} : memref<2x4096xf32, #tpu.memory_space<vmem>>, vector<1x16xf32>,
          %parallel_loop3A_485 = vector.shape_cast %parallel_loop3A_484 : vector<1x16xf32> to vector<16xf32>
          %parallel_loop3A_486 = vector.shape_cast %parallel_loop3A_450 : vector<16xf32> to vector<1x16xf32>
          tpu.vector_store %arg15[%parallel_loop3A_482, %parallel_loop3A_483], %parallel_loop3A_486 {strides = array<i32>} : memref<2x4096xf32, #tpu.memory_space<vmem>>, vector<1x16xf32>,
        } {sc.loop_unroll_factor = 4 : i64, sc.parallel_access}
        %mul3A_383 = arith.constant 128 : i32
        %mul3A_384 = arith.muli %scan3A_374, %mul3A_383 : i32
        %dma_start3A_385 = arith.constant 1 : i32
        %dma_start3A_386 = arith.constant 1 : i32
        %dma_start3A_387 = arith.constant 0 : i32
        %dma_start3A_388 = tpu.memref_slice %arg10[%dma_start3A_386, %dma_start3A_387] : memref<2x4096xi32, #tpu.memory_space<vmem>> -> memref<1x4096xi32, #tpu.memory_space<vmem>>
        %dma_start3A_389 = tpu.memref_squeeze %dma_start3A_388 : memref<1x4096xi32, #tpu.memory_space<vmem>> -> memref<4096xi32, #tpu.memory_space<vmem>>
        %dma_start3A_390 = tpu.memref_slice %dma_start3A_389[%mul3A_384] : memref<4096xi32, #tpu.memory_space<vmem>> -> memref<128xi32, #tpu.memory_space<vmem>>
        %dma_start3A_391 = arith.constant 0 : i32
        %dma_start3A_392 = tpu.memref_slice %arg9[%dma_start3A_385, %dma_start3A_391] : memref<2x4096xi32, #tpu.memory_space<vmem>> -> memref<1x4096xi32, #tpu.memory_space<vmem>>
        %dma_start3A_393 = tpu.memref_squeeze %dma_start3A_392 : memref<1x4096xi32, #tpu.memory_space<vmem>> -> memref<4096xi32, #tpu.memory_space<vmem>>
        %dma_start3A_394 = tpu.memref_slice %dma_start3A_393[%mul3A_384] : memref<4096xi32, #tpu.memory_space<vmem>> -> memref<128xi32, #tpu.memory_space<vmem>>
        %dma_start3A_395 = arith.constant 0 : i32
        %dma_start3A_396 = tpu.memref_slice %arg2[%dma_start3A_395] : memref<2097152xi32, #tpu.memory_space<hbm>> -> memref<2097152xi32, #tpu.memory_space<hbm>>
        tpu.enqueue_indirect_dma source(%dma_start3A_396 : memref<2097152xi32, #tpu.memory_space<hbm>>) target(%dma_start3A_390 : memref<128xi32, #tpu.memory_space<vmem>>) offsets(%dma_start3A_394 : memref<128xi32, #tpu.memory_space<vmem>>) semaphore(%arg19 : memref<!tpu.dma_semaphore, #tpu.memory_space<semaphore_mem>>)
        %dma_start3A_397 = arith.constant 1 : i32
        %dma_start3A_398 = arith.constant 1 : i32
        %dma_start3A_399 = arith.constant 0 : i32
        %dma_start3A_400 = tpu.memref_slice %arg11[%dma_start3A_398, %dma_start3A_399] : memref<2x4096xi32, #tpu.memory_space<vmem>> -> memref<1x4096xi32, #tpu.memory_space<vmem>>
        %dma_start3A_401 = tpu.memref_squeeze %dma_start3A_400 : memref<1x4096xi32, #tpu.memory_space<vmem>> -> memref<4096xi32, #tpu.memory_space<vmem>>
        %dma_start3A_402 = tpu.memref_slice %dma_start3A_401[%mul3A_384] : memref<4096xi32, #tpu.memory_space<vmem>> -> memref<128xi32, #tpu.memory_space<vmem>>
        %dma_start3A_403 = arith.constant 0 : i32
        %dma_start3A_404 = tpu.memref_slice %arg9[%dma_start3A_397, %dma_start3A_403] : memref<2x4096xi32, #tpu.memory_space<vmem>> -> memref<1x4096xi32, #tpu.memory_space<vmem>>
        %dma_start3A_405 = tpu.memref_squeeze %dma_start3A_404 : memref<1x4096xi32, #tpu.memory_space<vmem>> -> memref<4096xi32, #tpu.memory_space<vmem>>
        %dma_start3A_406 = tpu.memref_slice %dma_start3A_405[%mul3A_384] : memref<4096xi32, #tpu.memory_space<vmem>> -> memref<128xi32, #tpu.memory_space<vmem>>
        %dma_start3A_407 = arith.constant 0 : i32
        %dma_start3A_408 = tpu.memref_slice %arg3[%dma_start3A_407] : memref<2097152xi32, #tpu.memory_space<hbm>> -> memref<2097152xi32, #tpu.memory_space<hbm>>
        tpu.enqueue_indirect_dma source(%dma_start3A_408 : memref<2097152xi32, #tpu.memory_space<hbm>>) target(%dma_start3A_402 : memref<128xi32, #tpu.memory_space<vmem>>) offsets(%dma_start3A_406 : memref<128xi32, #tpu.memory_space<vmem>>) semaphore(%arg19 : memref<!tpu.dma_semaphore, #tpu.memory_space<semaphore_mem>>)
        %scan3A_409 = arith.constant 0 : i32
        scf.yield %scan3A_409 : i32
      }
      %scan3A_246 = arith.constant 32 : i32
      %sub3A = arith.constant 1 : i32
      %sub3A_247 = arith.subi %add3A_183, %sub3A : i32
      %mul3A_248 = arith.constant 65536 : i32
      %mul3A_249 = arith.muli %add3A, %mul3A_248 : i32
      %mul3A_250 = arith.constant 4096 : i32
      %mul3A_251 = arith.muli %sub3A_247, %mul3A_250 : i32
      %add3A_252 = arith.addi %mul3A_249, %mul3A_251 : i32
      %dma_wait3A_253 = arith.constant 0 : i32
      %dma_wait3A_254 = arith.constant 0 : i32
      %dma_wait3A_255 = tpu.memref_slice %arg10[%dma_wait3A_253, %dma_wait3A_254] : memref<2x4096xi32, #tpu.memory_space<vmem>> -> memref<1x4096xi32, #tpu.memory_space<vmem>>
      %dma_wait3A_256 = tpu.memref_squeeze %dma_wait3A_255 : memref<1x4096xi32, #tpu.memory_space<vmem>> -> memref<4096xi32, #tpu.memory_space<vmem>>
      %dma_wait3A_257 = arith.constant 0 : i32
      %dma_wait3A_258 = tpu.memref_slice %arg2[%dma_wait3A_257] : memref<2097152xi32, #tpu.memory_space<hbm>> -> memref<4096xi32, #tpu.memory_space<hbm>>
      %dma_wait3A_259 = arith.constant 0 : i32
      %dma_wait3A_260 = tpu.memref_slice %arg10[%dma_wait3A_253, %dma_wait3A_259] : memref<2x4096xi32, #tpu.memory_space<vmem>> -> memref<1x4096xi32, #tpu.memory_space<vmem>>
      %dma_wait3A_261 = tpu.memref_squeeze %dma_wait3A_260 : memref<1x4096xi32, #tpu.memory_space<vmem>> -> memref<4096xi32, #tpu.memory_space<vmem>>
      %dma_wait3A_262 = arith.constant 0 : i32
      %dma_wait3A_263 = tpu.memref_slice %arg2[%dma_wait3A_262] : memref<2097152xi32, #tpu.memory_space<hbm>> -> memref<4096xi32, #tpu.memory_space<hbm>>
      tpu.wait_dma2 semaphore(%arg18 : memref<!tpu.dma_semaphore, #tpu.memory_space<semaphore_mem>>) src(%dma_wait3A_263 : memref<4096xi32, #tpu.memory_space<hbm>>) dst(%dma_wait3A_261 : memref<4096xi32, #tpu.memory_space<vmem>>)
      %dma_wait3A_264 = arith.constant 0 : i32
      %dma_wait3A_265 = arith.constant 0 : i32
      %dma_wait3A_266 = tpu.memref_slice %arg11[%dma_wait3A_264, %dma_wait3A_265] : memref<2x4096xi32, #tpu.memory_space<vmem>> -> memref<1x4096xi32, #tpu.memory_space<vmem>>
      %dma_wait3A_267 = tpu.memref_squeeze %dma_wait3A_266 : memref<1x4096xi32, #tpu.memory_space<vmem>> -> memref<4096xi32, #tpu.memory_space<vmem>>
      %dma_wait3A_268 = arith.constant 0 : i32
      %dma_wait3A_269 = tpu.memref_slice %arg2[%dma_wait3A_268] : memref<2097152xi32, #tpu.memory_space<hbm>> -> memref<4096xi32, #tpu.memory_space<hbm>>
      %dma_wait3A_270 = arith.constant 0 : i32
      %dma_wait3A_271 = tpu.memref_slice %arg11[%dma_wait3A_264, %dma_wait3A_270] : memref<2x4096xi32, #tpu.memory_space<vmem>> -> memref<1x4096xi32, #tpu.memory_space<vmem>>
      %dma_wait3A_272 = tpu.memref_squeeze %dma_wait3A_271 : memref<1x4096xi32, #tpu.memory_space<vmem>> -> memref<4096xi32, #tpu.memory_space<vmem>>
      %dma_wait3A_273 = arith.constant 0 : i32
      %dma_wait3A_274 = tpu.memref_slice %arg2[%dma_wait3A_273] : memref<2097152xi32, #tpu.memory_space<hbm>> -> memref<4096xi32, #tpu.memory_space<hbm>>
      tpu.wait_dma2 semaphore(%arg18 : memref<!tpu.dma_semaphore, #tpu.memory_space<semaphore_mem>>) src(%dma_wait3A_274 : memref<4096xi32, #tpu.memory_space<hbm>>) dst(%dma_wait3A_272 : memref<4096xi32, #tpu.memory_space<vmem>>)
      %parallel_loop3A_275 = arith.constant 0 : i32
      %parallel_loop3A_276 = arith.constant 256 : i32
      %parallel_loop3A_277 = arith.constant 1 : i32
      scf.for %parallel_loop3A_374 = %parallel_loop3A_275 to %parallel_loop3A_276 step %parallel_loop3A_277  : i32 {
        %parallel_loop3A_375 = arith.constant 16 : i32
        %parallel_loop3A_376 = arith.muli %parallel_loop3A_374, %parallel_loop3A_375 : i32
        %parallel_loop3A_377 = arith.constant 0 : i32
        %parallel_loop3A_378 = arith.index_cast %parallel_loop3A_377 : i32 to index
        %parallel_loop3A_379 = arith.index_cast %parallel_loop3A_376 : i32 to index
        %parallel_loop3A_380 = tpu.vector_load %arg10[%parallel_loop3A_378, %parallel_loop3A_379] {strides = array<i32>} : memref<2x4096xi32, #tpu.memory_space<vmem>>, vector<1x16xi32>,
        %parallel_loop3A_381 = vector.shape_cast %parallel_loop3A_380 : vector<1x16xi32> to vector<16xi32>
        %parallel_loop3A_382 = arith.constant 16 : i32
        %parallel_loop3A_383 = vector.broadcast %parallel_loop3A_382 : i32 to vector<16xi32>
        %parallel_loop3A_384 = arith.shli %parallel_loop3A_381, %parallel_loop3A_383 : vector<16xi32>
        %parallel_loop3A_385 = arith.constant 0 : i32
        %parallel_loop3A_386 = arith.index_cast %parallel_loop3A_385 : i32 to index
        %parallel_loop3A_387 = arith.index_cast %parallel_loop3A_376 : i32 to index
        %parallel_loop3A_388 = tpu.vector_load %arg17[%parallel_loop3A_386, %parallel_loop3A_387] {strides = array<i32>} : memref<2x4096xi32, #tpu.memory_space<vmem>>, vector<1x16xi32>,
        %parallel_loop3A_389 = vector.shape_cast %parallel_loop3A_388 : vector<1x16xi32> to vector<16xi32>
        %parallel_loop3A_390 = vector.shape_cast %parallel_loop3A_384 : vector<16xi32> to vector<1x16xi32>
        tpu.vector_store %arg17[%parallel_loop3A_386, %parallel_loop3A_387], %parallel_loop3A_390 {strides = array<i32>} : memref<2x4096xi32, #tpu.memory_space<vmem>>, vector<1x16xi32>,
        %parallel_loop3A_391 = arith.constant 0 : i32
        %parallel_loop3A_392 = arith.index_cast %parallel_loop3A_391 : i32 to index
        %parallel_loop3A_393 = arith.index_cast %parallel_loop3A_376 : i32 to index
        %parallel_loop3A_394 = tpu.vector_load %arg11[%parallel_loop3A_392, %parallel_loop3A_393] {strides = array<i32>} : memref<2x4096xi32, #tpu.memory_space<vmem>>, vector<1x16xi32>,
        %parallel_loop3A_395 = vector.shape_cast %parallel_loop3A_394 : vector<1x16xi32> to vector<16xi32>
        %parallel_loop3A_396 = arith.constant 16 : i32
        %parallel_loop3A_397 = vector.broadcast %parallel_loop3A_396 : i32 to vector<16xi32>
        %parallel_loop3A_398 = arith.shli %parallel_loop3A_395, %parallel_loop3A_397 : vector<16xi32>
        %parallel_loop3A_399 = arith.constant 1 : i32
        %parallel_loop3A_400 = arith.index_cast %parallel_loop3A_399 : i32 to index
        %parallel_loop3A_401 = arith.index_cast %parallel_loop3A_376 : i32 to index
        %parallel_loop3A_402 = tpu.vector_load %arg17[%parallel_loop3A_400, %parallel_loop3A_401] {strides = array<i32>} : memref<2x4096xi32, #tpu.memory_space<vmem>>, vector<1x16xi32>,
        %parallel_loop3A_403 = vector.shape_cast %parallel_loop3A_402 : vector<1x16xi32> to vector<16xi32>
        %parallel_loop3A_404 = vector.shape_cast %parallel_loop3A_398 : vector<16xi32> to vector<1x16xi32>
        tpu.vector_store %arg17[%parallel_loop3A_400, %parallel_loop3A_401], %parallel_loop3A_404 {strides = array<i32>} : memref<2x4096xi32, #tpu.memory_space<vmem>>, vector<1x16xi32>,
        %parallel_loop3A_405 = arith.constant 0 : i32
        %parallel_loop3A_406 = arith.index_cast %parallel_loop3A_405 : i32 to index
        %parallel_loop3A_407 = arith.index_cast %parallel_loop3A_376 : i32 to index
        %parallel_loop3A_408 = tpu.vector_load %arg12[%parallel_loop3A_406, %parallel_loop3A_407] {strides = array<i32>} : memref<2x4096xf32, #tpu.memory_space<vmem>>, vector<1x16xf32>,
        %parallel_loop3A_409 = vector.shape_cast %parallel_loop3A_408 : vector<1x16xf32> to vector<16xf32>
        %parallel_loop3A_410 = arith.constant 0 : i32
        %parallel_loop3A_411 = tpu.memref_bitcast %arg17 : memref<2x4096xi32, #tpu.memory_space<vmem>> -> memref<2x4096xf32, #tpu.memory_space<vmem>>
        %parallel_loop3A_412 = arith.index_cast %parallel_loop3A_410 : i32 to index
        %parallel_loop3A_413 = arith.index_cast %parallel_loop3A_376 : i32 to index
        %parallel_loop3A_414 = tpu.vector_load %parallel_loop3A_411[%parallel_loop3A_412, %parallel_loop3A_413] {strides = array<i32>} : memref<2x4096xf32, #tpu.memory_space<vmem>>, vector<1x16xf32>,
        %parallel_loop3A_415 = vector.shape_cast %parallel_loop3A_414 : vector<1x16xf32> to vector<16xf32>
        %parallel_loop3A_416 = arith.mulf %parallel_loop3A_409, %parallel_loop3A_415 : vector<16xf32>
        %parallel_loop3A_417 = arith.constant 0 : i32
        %parallel_loop3A_418 = arith.index_cast %parallel_loop3A_417 : i32 to index
        %parallel_loop3A_419 = arith.index_cast %parallel_loop3A_376 : i32 to index
        %parallel_loop3A_420 = tpu.vector_load %arg13[%parallel_loop3A_418, %parallel_loop3A_419] {strides = array<i32>} : memref<2x4096xf32, #tpu.memory_space<vmem>>, vector<1x16xf32>,
        %parallel_loop3A_421 = vector.shape_cast %parallel_loop3A_420 : vector<1x16xf32> to vector<16xf32>
        %parallel_loop3A_422 = arith.constant 0 : i32
        %parallel_loop3A_423 = tpu.memref_bitcast %arg10 : memref<2x4096xi32, #tpu.memory_space<vmem>> -> memref<2x4096xf32, #tpu.memory_space<vmem>>
        %parallel_loop3A_424 = arith.index_cast %parallel_loop3A_422 : i32 to index
        %parallel_loop3A_425 = arith.index_cast %parallel_loop3A_376 : i32 to index
        %parallel_loop3A_426 = tpu.vector_load %parallel_loop3A_423[%parallel_loop3A_424, %parallel_loop3A_425] {strides = array<i32>} : memref<2x4096xf32, #tpu.memory_space<vmem>>, vector<1x16xf32>,
        %parallel_loop3A_427 = vector.shape_cast %parallel_loop3A_426 : vector<1x16xf32> to vector<16xf32>
        %parallel_loop3A_428 = arith.mulf %parallel_loop3A_421, %parallel_loop3A_427 : vector<16xf32>
        %parallel_loop3A_429 = arith.addf %parallel_loop3A_416, %parallel_loop3A_428 : vector<16xf32>
        %parallel_loop3A_430 = arith.constant 0 : i32
        %parallel_loop3A_431 = arith.index_cast %parallel_loop3A_430 : i32 to index
        %parallel_loop3A_432 = arith.index_cast %parallel_loop3A_376 : i32 to index
        %parallel_loop3A_433 = tpu.vector_load %arg14[%parallel_loop3A_431, %parallel_loop3A_432] {strides = array<i32>} : memref<2x4096xf32, #tpu.memory_space<vmem>>, vector<1x16xf32>,
        %parallel_loop3A_434 = vector.shape_cast %parallel_loop3A_433 : vector<1x16xf32> to vector<16xf32>
        %parallel_loop3A_435 = arith.constant 1 : i32
        %parallel_loop3A_436 = tpu.memref_bitcast %arg17 : memref<2x4096xi32, #tpu.memory_space<vmem>> -> memref<2x4096xf32, #tpu.memory_space<vmem>>
        %parallel_loop3A_437 = arith.index_cast %parallel_loop3A_435 : i32 to index
        %parallel_loop3A_438 = arith.index_cast %parallel_loop3A_376 : i32 to index
        %parallel_loop3A_439 = tpu.vector_load %parallel_loop3A_436[%parallel_loop3A_437, %parallel_loop3A_438] {strides = array<i32>} : memref<2x4096xf32, #tpu.memory_space<vmem>>, vector<1x16xf32>,
        %parallel_loop3A_440 = vector.shape_cast %parallel_loop3A_439 : vector<1x16xf32> to vector<16xf32>
        %parallel_loop3A_441 = arith.mulf %parallel_loop3A_434, %parallel_loop3A_440 : vector<16xf32>
        %parallel_loop3A_442 = arith.addf %parallel_loop3A_429, %parallel_loop3A_441 : vector<16xf32>
        %parallel_loop3A_443 = arith.constant 0 : i32
        %parallel_loop3A_444 = arith.index_cast %parallel_loop3A_443 : i32 to index
        %parallel_loop3A_445 = arith.index_cast %parallel_loop3A_376 : i32 to index
        %parallel_loop3A_446 = tpu.vector_load %arg15[%parallel_loop3A_444, %parallel_loop3A_445] {strides = array<i32>} : memref<2x4096xf32, #tpu.memory_space<vmem>>, vector<1x16xf32>,
        %parallel_loop3A_447 = vector.shape_cast %parallel_loop3A_446 : vector<1x16xf32> to vector<16xf32>
        %parallel_loop3A_448 = arith.constant 0 : i32
        %parallel_loop3A_449 = tpu.memref_bitcast %arg11 : memref<2x4096xi32, #tpu.memory_space<vmem>> -> memref<2x4096xf32, #tpu.memory_space<vmem>>
        %parallel_loop3A_450 = arith.index_cast %parallel_loop3A_448 : i32 to index
        %parallel_loop3A_451 = arith.index_cast %parallel_loop3A_376 : i32 to index
        %parallel_loop3A_452 = tpu.vector_load %parallel_loop3A_449[%parallel_loop3A_450, %parallel_loop3A_451] {strides = array<i32>} : memref<2x4096xf32, #tpu.memory_space<vmem>>, vector<1x16xf32>,
        %parallel_loop3A_453 = vector.shape_cast %parallel_loop3A_452 : vector<1x16xf32> to vector<16xf32>
        %parallel_loop3A_454 = arith.mulf %parallel_loop3A_447, %parallel_loop3A_453 : vector<16xf32>
        %parallel_loop3A_455 = arith.addf %parallel_loop3A_442, %parallel_loop3A_454 : vector<16xf32>
        %parallel_loop3A_456 = arith.index_cast %parallel_loop3A_376 : i32 to index
        %parallel_loop3A_457 = tpu.vector_load %arg16[%parallel_loop3A_456] {strides = array<i32>} : memref<4096xf32, #tpu.memory_space<vmem>>, vector<16xf32>,
        %parallel_loop3A_458 = vector.shape_cast %parallel_loop3A_457 : vector<16xf32> to vector<16xf32>
        %parallel_loop3A_459 = vector.shape_cast %parallel_loop3A_455 : vector<16xf32> to vector<16xf32>
        tpu.vector_store %arg16[%parallel_loop3A_456], %parallel_loop3A_459 {strides = array<i32>} : memref<4096xf32, #tpu.memory_space<vmem>>, vector<16xf32>,
      } {sc.loop_unroll_factor = 4 : i64, sc.parallel_access}
      "tpu.region"() ({
        %run_scoped3A = tpu.sem_alloc : memref<!tpu.dma_semaphore, #tpu.memory_space<semaphore_mem>>
        %dma_start3A_374 = tpu.memref_slice %arg6[%add3A_252] : memref<2097152xf32, #tpu.memory_space<hbm>> -> memref<4096xf32, #tpu.memory_space<hbm>>
        %dma_start3A_375 = tpu.memref_slice %arg6[%add3A_252] : memref<2097152xf32, #tpu.memory_space<hbm>> -> memref<4096xf32, #tpu.memory_space<hbm>>
        tpu.enqueue_dma source(%arg16 : memref<4096xf32, #tpu.memory_space<vmem>>) target(%dma_start3A_375 : memref<4096xf32, #tpu.memory_space<hbm>>) target_semaphore(%run_scoped3A : memref<!tpu.dma_semaphore, #tpu.memory_space<semaphore_mem>>)
        %dma_wait3A_376 = tpu.memref_slice %arg6[%add3A_252] : memref<2097152xf32, #tpu.memory_space<hbm>> -> memref<4096xf32, #tpu.memory_space<hbm>>
        %dma_wait3A_377 = tpu.memref_slice %arg6[%add3A_252] : memref<2097152xf32, #tpu.memory_space<hbm>> -> memref<4096xf32, #tpu.memory_space<hbm>>
        tpu.wait_dma2 semaphore(%run_scoped3A : memref<!tpu.dma_semaphore, #tpu.memory_space<semaphore_mem>>) src(%arg16 : memref<4096xf32, #tpu.memory_space<vmem>>) dst(%dma_wait3A_377 : memref<4096xf32, #tpu.memory_space<hbm>>)
        tpu.yield
      }) : () -> ()
      %add3A_278 = arith.constant 1 : i32
      %add3A_279 = arith.addi %add3A_183, %add3A_278 : i32
      %mul3A_280 = arith.constant 65536 : i32
      %mul3A_281 = arith.muli %add3A, %mul3A_280 : i32
      %mul3A_282 = arith.constant 4096 : i32
      %mul3A_283 = arith.muli %add3A_279, %mul3A_282 : i32
      %add3A_284 = arith.addi %mul3A_281, %mul3A_283 : i32
      %shift_right_arithmetic3A_285 = arith.constant 18 : i32
      %shift_right_arithmetic3A_286 = arith.shrsi %add3A_284, %shift_right_arithmetic3A_285 : i32
      %shift_left3A_287 = arith.constant 18 : i32
      %shift_left3A_288 = arith.shli %shift_right_arithmetic3A_286, %shift_left3A_287 : i32
      %dma_wait3A_289 = arith.constant 0 : i32
      %dma_wait3A_290 = arith.constant 0 : i32
      %dma_wait3A_291 = tpu.memref_slice %arg7[%dma_wait3A_289, %dma_wait3A_290] : memref<2x4096xf32, #tpu.memory_space<vmem>> -> memref<1x4096xf32, #tpu.memory_space<vmem>>
      %dma_wait3A_292 = tpu.memref_squeeze %dma_wait3A_291 : memref<1x4096xf32, #tpu.memory_space<vmem>> -> memref<4096xf32, #tpu.memory_space<vmem>>
      %dma_wait3A_293 = arith.constant 0 : i32
      %dma_wait3A_294 = tpu.memref_slice %arg4[%dma_wait3A_293] : memref<2097152xf32, #tpu.memory_space<hbm>> -> memref<4096xf32, #tpu.memory_space<hbm>>
      %dma_wait3A_295 = arith.constant 0 : i32
      %dma_wait3A_296 = tpu.memref_slice %arg7[%dma_wait3A_289, %dma_wait3A_295] : memref<2x4096xf32, #tpu.memory_space<vmem>> -> memref<1x4096xf32, #tpu.memory_space<vmem>>
      %dma_wait3A_297 = tpu.memref_squeeze %dma_wait3A_296 : memref<1x4096xf32, #tpu.memory_space<vmem>> -> memref<4096xf32, #tpu.memory_space<vmem>>
      %dma_wait3A_298 = arith.constant 0 : i32
      %dma_wait3A_299 = tpu.memref_slice %arg4[%dma_wait3A_298] : memref<2097152xf32, #tpu.memory_space<hbm>> -> memref<4096xf32, #tpu.memory_space<hbm>>
      tpu.wait_dma2 semaphore(%arg20 : memref<!tpu.dma_semaphore, #tpu.memory_space<semaphore_mem>>) src(%dma_wait3A_299 : memref<4096xf32, #tpu.memory_space<hbm>>) dst(%dma_wait3A_297 : memref<4096xf32, #tpu.memory_space<vmem>>)
      %dma_wait3A_300 = arith.constant 0 : i32
      %dma_wait3A_301 = arith.constant 0 : i32
      %dma_wait3A_302 = tpu.memref_slice %arg8[%dma_wait3A_300, %dma_wait3A_301] : memref<2x4096xf32, #tpu.memory_space<vmem>> -> memref<1x4096xf32, #tpu.memory_space<vmem>>
      %dma_wait3A_303 = tpu.memref_squeeze %dma_wait3A_302 : memref<1x4096xf32, #tpu.memory_space<vmem>> -> memref<4096xf32, #tpu.memory_space<vmem>>
      %dma_wait3A_304 = arith.constant 0 : i32
      %dma_wait3A_305 = tpu.memref_slice %arg4[%dma_wait3A_304] : memref<2097152xf32, #tpu.memory_space<hbm>> -> memref<4096xf32, #tpu.memory_space<hbm>>
      %dma_wait3A_306 = arith.constant 0 : i32
      %dma_wait3A_307 = tpu.memref_slice %arg8[%dma_wait3A_300, %dma_wait3A_306] : memref<2x4096xf32, #tpu.memory_space<vmem>> -> memref<1x4096xf32, #tpu.memory_space<vmem>>
      %dma_wait3A_308 = tpu.memref_squeeze %dma_wait3A_307 : memref<1x4096xf32, #tpu.memory_space<vmem>> -> memref<4096xf32, #tpu.memory_space<vmem>>
      %dma_wait3A_309 = arith.constant 0 : i32
      %dma_wait3A_310 = tpu.memref_slice %arg4[%dma_wait3A_309] : memref<2097152xf32, #tpu.memory_space<hbm>> -> memref<4096xf32, #tpu.memory_space<hbm>>
      tpu.wait_dma2 semaphore(%arg20 : memref<!tpu.dma_semaphore, #tpu.memory_space<semaphore_mem>>) src(%dma_wait3A_310 : memref<4096xf32, #tpu.memory_space<hbm>>) dst(%dma_wait3A_308 : memref<4096xf32, #tpu.memory_space<vmem>>)
      %add3A_311 = arith.constant 1 : i32
      %add3A_312 = arith.addi %add3A_279, %add3A_311 : i32
      %mul3A_313 = arith.constant 65536 : i32
      %mul3A_314 = arith.muli %add3A, %mul3A_313 : i32
      %mul3A_315 = arith.constant 4096 : i32
      %mul3A_316 = arith.muli %add3A_312, %mul3A_315 : i32
      %add3A_317 = arith.addi %mul3A_314, %mul3A_316 : i32
      %dma_start3A_318 = arith.constant 1 : i32
      %dma_start3A_319 = arith.constant 0 : i32
      %dma_start3A_320 = tpu.memref_slice %arg7[%dma_start3A_318, %dma_start3A_319] : memref<2x4096xf32, #tpu.memory_space<vmem>> -> memref<1x4096xf32, #tpu.memory_space<vmem>>
      %dma_start3A_321 = tpu.memref_squeeze %dma_start3A_320 : memref<1x4096xf32, #tpu.memory_space<vmem>> -> memref<4096xf32, #tpu.memory_space<vmem>>
      %dma_start3A_322 = tpu.memref_slice %arg4[%add3A_317] : memref<2097152xf32, #tpu.memory_space<hbm>> -> memref<4096xf32, #tpu.memory_space<hbm>>
      %dma_start3A_323 = arith.constant 0 : i32
      %dma_start3A_324 = tpu.memref_slice %arg7[%dma_start3A_318, %dma_start3A_323] : memref<2x4096xf32, #tpu.memory_space<vmem>> -> memref<1x4096xf32, #tpu.memory_space<vmem>>
      %dma_start3A_325 = tpu.memref_squeeze %dma_start3A_324 : memref<1x4096xf32, #tpu.memory_space<vmem>> -> memref<4096xf32, #tpu.memory_space<vmem>>
      %dma_start3A_326 = tpu.memref_slice %arg4[%add3A_317] : memref<2097152xf32, #tpu.memory_space<hbm>> -> memref<4096xf32, #tpu.memory_space<hbm>>
      tpu.enqueue_dma source(%dma_start3A_326 : memref<4096xf32, #tpu.memory_space<hbm>>) target(%dma_start3A_325 : memref<4096xf32, #tpu.memory_space<vmem>>) target_semaphore(%arg20 : memref<!tpu.dma_semaphore, #tpu.memory_space<semaphore_mem>>)
      %dma_start3A_327 = arith.constant 1 : i32
      %dma_start3A_328 = arith.constant 0 : i32
      %dma_start3A_329 = tpu.memref_slice %arg8[%dma_start3A_327, %dma_start3A_328] : memref<2x4096xf32, #tpu.memory_space<vmem>> -> memref<1x4096xf32, #tpu.memory_space<vmem>>
      %dma_start3A_330 = tpu.memref_squeeze %dma_start3A_329 : memref<1x4096xf32, #tpu.memory_space<vmem>> -> memref<4096xf32, #tpu.memory_space<vmem>>
      %dma_start3A_331 = tpu.memref_slice %arg5[%add3A_317] : memref<2097152xf32, #tpu.memory_space<hbm>> -> memref<4096xf32, #tpu.memory_space<hbm>>
      %dma_start3A_332 = arith.constant 0 : i32
      %dma_start3A_333 = tpu.memref_slice %arg8[%dma_start3A_327, %dma_start3A_332] : memref<2x4096xf32, #tpu.memory_space<vmem>> -> memref<1x4096xf32, #tpu.memory_space<vmem>>
      %dma_start3A_334 = tpu.memref_squeeze %dma_start3A_333 : memref<1x4096xf32, #tpu.memory_space<vmem>> -> memref<4096xf32, #tpu.memory_space<vmem>>
      %dma_start3A_335 = tpu.memref_slice %arg5[%add3A_317] : memref<2097152xf32, #tpu.memory_space<hbm>> -> memref<4096xf32, #tpu.memory_space<hbm>>
      tpu.enqueue_dma source(%dma_start3A_335 : memref<4096xf32, #tpu.memory_space<hbm>>) target(%dma_start3A_334 : memref<4096xf32, #tpu.memory_space<vmem>>) target_semaphore(%arg20 : memref<!tpu.dma_semaphore, #tpu.memory_space<semaphore_mem>>)
      %scan3A_336 = arith.constant 0 : i32
      %scan3A_337 = arith.constant 0 : i32
      %scan3A_338 = arith.constant 32 : i32
      %scan3A_339 = arith.addi %scan3A_337, %scan3A_338 : i32
      %scan3A_340 = arith.constant 1 : i32
      %scan3A_341 = scf.for %scan3A_374 = %scan3A_337 to %scan3A_339 step %scan3A_340 iter_args(%scan3A_375 = %scan3A_336) -> (i32)  : i32 {
        %mul3A_376 = arith.constant 8 : i32
        %mul3A_377 = arith.muli %scan3A_374, %mul3A_376 : i32
        %add3A_378 = arith.constant 1 : i32
        %add3A_379 = arith.addi %scan3A_374, %add3A_378 : i32
        %mul3A_380 = arith.constant 8 : i32
        %mul3A_381 = arith.muli %add3A_379, %mul3A_380 : i32
        %parallel_loop3A_382 = arith.constant 1 : i32
        scf.for %parallel_loop3A_410 = %mul3A_377 to %mul3A_381 step %parallel_loop3A_382  : i32 {
          %parallel_loop3A_411 = arith.constant 16 : i32
          %parallel_loop3A_412 = arith.muli %parallel_loop3A_410, %parallel_loop3A_411 : i32
          %parallel_loop3A_413 = arith.constant 0 : i32
          %parallel_loop3A_414 = arith.index_cast %parallel_loop3A_413 : i32 to index
          %parallel_loop3A_415 = arith.index_cast %parallel_loop3A_412 : i32 to index
          %parallel_loop3A_416 = tpu.vector_load %arg7[%parallel_loop3A_414, %parallel_loop3A_415] {strides = array<i32>} : memref<2x4096xf32, #tpu.memory_space<vmem>>, vector<1x16xf32>,
          %parallel_loop3A_417 = vector.shape_cast %parallel_loop3A_416 : vector<1x16xf32> to vector<16xf32>
          %parallel_loop3A_418 = arith.constant 0 : i32
          %parallel_loop3A_419 = arith.index_cast %parallel_loop3A_418 : i32 to index
          %parallel_loop3A_420 = arith.index_cast %parallel_loop3A_412 : i32 to index
          %parallel_loop3A_421 = tpu.vector_load %arg8[%parallel_loop3A_419, %parallel_loop3A_420] {strides = array<i32>} : memref<2x4096xf32, #tpu.memory_space<vmem>>, vector<1x16xf32>,
          %parallel_loop3A_422 = vector.shape_cast %parallel_loop3A_421 : vector<1x16xf32> to vector<16xf32>
          %parallel_loop3A_423 = arith.constant 0.000000e+00 : f32
          %parallel_loop3A_424 = vector.broadcast %parallel_loop3A_423 : f32 to vector<16xf32>
          %parallel_loop3A_425 = arith.maximumf %parallel_loop3A_417, %parallel_loop3A_424 : vector<16xf32>
          %parallel_loop3A_426 = arith.constant 5.110000e+02 : f32
          %parallel_loop3A_427 = vector.broadcast %parallel_loop3A_426 : f32 to vector<16xf32>
          %parallel_loop3A_428 = arith.minimumf %parallel_loop3A_425, %parallel_loop3A_427 : vector<16xf32>
          %parallel_loop3A_429 = arith.constant 0.000000e+00 : f32
          %parallel_loop3A_430 = vector.broadcast %parallel_loop3A_429 : f32 to vector<16xf32>
          %parallel_loop3A_431 = arith.maximumf %parallel_loop3A_422, %parallel_loop3A_430 : vector<16xf32>
          %parallel_loop3A_432 = arith.constant 5.110000e+02 : f32
          %parallel_loop3A_433 = vector.broadcast %parallel_loop3A_432 : f32 to vector<16xf32>
          %parallel_loop3A_434 = arith.minimumf %parallel_loop3A_431, %parallel_loop3A_433 : vector<16xf32>
          %parallel_loop3A_435 = arith.fptosi %parallel_loop3A_428 : vector<16xf32> to vector<16xi32>
          %parallel_loop3A_436 = arith.fptosi %parallel_loop3A_434 : vector<16xf32> to vector<16xi32>
          %parallel_loop3A_437 = arith.sitofp %parallel_loop3A_435 : vector<16xi32> to vector<16xf32>
          %parallel_loop3A_438 = arith.subf %parallel_loop3A_428, %parallel_loop3A_437 : vector<16xf32>
          %parallel_loop3A_439 = arith.sitofp %parallel_loop3A_436 : vector<16xi32> to vector<16xf32>
          %parallel_loop3A_440 = arith.subf %parallel_loop3A_434, %parallel_loop3A_439 : vector<16xf32>
          %parallel_loop3A_441 = arith.constant 1.000000e+00 : f32
          %parallel_loop3A_442 = vector.broadcast %parallel_loop3A_441 : f32 to vector<16xf32>
          %parallel_loop3A_443 = arith.subf %parallel_loop3A_442, %parallel_loop3A_438 : vector<16xf32>
          %parallel_loop3A_444 = arith.constant 1.000000e+00 : f32
          %parallel_loop3A_445 = vector.broadcast %parallel_loop3A_444 : f32 to vector<16xf32>
          %parallel_loop3A_446 = arith.subf %parallel_loop3A_445, %parallel_loop3A_440 : vector<16xf32>
          %parallel_loop3A_447 = arith.mulf %parallel_loop3A_443, %parallel_loop3A_446 : vector<16xf32>
          %parallel_loop3A_448 = arith.mulf %parallel_loop3A_438, %parallel_loop3A_446 : vector<16xf32>
          %parallel_loop3A_449 = arith.mulf %parallel_loop3A_443, %parallel_loop3A_440 : vector<16xf32>
          %parallel_loop3A_450 = arith.mulf %parallel_loop3A_438, %parallel_loop3A_440 : vector<16xf32>
          %parallel_loop3A_451 = arith.constant 9 : i32
          %parallel_loop3A_452 = vector.broadcast %parallel_loop3A_451 : i32 to vector<16xi32>
          %parallel_loop3A_453 = arith.shli %parallel_loop3A_436, %parallel_loop3A_452 : vector<16xi32>
          %parallel_loop3A_454 = vector.broadcast %shift_left3A_288 : i32 to vector<16xi32>
          %parallel_loop3A_455 = arith.addi %parallel_loop3A_454, %parallel_loop3A_453 : vector<16xi32>
          %parallel_loop3A_456 = arith.addi %parallel_loop3A_455, %parallel_loop3A_435 : vector<16xi32>
          %parallel_loop3A_457 = arith.constant 0 : i32
          %parallel_loop3A_458 = arith.index_cast %parallel_loop3A_457 : i32 to index
          %parallel_loop3A_459 = arith.index_cast %parallel_loop3A_412 : i32 to index
          %parallel_loop3A_460 = tpu.vector_load %arg9[%parallel_loop3A_458, %parallel_loop3A_459] {strides = array<i32>} : memref<2x4096xi32, #tpu.memory_space<vmem>>, vector<1x16xi32>,
          %parallel_loop3A_461 = vector.shape_cast %parallel_loop3A_460 : vector<1x16xi32> to vector<16xi32>
          %parallel_loop3A_462 = vector.shape_cast %parallel_loop3A_456 : vector<16xi32> to vector<1x16xi32>
          tpu.vector_store %arg9[%parallel_loop3A_458, %parallel_loop3A_459], %parallel_loop3A_462 {strides = array<i32>} : memref<2x4096xi32, #tpu.memory_space<vmem>>, vector<1x16xi32>,
          %parallel_loop3A_463 = arith.constant 0 : i32
          %parallel_loop3A_464 = arith.index_cast %parallel_loop3A_463 : i32 to index
          %parallel_loop3A_465 = arith.index_cast %parallel_loop3A_412 : i32 to index
          %parallel_loop3A_466 = tpu.vector_load %arg12[%parallel_loop3A_464, %parallel_loop3A_465] {strides = array<i32>} : memref<2x4096xf32, #tpu.memory_space<vmem>>, vector<1x16xf32>,
          %parallel_loop3A_467 = vector.shape_cast %parallel_loop3A_466 : vector<1x16xf32> to vector<16xf32>
          %parallel_loop3A_468 = vector.shape_cast %parallel_loop3A_447 : vector<16xf32> to vector<1x16xf32>
          tpu.vector_store %arg12[%parallel_loop3A_464, %parallel_loop3A_465], %parallel_loop3A_468 {strides = array<i32>} : memref<2x4096xf32, #tpu.memory_space<vmem>>, vector<1x16xf32>,
          %parallel_loop3A_469 = arith.constant 0 : i32
          %parallel_loop3A_470 = arith.index_cast %parallel_loop3A_469 : i32 to index
          %parallel_loop3A_471 = arith.index_cast %parallel_loop3A_412 : i32 to index
          %parallel_loop3A_472 = tpu.vector_load %arg13[%parallel_loop3A_470, %parallel_loop3A_471] {strides = array<i32>} : memref<2x4096xf32, #tpu.memory_space<vmem>>, vector<1x16xf32>,
          %parallel_loop3A_473 = vector.shape_cast %parallel_loop3A_472 : vector<1x16xf32> to vector<16xf32>
          %parallel_loop3A_474 = vector.shape_cast %parallel_loop3A_448 : vector<16xf32> to vector<1x16xf32>
          tpu.vector_store %arg13[%parallel_loop3A_470, %parallel_loop3A_471], %parallel_loop3A_474 {strides = array<i32>} : memref<2x4096xf32, #tpu.memory_space<vmem>>, vector<1x16xf32>,
          %parallel_loop3A_475 = arith.constant 0 : i32
          %parallel_loop3A_476 = arith.index_cast %parallel_loop3A_475 : i32 to index
          %parallel_loop3A_477 = arith.index_cast %parallel_loop3A_412 : i32 to index
          %parallel_loop3A_478 = tpu.vector_load %arg14[%parallel_loop3A_476, %parallel_loop3A_477] {strides = array<i32>} : memref<2x4096xf32, #tpu.memory_space<vmem>>, vector<1x16xf32>,
          %parallel_loop3A_479 = vector.shape_cast %parallel_loop3A_478 : vector<1x16xf32> to vector<16xf32>
          %parallel_loop3A_480 = vector.shape_cast %parallel_loop3A_449 : vector<16xf32> to vector<1x16xf32>
          tpu.vector_store %arg14[%parallel_loop3A_476, %parallel_loop3A_477], %parallel_loop3A_480 {strides = array<i32>} : memref<2x4096xf32, #tpu.memory_space<vmem>>, vector<1x16xf32>,
          %parallel_loop3A_481 = arith.constant 0 : i32
          %parallel_loop3A_482 = arith.index_cast %parallel_loop3A_481 : i32 to index
          %parallel_loop3A_483 = arith.index_cast %parallel_loop3A_412 : i32 to index
          %parallel_loop3A_484 = tpu.vector_load %arg15[%parallel_loop3A_482, %parallel_loop3A_483] {strides = array<i32>} : memref<2x4096xf32, #tpu.memory_space<vmem>>, vector<1x16xf32>,
          %parallel_loop3A_485 = vector.shape_cast %parallel_loop3A_484 : vector<1x16xf32> to vector<16xf32>
          %parallel_loop3A_486 = vector.shape_cast %parallel_loop3A_450 : vector<16xf32> to vector<1x16xf32>
          tpu.vector_store %arg15[%parallel_loop3A_482, %parallel_loop3A_483], %parallel_loop3A_486 {strides = array<i32>} : memref<2x4096xf32, #tpu.memory_space<vmem>>, vector<1x16xf32>,
        } {sc.loop_unroll_factor = 4 : i64, sc.parallel_access}
        %mul3A_383 = arith.constant 128 : i32
        %mul3A_384 = arith.muli %scan3A_374, %mul3A_383 : i32
        %dma_start3A_385 = arith.constant 0 : i32
        %dma_start3A_386 = arith.constant 0 : i32
        %dma_start3A_387 = arith.constant 0 : i32
        %dma_start3A_388 = tpu.memref_slice %arg10[%dma_start3A_386, %dma_start3A_387] : memref<2x4096xi32, #tpu.memory_space<vmem>> -> memref<1x4096xi32, #tpu.memory_space<vmem>>
        %dma_start3A_389 = tpu.memref_squeeze %dma_start3A_388 : memref<1x4096xi32, #tpu.memory_space<vmem>> -> memref<4096xi32, #tpu.memory_space<vmem>>
        %dma_start3A_390 = tpu.memref_slice %dma_start3A_389[%mul3A_384] : memref<4096xi32, #tpu.memory_space<vmem>> -> memref<128xi32, #tpu.memory_space<vmem>>
        %dma_start3A_391 = arith.constant 0 : i32
        %dma_start3A_392 = tpu.memref_slice %arg9[%dma_start3A_385, %dma_start3A_391] : memref<2x4096xi32, #tpu.memory_space<vmem>> -> memref<1x4096xi32, #tpu.memory_space<vmem>>
        %dma_start3A_393 = tpu.memref_squeeze %dma_start3A_392 : memref<1x4096xi32, #tpu.memory_space<vmem>> -> memref<4096xi32, #tpu.memory_space<vmem>>
        %dma_start3A_394 = tpu.memref_slice %dma_start3A_393[%mul3A_384] : memref<4096xi32, #tpu.memory_space<vmem>> -> memref<128xi32, #tpu.memory_space<vmem>>
        %dma_start3A_395 = arith.constant 0 : i32
        %dma_start3A_396 = tpu.memref_slice %arg2[%dma_start3A_395] : memref<2097152xi32, #tpu.memory_space<hbm>> -> memref<2097152xi32, #tpu.memory_space<hbm>>
        tpu.enqueue_indirect_dma source(%dma_start3A_396 : memref<2097152xi32, #tpu.memory_space<hbm>>) target(%dma_start3A_390 : memref<128xi32, #tpu.memory_space<vmem>>) offsets(%dma_start3A_394 : memref<128xi32, #tpu.memory_space<vmem>>) semaphore(%arg18 : memref<!tpu.dma_semaphore, #tpu.memory_space<semaphore_mem>>)
        %dma_start3A_397 = arith.constant 0 : i32
        %dma_start3A_398 = arith.constant 0 : i32
        %dma_start3A_399 = arith.constant 0 : i32
        %dma_start3A_400 = tpu.memref_slice %arg11[%dma_start3A_398, %dma_start3A_399] : memref<2x4096xi32, #tpu.memory_space<vmem>> -> memref<1x4096xi32, #tpu.memory_space<vmem>>
        %dma_start3A_401 = tpu.memref_squeeze %dma_start3A_400 : memref<1x4096xi32, #tpu.memory_space<vmem>> -> memref<4096xi32, #tpu.memory_space<vmem>>
        %dma_start3A_402 = tpu.memref_slice %dma_start3A_401[%mul3A_384] : memref<4096xi32, #tpu.memory_space<vmem>> -> memref<128xi32, #tpu.memory_space<vmem>>
        %dma_start3A_403 = arith.constant 0 : i32
        %dma_start3A_404 = tpu.memref_slice %arg9[%dma_start3A_397, %dma_start3A_403] : memref<2x4096xi32, #tpu.memory_space<vmem>> -> memref<1x4096xi32, #tpu.memory_space<vmem>>
        %dma_start3A_405 = tpu.memref_squeeze %dma_start3A_404 : memref<1x4096xi32, #tpu.memory_space<vmem>> -> memref<4096xi32, #tpu.memory_space<vmem>>
        %dma_start3A_406 = tpu.memref_slice %dma_start3A_405[%mul3A_384] : memref<4096xi32, #tpu.memory_space<vmem>> -> memref<128xi32, #tpu.memory_space<vmem>>
        %dma_start3A_407 = arith.constant 0 : i32
        %dma_start3A_408 = tpu.memref_slice %arg3[%dma_start3A_407] : memref<2097152xi32, #tpu.memory_space<hbm>> -> memref<2097152xi32, #tpu.memory_space<hbm>>
        tpu.enqueue_indirect_dma source(%dma_start3A_408 : memref<2097152xi32, #tpu.memory_space<hbm>>) target(%dma_start3A_402 : memref<128xi32, #tpu.memory_space<vmem>>) offsets(%dma_start3A_406 : memref<128xi32, #tpu.memory_space<vmem>>) semaphore(%arg18 : memref<!tpu.dma_semaphore, #tpu.memory_space<semaphore_mem>>)
        %scan3A_409 = arith.constant 0 : i32
        scf.yield %scan3A_409 : i32
      }
      %scan3A_342 = arith.constant 32 : i32
      %mul3A_343 = arith.constant 65536 : i32
      %mul3A_344 = arith.muli %add3A, %mul3A_343 : i32
      %mul3A_345 = arith.constant 4096 : i32
      %mul3A_346 = arith.muli %add3A_183, %mul3A_345 : i32
      %add3A_347 = arith.addi %mul3A_344, %mul3A_346 : i32
      %dma_wait3A_348 = arith.constant 1 : i32
      %dma_wait3A_349 = arith.constant 0 : i32
      %dma_wait3A_350 = tpu.memref_slice %arg10[%dma_wait3A_348, %dma_wait3A_349] : memref<2x4096xi32, #tpu.memory_space<vmem>> -> memref<1x4096xi32, #tpu.memory_space<vmem>>
      %dma_wait3A_351 = tpu.memref_squeeze %dma_wait3A_350 : memref<1x4096xi32, #tpu.memory_space<vmem>> -> memref<4096xi32, #tpu.memory_space<vmem>>
      %dma_wait3A_352 = arith.constant 0 : i32
      %dma_wait3A_353 = tpu.memref_slice %arg2[%dma_wait3A_352] : memref<2097152xi32, #tpu.memory_space<hbm>> -> memref<4096xi32, #tpu.memory_space<hbm>>
      %dma_wait3A_354 = arith.constant 0 : i32
      %dma_wait3A_355 = tpu.memref_slice %arg10[%dma_wait3A_348, %dma_wait3A_354] : memref<2x4096xi32, #tpu.memory_space<vmem>> -> memref<1x4096xi32, #tpu.memory_space<vmem>>
      %dma_wait3A_356 = tpu.memref_squeeze %dma_wait3A_355 : memref<1x4096xi32, #tpu.memory_space<vmem>> -> memref<4096xi32, #tpu.memory_space<vmem>>
      %dma_wait3A_357 = arith.constant 0 : i32
      %dma_wait3A_358 = tpu.memref_slice %arg2[%dma_wait3A_357] : memref<2097152xi32, #tpu.memory_space<hbm>> -> memref<4096xi32, #tpu.memory_space<hbm>>
      tpu.wait_dma2 semaphore(%arg19 : memref<!tpu.dma_semaphore, #tpu.memory_space<semaphore_mem>>) src(%dma_wait3A_358 : memref<4096xi32, #tpu.memory_space<hbm>>) dst(%dma_wait3A_356 : memref<4096xi32, #tpu.memory_space<vmem>>)
      %dma_wait3A_359 = arith.constant 1 : i32
      %dma_wait3A_360 = arith.constant 0 : i32
      %dma_wait3A_361 = tpu.memref_slice %arg11[%dma_wait3A_359, %dma_wait3A_360] : memref<2x4096xi32, #tpu.memory_space<vmem>> -> memref<1x4096xi32, #tpu.memory_space<vmem>>
      %dma_wait3A_362 = tpu.memref_squeeze %dma_wait3A_361 : memref<1x4096xi32, #tpu.memory_space<vmem>> -> memref<4096xi32, #tpu.memory_space<vmem>>
      %dma_wait3A_363 = arith.constant 0 : i32
      %dma_wait3A_364 = tpu.memref_slice %arg2[%dma_wait3A_363] : memref<2097152xi32, #tpu.memory_space<hbm>> -> memref<4096xi32, #tpu.memory_space<hbm>>
      %dma_wait3A_365 = arith.constant 0 : i32
      %dma_wait3A_366 = tpu.memref_slice %arg11[%dma_wait3A_359, %dma_wait3A_365] : memref<2x4096xi32, #tpu.memory_space<vmem>> -> memref<1x4096xi32, #tpu.memory_space<vmem>>
      %dma_wait3A_367 = tpu.memref_squeeze %dma_wait3A_366 : memref<1x4096xi32, #tpu.memory_space<vmem>> -> memref<4096xi32, #tpu.memory_space<vmem>>
      %dma_wait3A_368 = arith.constant 0 : i32
      %dma_wait3A_369 = tpu.memref_slice %arg2[%dma_wait3A_368] : memref<2097152xi32, #tpu.memory_space<hbm>> -> memref<4096xi32, #tpu.memory_space<hbm>>
      tpu.wait_dma2 semaphore(%arg19 : memref<!tpu.dma_semaphore, #tpu.memory_space<semaphore_mem>>) src(%dma_wait3A_369 : memref<4096xi32, #tpu.memory_space<hbm>>) dst(%dma_wait3A_367 : memref<4096xi32, #tpu.memory_space<vmem>>)
      %parallel_loop3A_370 = arith.constant 0 : i32
      %parallel_loop3A_371 = arith.constant 256 : i32
      %parallel_loop3A_372 = arith.constant 1 : i32
      scf.for %parallel_loop3A_374 = %parallel_loop3A_370 to %parallel_loop3A_371 step %parallel_loop3A_372  : i32 {
        %parallel_loop3A_375 = arith.constant 16 : i32
        %parallel_loop3A_376 = arith.muli %parallel_loop3A_374, %parallel_loop3A_375 : i32
        %parallel_loop3A_377 = arith.constant 1 : i32
        %parallel_loop3A_378 = arith.index_cast %parallel_loop3A_377 : i32 to index
        %parallel_loop3A_379 = arith.index_cast %parallel_loop3A_376 : i32 to index
        %parallel_loop3A_380 = tpu.vector_load %arg10[%parallel_loop3A_378, %parallel_loop3A_379] {strides = array<i32>} : memref<2x4096xi32, #tpu.memory_space<vmem>>, vector<1x16xi32>,
        %parallel_loop3A_381 = vector.shape_cast %parallel_loop3A_380 : vector<1x16xi32> to vector<16xi32>
        %parallel_loop3A_382 = arith.constant 16 : i32
        %parallel_loop3A_383 = vector.broadcast %parallel_loop3A_382 : i32 to vector<16xi32>
        %parallel_loop3A_384 = arith.shli %parallel_loop3A_381, %parallel_loop3A_383 : vector<16xi32>
        %parallel_loop3A_385 = arith.constant 0 : i32
        %parallel_loop3A_386 = arith.index_cast %parallel_loop3A_385 : i32 to index
        %parallel_loop3A_387 = arith.index_cast %parallel_loop3A_376 : i32 to index
        %parallel_loop3A_388 = tpu.vector_load %arg17[%parallel_loop3A_386, %parallel_loop3A_387] {strides = array<i32>} : memref<2x4096xi32, #tpu.memory_space<vmem>>, vector<1x16xi32>,
        %parallel_loop3A_389 = vector.shape_cast %parallel_loop3A_388 : vector<1x16xi32> to vector<16xi32>
        %parallel_loop3A_390 = vector.shape_cast %parallel_loop3A_384 : vector<16xi32> to vector<1x16xi32>
        tpu.vector_store %arg17[%parallel_loop3A_386, %parallel_loop3A_387], %parallel_loop3A_390 {strides = array<i32>} : memref<2x4096xi32, #tpu.memory_space<vmem>>, vector<1x16xi32>,
        %parallel_loop3A_391 = arith.constant 1 : i32
        %parallel_loop3A_392 = arith.index_cast %parallel_loop3A_391 : i32 to index
        %parallel_loop3A_393 = arith.index_cast %parallel_loop3A_376 : i32 to index
        %parallel_loop3A_394 = tpu.vector_load %arg11[%parallel_loop3A_392, %parallel_loop3A_393] {strides = array<i32>} : memref<2x4096xi32, #tpu.memory_space<vmem>>, vector<1x16xi32>,
        %parallel_loop3A_395 = vector.shape_cast %parallel_loop3A_394 : vector<1x16xi32> to vector<16xi32>
        %parallel_loop3A_396 = arith.constant 16 : i32
        %parallel_loop3A_397 = vector.broadcast %parallel_loop3A_396 : i32 to vector<16xi32>
        %parallel_loop3A_398 = arith.shli %parallel_loop3A_395, %parallel_loop3A_397 : vector<16xi32>
        %parallel_loop3A_399 = arith.constant 1 : i32
        %parallel_loop3A_400 = arith.index_cast %parallel_loop3A_399 : i32 to index
        %parallel_loop3A_401 = arith.index_cast %parallel_loop3A_376 : i32 to index
        %parallel_loop3A_402 = tpu.vector_load %arg17[%parallel_loop3A_400, %parallel_loop3A_401] {strides = array<i32>} : memref<2x4096xi32, #tpu.memory_space<vmem>>, vector<1x16xi32>,
        %parallel_loop3A_403 = vector.shape_cast %parallel_loop3A_402 : vector<1x16xi32> to vector<16xi32>
        %parallel_loop3A_404 = vector.shape_cast %parallel_loop3A_398 : vector<16xi32> to vector<1x16xi32>
        tpu.vector_store %arg17[%parallel_loop3A_400, %parallel_loop3A_401], %parallel_loop3A_404 {strides = array<i32>} : memref<2x4096xi32, #tpu.memory_space<vmem>>, vector<1x16xi32>,
        %parallel_loop3A_405 = arith.constant 1 : i32
        %parallel_loop3A_406 = arith.index_cast %parallel_loop3A_405 : i32 to index
        %parallel_loop3A_407 = arith.index_cast %parallel_loop3A_376 : i32 to index
        %parallel_loop3A_408 = tpu.vector_load %arg12[%parallel_loop3A_406, %parallel_loop3A_407] {strides = array<i32>} : memref<2x4096xf32, #tpu.memory_space<vmem>>, vector<1x16xf32>,
        %parallel_loop3A_409 = vector.shape_cast %parallel_loop3A_408 : vector<1x16xf32> to vector<16xf32>
        %parallel_loop3A_410 = arith.constant 0 : i32
        %parallel_loop3A_411 = tpu.memref_bitcast %arg17 : memref<2x4096xi32, #tpu.memory_space<vmem>> -> memref<2x4096xf32, #tpu.memory_space<vmem>>
        %parallel_loop3A_412 = arith.index_cast %parallel_loop3A_410 : i32 to index
        %parallel_loop3A_413 = arith.index_cast %parallel_loop3A_376 : i32 to index
        %parallel_loop3A_414 = tpu.vector_load %parallel_loop3A_411[%parallel_loop3A_412, %parallel_loop3A_413] {strides = array<i32>} : memref<2x4096xf32, #tpu.memory_space<vmem>>, vector<1x16xf32>,
        %parallel_loop3A_415 = vector.shape_cast %parallel_loop3A_414 : vector<1x16xf32> to vector<16xf32>
        %parallel_loop3A_416 = arith.mulf %parallel_loop3A_409, %parallel_loop3A_415 : vector<16xf32>
        %parallel_loop3A_417 = arith.constant 1 : i32
        %parallel_loop3A_418 = arith.index_cast %parallel_loop3A_417 : i32 to index
        %parallel_loop3A_419 = arith.index_cast %parallel_loop3A_376 : i32 to index
        %parallel_loop3A_420 = tpu.vector_load %arg13[%parallel_loop3A_418, %parallel_loop3A_419] {strides = array<i32>} : memref<2x4096xf32, #tpu.memory_space<vmem>>, vector<1x16xf32>,
        %parallel_loop3A_421 = vector.shape_cast %parallel_loop3A_420 : vector<1x16xf32> to vector<16xf32>
        %parallel_loop3A_422 = arith.constant 1 : i32
        %parallel_loop3A_423 = tpu.memref_bitcast %arg10 : memref<2x4096xi32, #tpu.memory_space<vmem>> -> memref<2x4096xf32, #tpu.memory_space<vmem>>
        %parallel_loop3A_424 = arith.index_cast %parallel_loop3A_422 : i32 to index
        %parallel_loop3A_425 = arith.index_cast %parallel_loop3A_376 : i32 to index
        %parallel_loop3A_426 = tpu.vector_load %parallel_loop3A_423[%parallel_loop3A_424, %parallel_loop3A_425] {strides = array<i32>} : memref<2x4096xf32, #tpu.memory_space<vmem>>, vector<1x16xf32>,
        %parallel_loop3A_427 = vector.shape_cast %parallel_loop3A_426 : vector<1x16xf32> to vector<16xf32>
        %parallel_loop3A_428 = arith.mulf %parallel_loop3A_421, %parallel_loop3A_427 : vector<16xf32>
        %parallel_loop3A_429 = arith.addf %parallel_loop3A_416, %parallel_loop3A_428 : vector<16xf32>
        %parallel_loop3A_430 = arith.constant 1 : i32
        %parallel_loop3A_431 = arith.index_cast %parallel_loop3A_430 : i32 to index
        %parallel_loop3A_432 = arith.index_cast %parallel_loop3A_376 : i32 to index
        %parallel_loop3A_433 = tpu.vector_load %arg14[%parallel_loop3A_431, %parallel_loop3A_432] {strides = array<i32>} : memref<2x4096xf32, #tpu.memory_space<vmem>>, vector<1x16xf32>,
        %parallel_loop3A_434 = vector.shape_cast %parallel_loop3A_433 : vector<1x16xf32> to vector<16xf32>
        %parallel_loop3A_435 = arith.constant 1 : i32
        %parallel_loop3A_436 = tpu.memref_bitcast %arg17 : memref<2x4096xi32, #tpu.memory_space<vmem>> -> memref<2x4096xf32, #tpu.memory_space<vmem>>
        %parallel_loop3A_437 = arith.index_cast %parallel_loop3A_435 : i32 to index
        %parallel_loop3A_438 = arith.index_cast %parallel_loop3A_376 : i32 to index
        %parallel_loop3A_439 = tpu.vector_load %parallel_loop3A_436[%parallel_loop3A_437, %parallel_loop3A_438] {strides = array<i32>} : memref<2x4096xf32, #tpu.memory_space<vmem>>, vector<1x16xf32>,
        %parallel_loop3A_440 = vector.shape_cast %parallel_loop3A_439 : vector<1x16xf32> to vector<16xf32>
        %parallel_loop3A_441 = arith.mulf %parallel_loop3A_434, %parallel_loop3A_440 : vector<16xf32>
        %parallel_loop3A_442 = arith.addf %parallel_loop3A_429, %parallel_loop3A_441 : vector<16xf32>
        %parallel_loop3A_443 = arith.constant 1 : i32
        %parallel_loop3A_444 = arith.index_cast %parallel_loop3A_443 : i32 to index
        %parallel_loop3A_445 = arith.index_cast %parallel_loop3A_376 : i32 to index
        %parallel_loop3A_446 = tpu.vector_load %arg15[%parallel_loop3A_444, %parallel_loop3A_445] {strides = array<i32>} : memref<2x4096xf32, #tpu.memory_space<vmem>>, vector<1x16xf32>,
        %parallel_loop3A_447 = vector.shape_cast %parallel_loop3A_446 : vector<1x16xf32> to vector<16xf32>
        %parallel_loop3A_448 = arith.constant 1 : i32
        %parallel_loop3A_449 = tpu.memref_bitcast %arg11 : memref<2x4096xi32, #tpu.memory_space<vmem>> -> memref<2x4096xf32, #tpu.memory_space<vmem>>
        %parallel_loop3A_450 = arith.index_cast %parallel_loop3A_448 : i32 to index
        %parallel_loop3A_451 = arith.index_cast %parallel_loop3A_376 : i32 to index
        %parallel_loop3A_452 = tpu.vector_load %parallel_loop3A_449[%parallel_loop3A_450, %parallel_loop3A_451] {strides = array<i32>} : memref<2x4096xf32, #tpu.memory_space<vmem>>, vector<1x16xf32>,
        %parallel_loop3A_453 = vector.shape_cast %parallel_loop3A_452 : vector<1x16xf32> to vector<16xf32>
        %parallel_loop3A_454 = arith.mulf %parallel_loop3A_447, %parallel_loop3A_453 : vector<16xf32>
        %parallel_loop3A_455 = arith.addf %parallel_loop3A_442, %parallel_loop3A_454 : vector<16xf32>
        %parallel_loop3A_456 = arith.index_cast %parallel_loop3A_376 : i32 to index
        %parallel_loop3A_457 = tpu.vector_load %arg16[%parallel_loop3A_456] {strides = array<i32>} : memref<4096xf32, #tpu.memory_space<vmem>>, vector<16xf32>,
        %parallel_loop3A_458 = vector.shape_cast %parallel_loop3A_457 : vector<16xf32> to vector<16xf32>
        %parallel_loop3A_459 = vector.shape_cast %parallel_loop3A_455 : vector<16xf32> to vector<16xf32>
        tpu.vector_store %arg16[%parallel_loop3A_456], %parallel_loop3A_459 {strides = array<i32>} : memref<4096xf32, #tpu.memory_space<vmem>>, vector<16xf32>,
      } {sc.loop_unroll_factor = 4 : i64, sc.parallel_access}
      "tpu.region"() ({
        %run_scoped3A = tpu.sem_alloc : memref<!tpu.dma_semaphore, #tpu.memory_space<semaphore_mem>>
        %dma_start3A_374 = tpu.memref_slice %arg6[%add3A_347] : memref<2097152xf32, #tpu.memory_space<hbm>> -> memref<4096xf32, #tpu.memory_space<hbm>>
        %dma_start3A_375 = tpu.memref_slice %arg6[%add3A_347] : memref<2097152xf32, #tpu.memory_space<hbm>> -> memref<4096xf32, #tpu.memory_space<hbm>>
        tpu.enqueue_dma source(%arg16 : memref<4096xf32, #tpu.memory_space<vmem>>) target(%dma_start3A_375 : memref<4096xf32, #tpu.memory_space<hbm>>) target_semaphore(%run_scoped3A : memref<!tpu.dma_semaphore, #tpu.memory_space<semaphore_mem>>)
        %dma_wait3A_376 = tpu.memref_slice %arg6[%add3A_347] : memref<2097152xf32, #tpu.memory_space<hbm>> -> memref<4096xf32, #tpu.memory_space<hbm>>
        %dma_wait3A_377 = tpu.memref_slice %arg6[%add3A_347] : memref<2097152xf32, #tpu.memory_space<hbm>> -> memref<4096xf32, #tpu.memory_space<hbm>>
        tpu.wait_dma2 semaphore(%run_scoped3A : memref<!tpu.dma_semaphore, #tpu.memory_space<semaphore_mem>>) src(%arg16 : memref<4096xf32, #tpu.memory_space<vmem>>) dst(%dma_wait3A_377 : memref<4096xf32, #tpu.memory_space<hbm>>)
        tpu.yield
      }) : () -> ()
      %scan3A_373 = arith.constant 0 : i32
      scf.yield %scan3A_373 : i32
    }
    %scan3A_83 = arith.constant 7 : i32
    %mul3A_84 = arith.constant 65536 : i32
    %mul3A_85 = arith.muli %add3A, %mul3A_84 : i32
    %add3A_86 = arith.constant 61440 : i32
    %add3A_87 = arith.addi %mul3A_85, %add3A_86 : i32
    %shift_right_arithmetic3A_88 = arith.constant 18 : i32
    %shift_right_arithmetic3A_89 = arith.shrsi %add3A_87, %shift_right_arithmetic3A_88 : i32
    %shift_left3A_90 = arith.constant 18 : i32
    %shift_left3A_91 = arith.shli %shift_right_arithmetic3A_89, %shift_left3A_90 : i32
    %dma_wait3A_92 = arith.constant 1 : i32
    %dma_wait3A_93 = arith.constant 0 : i32
    %dma_wait3A_94 = tpu.memref_slice %arg7[%dma_wait3A_92, %dma_wait3A_93] : memref<2x4096xf32, #tpu.memory_space<vmem>> -> memref<1x4096xf32, #tpu.memory_space<vmem>>
    %dma_wait3A_95 = tpu.memref_squeeze %dma_wait3A_94 : memref<1x4096xf32, #tpu.memory_space<vmem>> -> memref<4096xf32, #tpu.memory_space<vmem>>
    %dma_wait3A_96 = arith.constant 0 : i32
    %dma_wait3A_97 = tpu.memref_slice %arg4[%dma_wait3A_96] : memref<2097152xf32, #tpu.memory_space<hbm>> -> memref<4096xf32, #tpu.memory_space<hbm>>
    %dma_wait3A_98 = arith.constant 0 : i32
    %dma_wait3A_99 = tpu.memref_slice %arg7[%dma_wait3A_92, %dma_wait3A_98] : memref<2x4096xf32, #tpu.memory_space<vmem>> -> memref<1x4096xf32, #tpu.memory_space<vmem>>
    %dma_wait3A_100 = tpu.memref_squeeze %dma_wait3A_99 : memref<1x4096xf32, #tpu.memory_space<vmem>> -> memref<4096xf32, #tpu.memory_space<vmem>>
    %dma_wait3A_101 = arith.constant 0 : i32
    %dma_wait3A_102 = tpu.memref_slice %arg4[%dma_wait3A_101] : memref<2097152xf32, #tpu.memory_space<hbm>> -> memref<4096xf32, #tpu.memory_space<hbm>>
    tpu.wait_dma2 semaphore(%arg20 : memref<!tpu.dma_semaphore, #tpu.memory_space<semaphore_mem>>) src(%dma_wait3A_102 : memref<4096xf32, #tpu.memory_space<hbm>>) dst(%dma_wait3A_100 : memref<4096xf32, #tpu.memory_space<vmem>>)
    %dma_wait3A_103 = arith.constant 1 : i32
    %dma_wait3A_104 = arith.constant 0 : i32
    %dma_wait3A_105 = tpu.memref_slice %arg8[%dma_wait3A_103, %dma_wait3A_104] : memref<2x4096xf32, #tpu.memory_space<vmem>> -> memref<1x4096xf32, #tpu.memory_space<vmem>>
    %dma_wait3A_106 = tpu.memref_squeeze %dma_wait3A_105 : memref<1x4096xf32, #tpu.memory_space<vmem>> -> memref<4096xf32, #tpu.memory_space<vmem>>
    %dma_wait3A_107 = arith.constant 0 : i32
    %dma_wait3A_108 = tpu.memref_slice %arg4[%dma_wait3A_107] : memref<2097152xf32, #tpu.memory_space<hbm>> -> memref<4096xf32, #tpu.memory_space<hbm>>
    %dma_wait3A_109 = arith.constant 0 : i32
    %dma_wait3A_110 = tpu.memref_slice %arg8[%dma_wait3A_103, %dma_wait3A_109] : memref<2x4096xf32, #tpu.memory_space<vmem>> -> memref<1x4096xf32, #tpu.memory_space<vmem>>
    %dma_wait3A_111 = tpu.memref_squeeze %dma_wait3A_110 : memref<1x4096xf32, #tpu.memory_space<vmem>> -> memref<4096xf32, #tpu.memory_space<vmem>>
    %dma_wait3A_112 = arith.constant 0 : i32
    %dma_wait3A_113 = tpu.memref_slice %arg4[%dma_wait3A_112] : memref<2097152xf32, #tpu.memory_space<hbm>> -> memref<4096xf32, #tpu.memory_space<hbm>>
    tpu.wait_dma2 semaphore(%arg20 : memref<!tpu.dma_semaphore, #tpu.memory_space<semaphore_mem>>) src(%dma_wait3A_113 : memref<4096xf32, #tpu.memory_space<hbm>>) dst(%dma_wait3A_111 : memref<4096xf32, #tpu.memory_space<vmem>>)
    %scan3A_114 = arith.constant 0 : i32
    %scan3A_115 = arith.constant 0 : i32
    %scan3A_116 = arith.constant 32 : i32
    %scan3A_117 = arith.addi %scan3A_115, %scan3A_116 : i32
    %scan3A_118 = arith.constant 1 : i32
    %scan3A_119 = scf.for %scan3A_178 = %scan3A_115 to %scan3A_117 step %scan3A_118 iter_args(%scan3A_179 = %scan3A_114) -> (i32)  : i32 {
      %mul3A_180 = arith.constant 8 : i32
      %mul3A_181 = arith.muli %scan3A_178, %mul3A_180 : i32
      %add3A_182 = arith.constant 1 : i32
      %add3A_183 = arith.addi %scan3A_178, %add3A_182 : i32
      %mul3A_184 = arith.constant 8 : i32
      %mul3A_185 = arith.muli %add3A_183, %mul3A_184 : i32
      %parallel_loop3A_186 = arith.constant 1 : i32
      scf.for %parallel_loop3A_214 = %mul3A_181 to %mul3A_185 step %parallel_loop3A_186  : i32 {
        %parallel_loop3A_215 = arith.constant 16 : i32
        %parallel_loop3A_216 = arith.muli %parallel_loop3A_214, %parallel_loop3A_215 : i32
        %parallel_loop3A_217 = arith.constant 1 : i32
        %parallel_loop3A_218 = arith.index_cast %parallel_loop3A_217 : i32 to index
        %parallel_loop3A_219 = arith.index_cast %parallel_loop3A_216 : i32 to index
        %parallel_loop3A_220 = tpu.vector_load %arg7[%parallel_loop3A_218, %parallel_loop3A_219] {strides = array<i32>} : memref<2x4096xf32, #tpu.memory_space<vmem>>, vector<1x16xf32>,
        %parallel_loop3A_221 = vector.shape_cast %parallel_loop3A_220 : vector<1x16xf32> to vector<16xf32>
        %parallel_loop3A_222 = arith.constant 1 : i32
        %parallel_loop3A_223 = arith.index_cast %parallel_loop3A_222 : i32 to index
        %parallel_loop3A_224 = arith.index_cast %parallel_loop3A_216 : i32 to index
        %parallel_loop3A_225 = tpu.vector_load %arg8[%parallel_loop3A_223, %parallel_loop3A_224] {strides = array<i32>} : memref<2x4096xf32, #tpu.memory_space<vmem>>, vector<1x16xf32>,
        %parallel_loop3A_226 = vector.shape_cast %parallel_loop3A_225 : vector<1x16xf32> to vector<16xf32>
        %parallel_loop3A_227 = arith.constant 0.000000e+00 : f32
        %parallel_loop3A_228 = vector.broadcast %parallel_loop3A_227 : f32 to vector<16xf32>
        %parallel_loop3A_229 = arith.maximumf %parallel_loop3A_221, %parallel_loop3A_228 : vector<16xf32>
        %parallel_loop3A_230 = arith.constant 5.110000e+02 : f32
        %parallel_loop3A_231 = vector.broadcast %parallel_loop3A_230 : f32 to vector<16xf32>
        %parallel_loop3A_232 = arith.minimumf %parallel_loop3A_229, %parallel_loop3A_231 : vector<16xf32>
        %parallel_loop3A_233 = arith.constant 0.000000e+00 : f32
        %parallel_loop3A_234 = vector.broadcast %parallel_loop3A_233 : f32 to vector<16xf32>
        %parallel_loop3A_235 = arith.maximumf %parallel_loop3A_226, %parallel_loop3A_234 : vector<16xf32>
        %parallel_loop3A_236 = arith.constant 5.110000e+02 : f32
        %parallel_loop3A_237 = vector.broadcast %parallel_loop3A_236 : f32 to vector<16xf32>
        %parallel_loop3A_238 = arith.minimumf %parallel_loop3A_235, %parallel_loop3A_237 : vector<16xf32>
        %parallel_loop3A_239 = arith.fptosi %parallel_loop3A_232 : vector<16xf32> to vector<16xi32>
        %parallel_loop3A_240 = arith.fptosi %parallel_loop3A_238 : vector<16xf32> to vector<16xi32>
        %parallel_loop3A_241 = arith.sitofp %parallel_loop3A_239 : vector<16xi32> to vector<16xf32>
        %parallel_loop3A_242 = arith.subf %parallel_loop3A_232, %parallel_loop3A_241 : vector<16xf32>
        %parallel_loop3A_243 = arith.sitofp %parallel_loop3A_240 : vector<16xi32> to vector<16xf32>
        %parallel_loop3A_244 = arith.subf %parallel_loop3A_238, %parallel_loop3A_243 : vector<16xf32>
        %parallel_loop3A_245 = arith.constant 1.000000e+00 : f32
        %parallel_loop3A_246 = vector.broadcast %parallel_loop3A_245 : f32 to vector<16xf32>
        %parallel_loop3A_247 = arith.subf %parallel_loop3A_246, %parallel_loop3A_242 : vector<16xf32>
        %parallel_loop3A_248 = arith.constant 1.000000e+00 : f32
        %parallel_loop3A_249 = vector.broadcast %parallel_loop3A_248 : f32 to vector<16xf32>
        %parallel_loop3A_250 = arith.subf %parallel_loop3A_249, %parallel_loop3A_244 : vector<16xf32>
        %parallel_loop3A_251 = arith.mulf %parallel_loop3A_247, %parallel_loop3A_250 : vector<16xf32>
        %parallel_loop3A_252 = arith.mulf %parallel_loop3A_242, %parallel_loop3A_250 : vector<16xf32>
        %parallel_loop3A_253 = arith.mulf %parallel_loop3A_247, %parallel_loop3A_244 : vector<16xf32>
        %parallel_loop3A_254 = arith.mulf %parallel_loop3A_242, %parallel_loop3A_244 : vector<16xf32>
        %parallel_loop3A_255 = arith.constant 9 : i32
        %parallel_loop3A_256 = vector.broadcast %parallel_loop3A_255 : i32 to vector<16xi32>
        %parallel_loop3A_257 = arith.shli %parallel_loop3A_240, %parallel_loop3A_256 : vector<16xi32>
        %parallel_loop3A_258 = vector.broadcast %shift_left3A_91 : i32 to vector<16xi32>
        %parallel_loop3A_259 = arith.addi %parallel_loop3A_258, %parallel_loop3A_257 : vector<16xi32>
        %parallel_loop3A_260 = arith.addi %parallel_loop3A_259, %parallel_loop3A_239 : vector<16xi32>
        %parallel_loop3A_261 = arith.constant 1 : i32
        %parallel_loop3A_262 = arith.index_cast %parallel_loop3A_261 : i32 to index
        %parallel_loop3A_263 = arith.index_cast %parallel_loop3A_216 : i32 to index
        %parallel_loop3A_264 = tpu.vector_load %arg9[%parallel_loop3A_262, %parallel_loop3A_263] {strides = array<i32>} : memref<2x4096xi32, #tpu.memory_space<vmem>>, vector<1x16xi32>,
        %parallel_loop3A_265 = vector.shape_cast %parallel_loop3A_264 : vector<1x16xi32> to vector<16xi32>
        %parallel_loop3A_266 = vector.shape_cast %parallel_loop3A_260 : vector<16xi32> to vector<1x16xi32>
        tpu.vector_store %arg9[%parallel_loop3A_262, %parallel_loop3A_263], %parallel_loop3A_266 {strides = array<i32>} : memref<2x4096xi32, #tpu.memory_space<vmem>>, vector<1x16xi32>,
        %parallel_loop3A_267 = arith.constant 1 : i32
        %parallel_loop3A_268 = arith.index_cast %parallel_loop3A_267 : i32 to index
        %parallel_loop3A_269 = arith.index_cast %parallel_loop3A_216 : i32 to index
        %parallel_loop3A_270 = tpu.vector_load %arg12[%parallel_loop3A_268, %parallel_loop3A_269] {strides = array<i32>} : memref<2x4096xf32, #tpu.memory_space<vmem>>, vector<1x16xf32>,
        %parallel_loop3A_271 = vector.shape_cast %parallel_loop3A_270 : vector<1x16xf32> to vector<16xf32>
        %parallel_loop3A_272 = vector.shape_cast %parallel_loop3A_251 : vector<16xf32> to vector<1x16xf32>
        tpu.vector_store %arg12[%parallel_loop3A_268, %parallel_loop3A_269], %parallel_loop3A_272 {strides = array<i32>} : memref<2x4096xf32, #tpu.memory_space<vmem>>, vector<1x16xf32>,
        %parallel_loop3A_273 = arith.constant 1 : i32
        %parallel_loop3A_274 = arith.index_cast %parallel_loop3A_273 : i32 to index
        %parallel_loop3A_275 = arith.index_cast %parallel_loop3A_216 : i32 to index
        %parallel_loop3A_276 = tpu.vector_load %arg13[%parallel_loop3A_274, %parallel_loop3A_275] {strides = array<i32>} : memref<2x4096xf32, #tpu.memory_space<vmem>>, vector<1x16xf32>,
        %parallel_loop3A_277 = vector.shape_cast %parallel_loop3A_276 : vector<1x16xf32> to vector<16xf32>
        %parallel_loop3A_278 = vector.shape_cast %parallel_loop3A_252 : vector<16xf32> to vector<1x16xf32>
        tpu.vector_store %arg13[%parallel_loop3A_274, %parallel_loop3A_275], %parallel_loop3A_278 {strides = array<i32>} : memref<2x4096xf32, #tpu.memory_space<vmem>>, vector<1x16xf32>,
        %parallel_loop3A_279 = arith.constant 1 : i32
        %parallel_loop3A_280 = arith.index_cast %parallel_loop3A_279 : i32 to index
        %parallel_loop3A_281 = arith.index_cast %parallel_loop3A_216 : i32 to index
        %parallel_loop3A_282 = tpu.vector_load %arg14[%parallel_loop3A_280, %parallel_loop3A_281] {strides = array<i32>} : memref<2x4096xf32, #tpu.memory_space<vmem>>, vector<1x16xf32>,
        %parallel_loop3A_283 = vector.shape_cast %parallel_loop3A_282 : vector<1x16xf32> to vector<16xf32>
        %parallel_loop3A_284 = vector.shape_cast %parallel_loop3A_253 : vector<16xf32> to vector<1x16xf32>
        tpu.vector_store %arg14[%parallel_loop3A_280, %parallel_loop3A_281], %parallel_loop3A_284 {strides = array<i32>} : memref<2x4096xf32, #tpu.memory_space<vmem>>, vector<1x16xf32>,
        %parallel_loop3A_285 = arith.constant 1 : i32
        %parallel_loop3A_286 = arith.index_cast %parallel_loop3A_285 : i32 to index
        %parallel_loop3A_287 = arith.index_cast %parallel_loop3A_216 : i32 to index
        %parallel_loop3A_288 = tpu.vector_load %arg15[%parallel_loop3A_286, %parallel_loop3A_287] {strides = array<i32>} : memref<2x4096xf32, #tpu.memory_space<vmem>>, vector<1x16xf32>,
        %parallel_loop3A_289 = vector.shape_cast %parallel_loop3A_288 : vector<1x16xf32> to vector<16xf32>
        %parallel_loop3A_290 = vector.shape_cast %parallel_loop3A_254 : vector<16xf32> to vector<1x16xf32>
        tpu.vector_store %arg15[%parallel_loop3A_286, %parallel_loop3A_287], %parallel_loop3A_290 {strides = array<i32>} : memref<2x4096xf32, #tpu.memory_space<vmem>>, vector<1x16xf32>,
      } {sc.loop_unroll_factor = 4 : i64, sc.parallel_access}
      %mul3A_187 = arith.constant 128 : i32
      %mul3A_188 = arith.muli %scan3A_178, %mul3A_187 : i32
      %dma_start3A_189 = arith.constant 1 : i32
      %dma_start3A_190 = arith.constant 1 : i32
      %dma_start3A_191 = arith.constant 0 : i32
      %dma_start3A_192 = tpu.memref_slice %arg10[%dma_start3A_190, %dma_start3A_191] : memref<2x4096xi32, #tpu.memory_space<vmem>> -> memref<1x4096xi32, #tpu.memory_space<vmem>>
      %dma_start3A_193 = tpu.memref_squeeze %dma_start3A_192 : memref<1x4096xi32, #tpu.memory_space<vmem>> -> memref<4096xi32, #tpu.memory_space<vmem>>
      %dma_start3A_194 = tpu.memref_slice %dma_start3A_193[%mul3A_188] : memref<4096xi32, #tpu.memory_space<vmem>> -> memref<128xi32, #tpu.memory_space<vmem>>
      %dma_start3A_195 = arith.constant 0 : i32
      %dma_start3A_196 = tpu.memref_slice %arg9[%dma_start3A_189, %dma_start3A_195] : memref<2x4096xi32, #tpu.memory_space<vmem>> -> memref<1x4096xi32, #tpu.memory_space<vmem>>
      %dma_start3A_197 = tpu.memref_squeeze %dma_start3A_196 : memref<1x4096xi32, #tpu.memory_space<vmem>> -> memref<4096xi32, #tpu.memory_space<vmem>>
      %dma_start3A_198 = tpu.memref_slice %dma_start3A_197[%mul3A_188] : memref<4096xi32, #tpu.memory_space<vmem>> -> memref<128xi32, #tpu.memory_space<vmem>>
      %dma_start3A_199 = arith.constant 0 : i32
      %dma_start3A_200 = tpu.memref_slice %arg2[%dma_start3A_199] : memref<2097152xi32, #tpu.memory_space<hbm>> -> memref<2097152xi32, #tpu.memory_space<hbm>>
      tpu.enqueue_indirect_dma source(%dma_start3A_200 : memref<2097152xi32, #tpu.memory_space<hbm>>) target(%dma_start3A_194 : memref<128xi32, #tpu.memory_space<vmem>>) offsets(%dma_start3A_198 : memref<128xi32, #tpu.memory_space<vmem>>) semaphore(%arg19 : memref<!tpu.dma_semaphore, #tpu.memory_space<semaphore_mem>>)
      %dma_start3A_201 = arith.constant 1 : i32
      %dma_start3A_202 = arith.constant 1 : i32
      %dma_start3A_203 = arith.constant 0 : i32
      %dma_start3A_204 = tpu.memref_slice %arg11[%dma_start3A_202, %dma_start3A_203] : memref<2x4096xi32, #tpu.memory_space<vmem>> -> memref<1x4096xi32, #tpu.memory_space<vmem>>
      %dma_start3A_205 = tpu.memref_squeeze %dma_start3A_204 : memref<1x4096xi32, #tpu.memory_space<vmem>> -> memref<4096xi32, #tpu.memory_space<vmem>>
      %dma_start3A_206 = tpu.memref_slice %dma_start3A_205[%mul3A_188] : memref<4096xi32, #tpu.memory_space<vmem>> -> memref<128xi32, #tpu.memory_space<vmem>>
      %dma_start3A_207 = arith.constant 0 : i32
      %dma_start3A_208 = tpu.memref_slice %arg9[%dma_start3A_201, %dma_start3A_207] : memref<2x4096xi32, #tpu.memory_space<vmem>> -> memref<1x4096xi32, #tpu.memory_space<vmem>>
      %dma_start3A_209 = tpu.memref_squeeze %dma_start3A_208 : memref<1x4096xi32, #tpu.memory_space<vmem>> -> memref<4096xi32, #tpu.memory_space<vmem>>
      %dma_start3A_210 = tpu.memref_slice %dma_start3A_209[%mul3A_188] : memref<4096xi32, #tpu.memory_space<vmem>> -> memref<128xi32, #tpu.memory_space<vmem>>
      %dma_start3A_211 = arith.constant 0 : i32
      %dma_start3A_212 = tpu.memref_slice %arg3[%dma_start3A_211] : memref<2097152xi32, #tpu.memory_space<hbm>> -> memref<2097152xi32, #tpu.memory_space<hbm>>
      tpu.enqueue_indirect_dma source(%dma_start3A_212 : memref<2097152xi32, #tpu.memory_space<hbm>>) target(%dma_start3A_206 : memref<128xi32, #tpu.memory_space<vmem>>) offsets(%dma_start3A_210 : memref<128xi32, #tpu.memory_space<vmem>>) semaphore(%arg19 : memref<!tpu.dma_semaphore, #tpu.memory_space<semaphore_mem>>)
      %scan3A_213 = arith.constant 0 : i32
      scf.yield %scan3A_213 : i32
    }
    %scan3A_120 = arith.constant 32 : i32
    %mul3A_121 = arith.constant 65536 : i32
    %mul3A_122 = arith.muli %add3A, %mul3A_121 : i32
    %add3A_123 = arith.constant 57344 : i32
    %add3A_124 = arith.addi %mul3A_122, %add3A_123 : i32
    %dma_wait3A_125 = arith.constant 0 : i32
    %dma_wait3A_126 = arith.constant 0 : i32
    %dma_wait3A_127 = tpu.memref_slice %arg10[%dma_wait3A_125, %dma_wait3A_126] : memref<2x4096xi32, #tpu.memory_space<vmem>> -> memref<1x4096xi32, #tpu.memory_space<vmem>>
    %dma_wait3A_128 = tpu.memref_squeeze %dma_wait3A_127 : memref<1x4096xi32, #tpu.memory_space<vmem>> -> memref<4096xi32, #tpu.memory_space<vmem>>
    %dma_wait3A_129 = arith.constant 0 : i32
    %dma_wait3A_130 = tpu.memref_slice %arg2[%dma_wait3A_129] : memref<2097152xi32, #tpu.memory_space<hbm>> -> memref<4096xi32, #tpu.memory_space<hbm>>
    %dma_wait3A_131 = arith.constant 0 : i32
    %dma_wait3A_132 = tpu.memref_slice %arg10[%dma_wait3A_125, %dma_wait3A_131] : memref<2x4096xi32, #tpu.memory_space<vmem>> -> memref<1x4096xi32, #tpu.memory_space<vmem>>
    %dma_wait3A_133 = tpu.memref_squeeze %dma_wait3A_132 : memref<1x4096xi32, #tpu.memory_space<vmem>> -> memref<4096xi32, #tpu.memory_space<vmem>>
    %dma_wait3A_134 = arith.constant 0 : i32
    %dma_wait3A_135 = tpu.memref_slice %arg2[%dma_wait3A_134] : memref<2097152xi32, #tpu.memory_space<hbm>> -> memref<4096xi32, #tpu.memory_space<hbm>>
    tpu.wait_dma2 semaphore(%arg18 : memref<!tpu.dma_semaphore, #tpu.memory_space<semaphore_mem>>) src(%dma_wait3A_135 : memref<4096xi32, #tpu.memory_space<hbm>>) dst(%dma_wait3A_133 : memref<4096xi32, #tpu.memory_space<vmem>>)
    %dma_wait3A_136 = arith.constant 0 : i32
    %dma_wait3A_137 = arith.constant 0 : i32
    %dma_wait3A_138 = tpu.memref_slice %arg11[%dma_wait3A_136, %dma_wait3A_137] : memref<2x4096xi32, #tpu.memory_space<vmem>> -> memref<1x4096xi32, #tpu.memory_space<vmem>>
    %dma_wait3A_139 = tpu.memref_squeeze %dma_wait3A_138 : memref<1x4096xi32, #tpu.memory_space<vmem>> -> memref<4096xi32, #tpu.memory_space<vmem>>
    %dma_wait3A_140 = arith.constant 0 : i32
    %dma_wait3A_141 = tpu.memref_slice %arg2[%dma_wait3A_140] : memref<2097152xi32, #tpu.memory_space<hbm>> -> memref<4096xi32, #tpu.memory_space<hbm>>
    %dma_wait3A_142 = arith.constant 0 : i32
    %dma_wait3A_143 = tpu.memref_slice %arg11[%dma_wait3A_136, %dma_wait3A_142] : memref<2x4096xi32, #tpu.memory_space<vmem>> -> memref<1x4096xi32, #tpu.memory_space<vmem>>
    %dma_wait3A_144 = tpu.memref_squeeze %dma_wait3A_143 : memref<1x4096xi32, #tpu.memory_space<vmem>> -> memref<4096xi32, #tpu.memory_space<vmem>>
    %dma_wait3A_145 = arith.constant 0 : i32
    %dma_wait3A_146 = tpu.memref_slice %arg2[%dma_wait3A_145] : memref<2097152xi32, #tpu.memory_space<hbm>> -> memref<4096xi32, #tpu.memory_space<hbm>>
    tpu.wait_dma2 semaphore(%arg18 : memref<!tpu.dma_semaphore, #tpu.memory_space<semaphore_mem>>) src(%dma_wait3A_146 : memref<4096xi32, #tpu.memory_space<hbm>>) dst(%dma_wait3A_144 : memref<4096xi32, #tpu.memory_space<vmem>>)
    %parallel_loop3A = arith.constant 0 : i32
    %parallel_loop3A_147 = arith.constant 256 : i32
    %parallel_loop3A_148 = arith.constant 1 : i32
    scf.for %parallel_loop3A_178 = %parallel_loop3A to %parallel_loop3A_147 step %parallel_loop3A_148  : i32 {
      %parallel_loop3A_179 = arith.constant 16 : i32
      %parallel_loop3A_180 = arith.muli %parallel_loop3A_178, %parallel_loop3A_179 : i32
      %parallel_loop3A_181 = arith.constant 0 : i32
      %parallel_loop3A_182 = arith.index_cast %parallel_loop3A_181 : i32 to index
      %parallel_loop3A_183 = arith.index_cast %parallel_loop3A_180 : i32 to index
      %parallel_loop3A_184 = tpu.vector_load %arg10[%parallel_loop3A_182, %parallel_loop3A_183] {strides = array<i32>} : memref<2x4096xi32, #tpu.memory_space<vmem>>, vector<1x16xi32>,
      %parallel_loop3A_185 = vector.shape_cast %parallel_loop3A_184 : vector<1x16xi32> to vector<16xi32>
      %parallel_loop3A_186 = arith.constant 16 : i32
      %parallel_loop3A_187 = vector.broadcast %parallel_loop3A_186 : i32 to vector<16xi32>
      %parallel_loop3A_188 = arith.shli %parallel_loop3A_185, %parallel_loop3A_187 : vector<16xi32>
      %parallel_loop3A_189 = arith.constant 0 : i32
      %parallel_loop3A_190 = arith.index_cast %parallel_loop3A_189 : i32 to index
      %parallel_loop3A_191 = arith.index_cast %parallel_loop3A_180 : i32 to index
      %parallel_loop3A_192 = tpu.vector_load %arg17[%parallel_loop3A_190, %parallel_loop3A_191] {strides = array<i32>} : memref<2x4096xi32, #tpu.memory_space<vmem>>, vector<1x16xi32>,
      %parallel_loop3A_193 = vector.shape_cast %parallel_loop3A_192 : vector<1x16xi32> to vector<16xi32>
      %parallel_loop3A_194 = vector.shape_cast %parallel_loop3A_188 : vector<16xi32> to vector<1x16xi32>
      tpu.vector_store %arg17[%parallel_loop3A_190, %parallel_loop3A_191], %parallel_loop3A_194 {strides = array<i32>} : memref<2x4096xi32, #tpu.memory_space<vmem>>, vector<1x16xi32>,
      %parallel_loop3A_195 = arith.constant 0 : i32
      %parallel_loop3A_196 = arith.index_cast %parallel_loop3A_195 : i32 to index
      %parallel_loop3A_197 = arith.index_cast %parallel_loop3A_180 : i32 to index
      %parallel_loop3A_198 = tpu.vector_load %arg11[%parallel_loop3A_196, %parallel_loop3A_197] {strides = array<i32>} : memref<2x4096xi32, #tpu.memory_space<vmem>>, vector<1x16xi32>,
      %parallel_loop3A_199 = vector.shape_cast %parallel_loop3A_198 : vector<1x16xi32> to vector<16xi32>
      %parallel_loop3A_200 = arith.constant 16 : i32
      %parallel_loop3A_201 = vector.broadcast %parallel_loop3A_200 : i32 to vector<16xi32>
      %parallel_loop3A_202 = arith.shli %parallel_loop3A_199, %parallel_loop3A_201 : vector<16xi32>
      %parallel_loop3A_203 = arith.constant 1 : i32
      %parallel_loop3A_204 = arith.index_cast %parallel_loop3A_203 : i32 to index
      %parallel_loop3A_205 = arith.index_cast %parallel_loop3A_180 : i32 to index
      %parallel_loop3A_206 = tpu.vector_load %arg17[%parallel_loop3A_204, %parallel_loop3A_205] {strides = array<i32>} : memref<2x4096xi32, #tpu.memory_space<vmem>>, vector<1x16xi32>,
      %parallel_loop3A_207 = vector.shape_cast %parallel_loop3A_206 : vector<1x16xi32> to vector<16xi32>
      %parallel_loop3A_208 = vector.shape_cast %parallel_loop3A_202 : vector<16xi32> to vector<1x16xi32>
      tpu.vector_store %arg17[%parallel_loop3A_204, %parallel_loop3A_205], %parallel_loop3A_208 {strides = array<i32>} : memref<2x4096xi32, #tpu.memory_space<vmem>>, vector<1x16xi32>,
      %parallel_loop3A_209 = arith.constant 0 : i32
      %parallel_loop3A_210 = arith.index_cast %parallel_loop3A_209 : i32 to index
      %parallel_loop3A_211 = arith.index_cast %parallel_loop3A_180 : i32 to index
      %parallel_loop3A_212 = tpu.vector_load %arg12[%parallel_loop3A_210, %parallel_loop3A_211] {strides = array<i32>} : memref<2x4096xf32, #tpu.memory_space<vmem>>, vector<1x16xf32>,
      %parallel_loop3A_213 = vector.shape_cast %parallel_loop3A_212 : vector<1x16xf32> to vector<16xf32>
      %parallel_loop3A_214 = arith.constant 0 : i32
      %parallel_loop3A_215 = tpu.memref_bitcast %arg17 : memref<2x4096xi32, #tpu.memory_space<vmem>> -> memref<2x4096xf32, #tpu.memory_space<vmem>>
      %parallel_loop3A_216 = arith.index_cast %parallel_loop3A_214 : i32 to index
      %parallel_loop3A_217 = arith.index_cast %parallel_loop3A_180 : i32 to index
      %parallel_loop3A_218 = tpu.vector_load %parallel_loop3A_215[%parallel_loop3A_216, %parallel_loop3A_217] {strides = array<i32>} : memref<2x4096xf32, #tpu.memory_space<vmem>>, vector<1x16xf32>,
      %parallel_loop3A_219 = vector.shape_cast %parallel_loop3A_218 : vector<1x16xf32> to vector<16xf32>
      %parallel_loop3A_220 = arith.mulf %parallel_loop3A_213, %parallel_loop3A_219 : vector<16xf32>
      %parallel_loop3A_221 = arith.constant 0 : i32
      %parallel_loop3A_222 = arith.index_cast %parallel_loop3A_221 : i32 to index
      %parallel_loop3A_223 = arith.index_cast %parallel_loop3A_180 : i32 to index
      %parallel_loop3A_224 = tpu.vector_load %arg13[%parallel_loop3A_222, %parallel_loop3A_223] {strides = array<i32>} : memref<2x4096xf32, #tpu.memory_space<vmem>>, vector<1x16xf32>,
      %parallel_loop3A_225 = vector.shape_cast %parallel_loop3A_224 : vector<1x16xf32> to vector<16xf32>
      %parallel_loop3A_226 = arith.constant 0 : i32
      %parallel_loop3A_227 = tpu.memref_bitcast %arg10 : memref<2x4096xi32, #tpu.memory_space<vmem>> -> memref<2x4096xf32, #tpu.memory_space<vmem>>
      %parallel_loop3A_228 = arith.index_cast %parallel_loop3A_226 : i32 to index
      %parallel_loop3A_229 = arith.index_cast %parallel_loop3A_180 : i32 to index
      %parallel_loop3A_230 = tpu.vector_load %parallel_loop3A_227[%parallel_loop3A_228, %parallel_loop3A_229] {strides = array<i32>} : memref<2x4096xf32, #tpu.memory_space<vmem>>, vector<1x16xf32>,
      %parallel_loop3A_231 = vector.shape_cast %parallel_loop3A_230 : vector<1x16xf32> to vector<16xf32>
      %parallel_loop3A_232 = arith.mulf %parallel_loop3A_225, %parallel_loop3A_231 : vector<16xf32>
      %parallel_loop3A_233 = arith.addf %parallel_loop3A_220, %parallel_loop3A_232 : vector<16xf32>
      %parallel_loop3A_234 = arith.constant 0 : i32
      %parallel_loop3A_235 = arith.index_cast %parallel_loop3A_234 : i32 to index
      %parallel_loop3A_236 = arith.index_cast %parallel_loop3A_180 : i32 to index
      %parallel_loop3A_237 = tpu.vector_load %arg14[%parallel_loop3A_235, %parallel_loop3A_236] {strides = array<i32>} : memref<2x4096xf32, #tpu.memory_space<vmem>>, vector<1x16xf32>,
      %parallel_loop3A_238 = vector.shape_cast %parallel_loop3A_237 : vector<1x16xf32> to vector<16xf32>
      %parallel_loop3A_239 = arith.constant 1 : i32
      %parallel_loop3A_240 = tpu.memref_bitcast %arg17 : memref<2x4096xi32, #tpu.memory_space<vmem>> -> memref<2x4096xf32, #tpu.memory_space<vmem>>
      %parallel_loop3A_241 = arith.index_cast %parallel_loop3A_239 : i32 to index
      %parallel_loop3A_242 = arith.index_cast %parallel_loop3A_180 : i32 to index
      %parallel_loop3A_243 = tpu.vector_load %parallel_loop3A_240[%parallel_loop3A_241, %parallel_loop3A_242] {strides = array<i32>} : memref<2x4096xf32, #tpu.memory_space<vmem>>, vector<1x16xf32>,
      %parallel_loop3A_244 = vector.shape_cast %parallel_loop3A_243 : vector<1x16xf32> to vector<16xf32>
      %parallel_loop3A_245 = arith.mulf %parallel_loop3A_238, %parallel_loop3A_244 : vector<16xf32>
      %parallel_loop3A_246 = arith.addf %parallel_loop3A_233, %parallel_loop3A_245 : vector<16xf32>
      %parallel_loop3A_247 = arith.constant 0 : i32
      %parallel_loop3A_248 = arith.index_cast %parallel_loop3A_247 : i32 to index
      %parallel_loop3A_249 = arith.index_cast %parallel_loop3A_180 : i32 to index
      %parallel_loop3A_250 = tpu.vector_load %arg15[%parallel_loop3A_248, %parallel_loop3A_249] {strides = array<i32>} : memref<2x4096xf32, #tpu.memory_space<vmem>>, vector<1x16xf32>,
      %parallel_loop3A_251 = vector.shape_cast %parallel_loop3A_250 : vector<1x16xf32> to vector<16xf32>
      %parallel_loop3A_252 = arith.constant 0 : i32
      %parallel_loop3A_253 = tpu.memref_bitcast %arg11 : memref<2x4096xi32, #tpu.memory_space<vmem>> -> memref<2x4096xf32, #tpu.memory_space<vmem>>
      %parallel_loop3A_254 = arith.index_cast %parallel_loop3A_252 : i32 to index
      %parallel_loop3A_255 = arith.index_cast %parallel_loop3A_180 : i32 to index
      %parallel_loop3A_256 = tpu.vector_load %parallel_loop3A_253[%parallel_loop3A_254, %parallel_loop3A_255] {strides = array<i32>} : memref<2x4096xf32, #tpu.memory_space<vmem>>, vector<1x16xf32>,
      %parallel_loop3A_257 = vector.shape_cast %parallel_loop3A_256 : vector<1x16xf32> to vector<16xf32>
      %parallel_loop3A_258 = arith.mulf %parallel_loop3A_251, %parallel_loop3A_257 : vector<16xf32>
      %parallel_loop3A_259 = arith.addf %parallel_loop3A_246, %parallel_loop3A_258 : vector<16xf32>
      %parallel_loop3A_260 = arith.index_cast %parallel_loop3A_180 : i32 to index
      %parallel_loop3A_261 = tpu.vector_load %arg16[%parallel_loop3A_260] {strides = array<i32>} : memref<4096xf32, #tpu.memory_space<vmem>>, vector<16xf32>,
      %parallel_loop3A_262 = vector.shape_cast %parallel_loop3A_261 : vector<16xf32> to vector<16xf32>
      %parallel_loop3A_263 = vector.shape_cast %parallel_loop3A_259 : vector<16xf32> to vector<16xf32>
      tpu.vector_store %arg16[%parallel_loop3A_260], %parallel_loop3A_263 {strides = array<i32>} : memref<4096xf32, #tpu.memory_space<vmem>>, vector<16xf32>,
    } {sc.loop_unroll_factor = 4 : i64, sc.parallel_access}
    "tpu.region"() ({
      %run_scoped3A = tpu.sem_alloc : memref<!tpu.dma_semaphore, #tpu.memory_space<semaphore_mem>>
      %dma_start3A_178 = tpu.memref_slice %arg6[%add3A_124] : memref<2097152xf32, #tpu.memory_space<hbm>> -> memref<4096xf32, #tpu.memory_space<hbm>>
      %dma_start3A_179 = tpu.memref_slice %arg6[%add3A_124] : memref<2097152xf32, #tpu.memory_space<hbm>> -> memref<4096xf32, #tpu.memory_space<hbm>>
      tpu.enqueue_dma source(%arg16 : memref<4096xf32, #tpu.memory_space<vmem>>) target(%dma_start3A_179 : memref<4096xf32, #tpu.memory_space<hbm>>) target_semaphore(%run_scoped3A : memref<!tpu.dma_semaphore, #tpu.memory_space<semaphore_mem>>)
      %dma_wait3A_180 = tpu.memref_slice %arg6[%add3A_124] : memref<2097152xf32, #tpu.memory_space<hbm>> -> memref<4096xf32, #tpu.memory_space<hbm>>
      %dma_wait3A_181 = tpu.memref_slice %arg6[%add3A_124] : memref<2097152xf32, #tpu.memory_space<hbm>> -> memref<4096xf32, #tpu.memory_space<hbm>>
      tpu.wait_dma2 semaphore(%run_scoped3A : memref<!tpu.dma_semaphore, #tpu.memory_space<semaphore_mem>>) src(%arg16 : memref<4096xf32, #tpu.memory_space<vmem>>) dst(%dma_wait3A_181 : memref<4096xf32, #tpu.memory_space<hbm>>)
      tpu.yield
    }) : () -> ()
    %mul3A_149 = arith.constant 65536 : i32
    %mul3A_150 = arith.muli %add3A, %mul3A_149 : i32
    %add3A_151 = arith.constant 61440 : i32
    %add3A_152 = arith.addi %mul3A_150, %add3A_151 : i32
    %dma_wait3A_153 = arith.constant 1 : i32
    %dma_wait3A_154 = arith.constant 0 : i32
    %dma_wait3A_155 = tpu.memref_slice %arg10[%dma_wait3A_153, %dma_wait3A_154] : memref<2x4096xi32, #tpu.memory_space<vmem>> -> memref<1x4096xi32, #tpu.memory_space<vmem>>
    %dma_wait3A_156 = tpu.memref_squeeze %dma_wait3A_155 : memref<1x4096xi32, #tpu.memory_space<vmem>> -> memref<4096xi32, #tpu.memory_space<vmem>>
    %dma_wait3A_157 = arith.constant 0 : i32
    %dma_wait3A_158 = tpu.memref_slice %arg2[%dma_wait3A_157] : memref<2097152xi32, #tpu.memory_space<hbm>> -> memref<4096xi32, #tpu.memory_space<hbm>>
    %dma_wait3A_159 = arith.constant 0 : i32
    %dma_wait3A_160 = tpu.memref_slice %arg10[%dma_wait3A_153, %dma_wait3A_159] : memref<2x4096xi32, #tpu.memory_space<vmem>> -> memref<1x4096xi32, #tpu.memory_space<vmem>>
    %dma_wait3A_161 = tpu.memref_squeeze %dma_wait3A_160 : memref<1x4096xi32, #tpu.memory_space<vmem>> -> memref<4096xi32, #tpu.memory_space<vmem>>
    %dma_wait3A_162 = arith.constant 0 : i32
    %dma_wait3A_163 = tpu.memref_slice %arg2[%dma_wait3A_162] : memref<2097152xi32, #tpu.memory_space<hbm>> -> memref<4096xi32, #tpu.memory_space<hbm>>
    tpu.wait_dma2 semaphore(%arg19 : memref<!tpu.dma_semaphore, #tpu.memory_space<semaphore_mem>>) src(%dma_wait3A_163 : memref<4096xi32, #tpu.memory_space<hbm>>) dst(%dma_wait3A_161 : memref<4096xi32, #tpu.memory_space<vmem>>)
    %dma_wait3A_164 = arith.constant 1 : i32
    %dma_wait3A_165 = arith.constant 0 : i32
    %dma_wait3A_166 = tpu.memref_slice %arg11[%dma_wait3A_164, %dma_wait3A_165] : memref<2x4096xi32, #tpu.memory_space<vmem>> -> memref<1x4096xi32, #tpu.memory_space<vmem>>
    %dma_wait3A_167 = tpu.memref_squeeze %dma_wait3A_166 : memref<1x4096xi32, #tpu.memory_space<vmem>> -> memref<4096xi32, #tpu.memory_space<vmem>>
    %dma_wait3A_168 = arith.constant 0 : i32
    %dma_wait3A_169 = tpu.memref_slice %arg2[%dma_wait3A_168] : memref<2097152xi32, #tpu.memory_space<hbm>> -> memref<4096xi32, #tpu.memory_space<hbm>>
    %dma_wait3A_170 = arith.constant 0 : i32
    %dma_wait3A_171 = tpu.memref_slice %arg11[%dma_wait3A_164, %dma_wait3A_170] : memref<2x4096xi32, #tpu.memory_space<vmem>> -> memref<1x4096xi32, #tpu.memory_space<vmem>>
    %dma_wait3A_172 = tpu.memref_squeeze %dma_wait3A_171 : memref<1x4096xi32, #tpu.memory_space<vmem>> -> memref<4096xi32, #tpu.memory_space<vmem>>
    %dma_wait3A_173 = arith.constant 0 : i32
    %dma_wait3A_174 = tpu.memref_slice %arg2[%dma_wait3A_173] : memref<2097152xi32, #tpu.memory_space<hbm>> -> memref<4096xi32, #tpu.memory_space<hbm>>
    tpu.wait_dma2 semaphore(%arg19 : memref<!tpu.dma_semaphore, #tpu.memory_space<semaphore_mem>>) src(%dma_wait3A_174 : memref<4096xi32, #tpu.memory_space<hbm>>) dst(%dma_wait3A_172 : memref<4096xi32, #tpu.memory_space<vmem>>)
    %parallel_loop3A_175 = arith.constant 0 : i32
    %parallel_loop3A_176 = arith.constant 256 : i32
    %parallel_loop3A_177 = arith.constant 1 : i32
    scf.for %parallel_loop3A_178 = %parallel_loop3A_175 to %parallel_loop3A_176 step %parallel_loop3A_177  : i32 {
      %parallel_loop3A_179 = arith.constant 16 : i32
      %parallel_loop3A_180 = arith.muli %parallel_loop3A_178, %parallel_loop3A_179 : i32
      %parallel_loop3A_181 = arith.constant 1 : i32
      %parallel_loop3A_182 = arith.index_cast %parallel_loop3A_181 : i32 to index
      %parallel_loop3A_183 = arith.index_cast %parallel_loop3A_180 : i32 to index
      %parallel_loop3A_184 = tpu.vector_load %arg10[%parallel_loop3A_182, %parallel_loop3A_183] {strides = array<i32>} : memref<2x4096xi32, #tpu.memory_space<vmem>>, vector<1x16xi32>,
      %parallel_loop3A_185 = vector.shape_cast %parallel_loop3A_184 : vector<1x16xi32> to vector<16xi32>
      %parallel_loop3A_186 = arith.constant 16 : i32
      %parallel_loop3A_187 = vector.broadcast %parallel_loop3A_186 : i32 to vector<16xi32>
      %parallel_loop3A_188 = arith.shli %parallel_loop3A_185, %parallel_loop3A_187 : vector<16xi32>
      %parallel_loop3A_189 = arith.constant 0 : i32
      %parallel_loop3A_190 = arith.index_cast %parallel_loop3A_189 : i32 to index
      %parallel_loop3A_191 = arith.index_cast %parallel_loop3A_180 : i32 to index
      %parallel_loop3A_192 = tpu.vector_load %arg17[%parallel_loop3A_190, %parallel_loop3A_191] {strides = array<i32>} : memref<2x4096xi32, #tpu.memory_space<vmem>>, vector<1x16xi32>,
      %parallel_loop3A_193 = vector.shape_cast %parallel_loop3A_192 : vector<1x16xi32> to vector<16xi32>
      %parallel_loop3A_194 = vector.shape_cast %parallel_loop3A_188 : vector<16xi32> to vector<1x16xi32>
      tpu.vector_store %arg17[%parallel_loop3A_190, %parallel_loop3A_191], %parallel_loop3A_194 {strides = array<i32>} : memref<2x4096xi32, #tpu.memory_space<vmem>>, vector<1x16xi32>,
      %parallel_loop3A_195 = arith.constant 1 : i32
      %parallel_loop3A_196 = arith.index_cast %parallel_loop3A_195 : i32 to index
      %parallel_loop3A_197 = arith.index_cast %parallel_loop3A_180 : i32 to index
      %parallel_loop3A_198 = tpu.vector_load %arg11[%parallel_loop3A_196, %parallel_loop3A_197] {strides = array<i32>} : memref<2x4096xi32, #tpu.memory_space<vmem>>, vector<1x16xi32>,
      %parallel_loop3A_199 = vector.shape_cast %parallel_loop3A_198 : vector<1x16xi32> to vector<16xi32>
      %parallel_loop3A_200 = arith.constant 16 : i32
      %parallel_loop3A_201 = vector.broadcast %parallel_loop3A_200 : i32 to vector<16xi32>
      %parallel_loop3A_202 = arith.shli %parallel_loop3A_199, %parallel_loop3A_201 : vector<16xi32>
      %parallel_loop3A_203 = arith.constant 1 : i32
      %parallel_loop3A_204 = arith.index_cast %parallel_loop3A_203 : i32 to index
      %parallel_loop3A_205 = arith.index_cast %parallel_loop3A_180 : i32 to index
      %parallel_loop3A_206 = tpu.vector_load %arg17[%parallel_loop3A_204, %parallel_loop3A_205] {strides = array<i32>} : memref<2x4096xi32, #tpu.memory_space<vmem>>, vector<1x16xi32>,
      %parallel_loop3A_207 = vector.shape_cast %parallel_loop3A_206 : vector<1x16xi32> to vector<16xi32>
      %parallel_loop3A_208 = vector.shape_cast %parallel_loop3A_202 : vector<16xi32> to vector<1x16xi32>
      tpu.vector_store %arg17[%parallel_loop3A_204, %parallel_loop3A_205], %parallel_loop3A_208 {strides = array<i32>} : memref<2x4096xi32, #tpu.memory_space<vmem>>, vector<1x16xi32>,
      %parallel_loop3A_209 = arith.constant 1 : i32
      %parallel_loop3A_210 = arith.index_cast %parallel_loop3A_209 : i32 to index
      %parallel_loop3A_211 = arith.index_cast %parallel_loop3A_180 : i32 to index
      %parallel_loop3A_212 = tpu.vector_load %arg12[%parallel_loop3A_210, %parallel_loop3A_211] {strides = array<i32>} : memref<2x4096xf32, #tpu.memory_space<vmem>>, vector<1x16xf32>,
      %parallel_loop3A_213 = vector.shape_cast %parallel_loop3A_212 : vector<1x16xf32> to vector<16xf32>
      %parallel_loop3A_214 = arith.constant 0 : i32
      %parallel_loop3A_215 = tpu.memref_bitcast %arg17 : memref<2x4096xi32, #tpu.memory_space<vmem>> -> memref<2x4096xf32, #tpu.memory_space<vmem>>
      %parallel_loop3A_216 = arith.index_cast %parallel_loop3A_214 : i32 to index
      %parallel_loop3A_217 = arith.index_cast %parallel_loop3A_180 : i32 to index
      %parallel_loop3A_218 = tpu.vector_load %parallel_loop3A_215[%parallel_loop3A_216, %parallel_loop3A_217] {strides = array<i32>} : memref<2x4096xf32, #tpu.memory_space<vmem>>, vector<1x16xf32>,
      %parallel_loop3A_219 = vector.shape_cast %parallel_loop3A_218 : vector<1x16xf32> to vector<16xf32>
      %parallel_loop3A_220 = arith.mulf %parallel_loop3A_213, %parallel_loop3A_219 : vector<16xf32>
      %parallel_loop3A_221 = arith.constant 1 : i32
      %parallel_loop3A_222 = arith.index_cast %parallel_loop3A_221 : i32 to index
      %parallel_loop3A_223 = arith.index_cast %parallel_loop3A_180 : i32 to index
      %parallel_loop3A_224 = tpu.vector_load %arg13[%parallel_loop3A_222, %parallel_loop3A_223] {strides = array<i32>} : memref<2x4096xf32, #tpu.memory_space<vmem>>, vector<1x16xf32>,
      %parallel_loop3A_225 = vector.shape_cast %parallel_loop3A_224 : vector<1x16xf32> to vector<16xf32>
      %parallel_loop3A_226 = arith.constant 1 : i32
      %parallel_loop3A_227 = tpu.memref_bitcast %arg10 : memref<2x4096xi32, #tpu.memory_space<vmem>> -> memref<2x4096xf32, #tpu.memory_space<vmem>>
      %parallel_loop3A_228 = arith.index_cast %parallel_loop3A_226 : i32 to index
      %parallel_loop3A_229 = arith.index_cast %parallel_loop3A_180 : i32 to index
      %parallel_loop3A_230 = tpu.vector_load %parallel_loop3A_227[%parallel_loop3A_228, %parallel_loop3A_229] {strides = array<i32>} : memref<2x4096xf32, #tpu.memory_space<vmem>>, vector<1x16xf32>,
      %parallel_loop3A_231 = vector.shape_cast %parallel_loop3A_230 : vector<1x16xf32> to vector<16xf32>
      %parallel_loop3A_232 = arith.mulf %parallel_loop3A_225, %parallel_loop3A_231 : vector<16xf32>
      %parallel_loop3A_233 = arith.addf %parallel_loop3A_220, %parallel_loop3A_232 : vector<16xf32>
      %parallel_loop3A_234 = arith.constant 1 : i32
      %parallel_loop3A_235 = arith.index_cast %parallel_loop3A_234 : i32 to index
      %parallel_loop3A_236 = arith.index_cast %parallel_loop3A_180 : i32 to index
      %parallel_loop3A_237 = tpu.vector_load %arg14[%parallel_loop3A_235, %parallel_loop3A_236] {strides = array<i32>} : memref<2x4096xf32, #tpu.memory_space<vmem>>, vector<1x16xf32>,
      %parallel_loop3A_238 = vector.shape_cast %parallel_loop3A_237 : vector<1x16xf32> to vector<16xf32>
      %parallel_loop3A_239 = arith.constant 1 : i32
      %parallel_loop3A_240 = tpu.memref_bitcast %arg17 : memref<2x4096xi32, #tpu.memory_space<vmem>> -> memref<2x4096xf32, #tpu.memory_space<vmem>>
      %parallel_loop3A_241 = arith.index_cast %parallel_loop3A_239 : i32 to index
      %parallel_loop3A_242 = arith.index_cast %parallel_loop3A_180 : i32 to index
      %parallel_loop3A_243 = tpu.vector_load %parallel_loop3A_240[%parallel_loop3A_241, %parallel_loop3A_242] {strides = array<i32>} : memref<2x4096xf32, #tpu.memory_space<vmem>>, vector<1x16xf32>,
      %parallel_loop3A_244 = vector.shape_cast %parallel_loop3A_243 : vector<1x16xf32> to vector<16xf32>
      %parallel_loop3A_245 = arith.mulf %parallel_loop3A_238, %parallel_loop3A_244 : vector<16xf32>
      %parallel_loop3A_246 = arith.addf %parallel_loop3A_233, %parallel_loop3A_245 : vector<16xf32>
      %parallel_loop3A_247 = arith.constant 1 : i32
      %parallel_loop3A_248 = arith.index_cast %parallel_loop3A_247 : i32 to index
      %parallel_loop3A_249 = arith.index_cast %parallel_loop3A_180 : i32 to index
      %parallel_loop3A_250 = tpu.vector_load %arg15[%parallel_loop3A_248, %parallel_loop3A_249] {strides = array<i32>} : memref<2x4096xf32, #tpu.memory_space<vmem>>, vector<1x16xf32>,
      %parallel_loop3A_251 = vector.shape_cast %parallel_loop3A_250 : vector<1x16xf32> to vector<16xf32>
      %parallel_loop3A_252 = arith.constant 1 : i32
      %parallel_loop3A_253 = tpu.memref_bitcast %arg11 : memref<2x4096xi32, #tpu.memory_space<vmem>> -> memref<2x4096xf32, #tpu.memory_space<vmem>>
      %parallel_loop3A_254 = arith.index_cast %parallel_loop3A_252 : i32 to index
      %parallel_loop3A_255 = arith.index_cast %parallel_loop3A_180 : i32 to index
      %parallel_loop3A_256 = tpu.vector_load %parallel_loop3A_253[%parallel_loop3A_254, %parallel_loop3A_255] {strides = array<i32>} : memref<2x4096xf32, #tpu.memory_space<vmem>>, vector<1x16xf32>,
      %parallel_loop3A_257 = vector.shape_cast %parallel_loop3A_256 : vector<1x16xf32> to vector<16xf32>
      %parallel_loop3A_258 = arith.mulf %parallel_loop3A_251, %parallel_loop3A_257 : vector<16xf32>
      %parallel_loop3A_259 = arith.addf %parallel_loop3A_246, %parallel_loop3A_258 : vector<16xf32>
      %parallel_loop3A_260 = arith.index_cast %parallel_loop3A_180 : i32 to index
      %parallel_loop3A_261 = tpu.vector_load %arg16[%parallel_loop3A_260] {strides = array<i32>} : memref<4096xf32, #tpu.memory_space<vmem>>, vector<16xf32>,
      %parallel_loop3A_262 = vector.shape_cast %parallel_loop3A_261 : vector<16xf32> to vector<16xf32>
      %parallel_loop3A_263 = vector.shape_cast %parallel_loop3A_259 : vector<16xf32> to vector<16xf32>
      tpu.vector_store %arg16[%parallel_loop3A_260], %parallel_loop3A_263 {strides = array<i32>} : memref<4096xf32, #tpu.memory_space<vmem>>, vector<16xf32>,
    } {sc.loop_unroll_factor = 4 : i64, sc.parallel_access}
    "tpu.region"() ({
      %run_scoped3A = tpu.sem_alloc : memref<!tpu.dma_semaphore, #tpu.memory_space<semaphore_mem>>
      %dma_start3A_178 = tpu.memref_slice %arg6[%add3A_152] : memref<2097152xf32, #tpu.memory_space<hbm>> -> memref<4096xf32, #tpu.memory_space<hbm>>
      %dma_start3A_179 = tpu.memref_slice %arg6[%add3A_152] : memref<2097152xf32, #tpu.memory_space<hbm>> -> memref<4096xf32, #tpu.memory_space<hbm>>
      tpu.enqueue_dma source(%arg16 : memref<4096xf32, #tpu.memory_space<vmem>>) target(%dma_start3A_179 : memref<4096xf32, #tpu.memory_space<hbm>>) target_semaphore(%run_scoped3A : memref<!tpu.dma_semaphore, #tpu.memory_space<semaphore_mem>>)
      %dma_wait3A_180 = tpu.memref_slice %arg6[%add3A_152] : memref<2097152xf32, #tpu.memory_space<hbm>> -> memref<4096xf32, #tpu.memory_space<hbm>>
      %dma_wait3A_181 = tpu.memref_slice %arg6[%add3A_152] : memref<2097152xf32, #tpu.memory_space<hbm>> -> memref<4096xf32, #tpu.memory_space<hbm>>
      tpu.wait_dma2 semaphore(%run_scoped3A : memref<!tpu.dma_semaphore, #tpu.memory_space<semaphore_mem>>) src(%arg16 : memref<4096xf32, #tpu.memory_space<vmem>>) dst(%dma_wait3A_181 : memref<4096xf32, #tpu.memory_space<hbm>>)
      tpu.yield
    }) : () -> ()
    return
  }
}

</mosaic_0001>

<sc_bundles>
// kernel: kernel.3.cloned.1.call-start
scs
__scs_entry_jumppad:
0x0: {  	(pc) =	sbr.rel $0x88, $3  }
0x1: {  	(tag) =	ssettag $0x0;
	lr =	simm.s32 $0x1  }
0x2: {  	[smem:$0x3F9F] =	sst lr;
	_ =	strace $0xD0000000  }
0x3: {  	_ = 	snop  }
0x4: {  	_ = 	snop  }
0x5: {  	_ = 	snop  }
0x6: {  	_ = 	snop  }
0x7: {  	_ = 	snop  }
__scs_overlays_trampoline_lowered:
0x8: {  	[smem:$0x3FAE] =	sst s0  }
0x9: {  	[smem:$0x3FAF] =	sst s1  }
0xa: {  	[smem:$0x3FB0] =	sst s2  }
0xb: {  	[smem:$0x3FB1] =	sst s3  }
0xc: {  	[smem:$0x3FB2] =	sst s4  }
0xd: {  	[smem:$0x3FB3] =	sst s5  }
0xe: {  	[smem:$0x3FB4] =	sst s6  }
0xf: {  	[smem:$0x3FB5] =	sst s7  }
0x10: {  	[smem:$0x3FB6] =	sst s8  }
0x11: {  	[smem:$0x3FB7] =	sst s9;
	s0 =	simm.s32 @!p0 $0x0  }
0x12: {  	s1 =	sld [smem:$0x3F9D];
	s0 =	simm.s32 @p0 $0x1  }
0x13: {  	[smem:$0x3FB8] =	sst s0;
	s0 =	simm.s32 @!p1 $0x0  }
0x14: {  	s2 =	sld [smem:$0x3F9C];
	s0 =	simm.s32 @p1 $0x1  }
0x15: {  	[smem:$0x3FB9] =	sst s0;
	s0 =	simm.s32 @!p2 $0x0  }
0x16: {  	s3 =	sld [smem:$0x3FDB];
	s0 =	simm.s32 @p2 $0x1  }
0x17: {  	s4 =	simm.s32 $0x1BF5;
	[smem:$0x3FBB] =	sst s0  }
0x18: {  	s0 =	sld [smem:$0x3F9E];
	_ =	swait.ge [sflag:s4], $0x0  }
0x19: {  	s7 =	sld [smem:$0x3F9F]  }
0x1a: {  	s8 =	sadd.s32 $0xFFFFE003, lr  }
0x1b: {  	s9 =	sadd.s32 $0xFFFFFEF7, lr;
	s5 =	simm.s32 $0xFFFFFFFF;
	p2 =	slt.u32 s8, $0xFFFFF086  }
0x1c: {  	p1 =	slt.u32 s9, $0xF7A;
	s5 =	simm.s32 @!p2 $0x0  }
0x1d: {  	s5 =	simm.s32 @p1 $0x1;
	p0 =	seq.s32 s7, s2  }
0x1e: {  	s7 =	smul.u32 @!p0 $0xF7A, s2;
	p2 =	seq.s32 @!p0 s5, $0x0  }
0x1f: {  	s9 =	smul.u32 $0xF7A, s1;
	s8 =	simm.s32 @!p0 $0x1BF5;
	p2 =	por !p2, p0  }
0x20: {  	[sflag:s8] =	ssyncset.s32 @!p0 $0xFFFFF086;
	s6 =	sadd.s32 @!p0 s3, s7;
	s7 =	simm.s32 @!p0 $0x108  }
0x21: {  	s3 =	sadd.s32 s3, s9;
	s6 =	sadd.s32 @!p0 $0x88, s6;
	s7 =	simm.s32 @p2 $0x1082  }
0x22: {  	[simem:s7], [sflag:s8] =	dma.local @!p0 [hbm:s6], $0xF7A  }
0x23: {  	s9 =	sor.u32 $0xD0000000, s2;
	s6 =	simm.s32 $0x108;
	_ =	swait.ge @!p0 [sflag:s8], $0x0  }
0x24: {  	s3 =	sadd.s32 $0x88, s3;
	s6 =	simm.s32 @!p1 $0x1082;
	[sflag:s4] =	ssyncset.s32 $0xFFFFF086  }
0x25: {  	[simem:s6], [sflag:s4] =	dma.local [hbm:s3], $0xF7A  }
0x26: {  	[smem:$0x3F9F] =	sst s1;
	(tag) =	ssettag s2;
	_ =	strace s9  }
0x27: {  	s1 =	sld [smem:$0x3FAF]  }
0x28: {  	s2 =	sld [smem:$0x3FB0]  }
0x29: {  	s4 =	sld [smem:$0x3FB2]  }
0x2a: {  	p0 =	seq.s32 s5, $0x0;
	s5 =	sld [smem:$0x3FB3]  }
0x2b: {  	s6 =	sld [smem:$0x3FB4]  }
0x2c: {  	s7 =	sld [smem:$0x3FB5]  }
0x2d: {  	s3 =	simm.s32 $0x108;
	s8 =	sld [smem:$0x3FB6]  }
0x2e: {  	s3 =	simm.s32 @!p0 $0x1082;
	s9 =	sld [smem:$0x3FB7]  }
0x2f: {  	lr =	sadd.s32 s0, s3;
	s0 =	sld [smem:$0x3FAE]  }
0x30: {  	s3 =	sld [smem:$0x3FB1]  }
0x31: {  	[smem:$0x3FBA] =	sst s10  }
0x32: {  	s10 =	sld [smem:$0x3FB8];
	_ =	sdelay $0x3  }
0x33: {  	p0 =	seq.s32 s10, $0x1;
	s10 =	sld [smem:$0x3FBA];
	_ =	sdelay $0x3  }
0x34: {  	[smem:$0x3FBA] =	sst s10  }
0x35: {  	s10 =	sld [smem:$0x3FB9];
	_ =	sdelay $0x3  }
0x36: {  	p1 =	seq.s32 s10, $0x1;
	s10 =	sld [smem:$0x3FBA];
	_ =	sdelay $0x3  }
0x37: {  	[smem:$0x3FBA] =	sst s10  }
0x38: {  	s10 =	sld [smem:$0x3FBB]  }
0x39: {  	_ = 	snop;
	(pc) =	sbr.ind lr, $3  }
0x3a: {  	_ = 	snop  }
0x3b: {  	_ = 	snop  }
0x3c: {  	p2 =	seq.s32 s10, $0x1;
	s10 =	sld [smem:$0x3FBA]  }
0x3d: {  	_ =	shalt  }
0x3e: {  	_ =	shalt  }
0x3f: {  	_ =	shalt  }
0x40: {  	_ =	shalt  }
0x41: {  	_ =	shalt  }
0x42: {  	_ =	shalt  }
0x43: {  	_ =	shalt  }
0x44: {  	_ =	shalt  }
0x45: {  	_ =	shalt  }
0x46: {  	_ =	shalt  }
0x47: {  	_ =	shalt  }
0x48: {  	_ =	shalt  }
0x49: {  	_ =	shalt  }
0x4a: {  	_ =	shalt  }
0x4b: {  	_ =	shalt  }
0x4c: {  	_ =	shalt  }
0x4d: {  	_ =	shalt  }
0x4e: {  	_ =	shalt  }
0x4f: {  	_ =	shalt  }
0x50: {  	_ =	shalt  }
0x51: {  	_ =	shalt  }
0x52: {  	_ =	shalt  }
0x53: {  	_ =	shalt  }
0x54: {  	_ =	shalt  }
0x55: {  	_ =	shalt  }
0x56: {  	_ =	shalt  }
0x57: {  	_ =	shalt  }
0x58: {  	_ =	shalt  }
0x59: {  	_ =	shalt  }
0x5a: {  	_ =	shalt  }
0x5b: {  	_ =	shalt  }
0x5c: {  	_ =	shalt  }
0x5d: {  	_ =	shalt  }
0x5e: {  	_ =	shalt  }
0x5f: {  	_ =	shalt  }
0x60: {  	_ =	shalt  }
0x61: {  	_ =	shalt  }
0x62: {  	_ =	shalt  }
0x63: {  	_ =	shalt  }
0x64: {  	_ =	shalt  }
0x65: {  	_ =	shalt  }
0x66: {  	_ =	shalt  }
0x67: {  	_ =	shalt  }
0x68: {  	_ =	shalt  }
0x69: {  	_ =	shalt  }
0x6a: {  	_ =	shalt  }
0x6b: {  	_ =	shalt  }
0x6c: {  	_ =	shalt  }
0x6d: {  	_ =	shalt  }
0x6e: {  	_ =	shalt  }
0x6f: {  	_ =	shalt  }
0x70: {  	_ =	shalt  }
0x71: {  	_ =	shalt  }
0x72: {  	_ =	shalt  }
0x73: {  	_ =	shalt  }
0x74: {  	_ =	shalt  }
0x75: {  	_ =	shalt  }
0x76: {  	_ =	shalt  }
0x77: {  	_ =	shalt  }
0x78: {  	_ =	shalt  }
0x79: {  	_ =	shalt  }
0x7a: {  	_ =	shalt  }
0x7b: {  	_ =	shalt  }
0x7c: {  	_ =	shalt  }
0x7d: {  	_ =	shalt  }
0x7e: {  	_ =	shalt  }
0x7f: {  	_ =	shalt  }
0x80: {  	_ =	shalt  }
0x81: {  	_ =	shalt  }
0x82: {  	_ =	shalt  }
0x83: {  	_ =	shalt  }
0x84: {  	_ =	shalt  }
0x85: {  	_ =	shalt  }
0x86: {  	_ =	shalt  }
0x87: {  	_ =	shalt  }
.Lfunc_end0:
.L_simem_size_0:
called_computation_lowered:
.L_overlay_start_0:
0x88: {  	s2 =	sld [smem:$0x3FD9]  }
0x89: {  	s3 =	sld [smem:$0x3FFE];
	_ =	sdelay $0x1  }
0x8a: {  	s1 =	srdreg.scid  }
0x8b: {  	s0 =	sand.u32 $0x1, s1  }
0x8c: {  	s17 =	sshll.u32 s0, $0xA;
	s2 =	sadd.s32 s3, s2  }
0x8d: {  	s2 =	sadd.s32 s2, s17  }
0x8e: {  	[smem:$0x3FC6] =	sst s2  }
0x8f: {  	_ = 	snop  }
0x90: {  	s2 =	sld [smem:$0x3FD0];
	(tm) =	ssettm $0x1  }
0x91: {  	s18 =	sld [smem:$0x3FFB];
	_ =	sdelay $0x3  }
0x92: {  	_ =	strace s18  }
0x93: {  	s3 =	sld [smem:$0x3FFC];
	_ =	sdelay $0x3  }
0x94: {  	_ =	strace s3  }
0x95: {  	s3 =	sld [smem:$0x3FFD];
	_ =	sdelay $0x3  }
0x96: {  	_ =	strace s3  }
0x97: {  	_ =	strace $0x8FFFFFFF  }
0x98: {  	s19 =	sld [smem:$0x3FDB];
	_ =	sdelay $0x1  }
0x99: {  	s4 =	simm.s32 $_scs_section_size  }
0x9a: {  	s5 =	simm.s32 $_size__tile_overlayer_lowered;
	s6 =	simm.s32 $_tile_overlayer_lowered  }
0x9b: {  	s22 =	simm.s32 $0x1BFF;
	s21 =	sshll.u32 s6, $0x1;
	s3 =	sadd.s32 s4, s19  }
0x9c: {  	s7 =	simm.s32 $0x0;
	s20 =	sshll.u32 s5, $0x1;
	s5 =	sadd.s32 s21, s3  }
0x9d: {  	[timem:s7], [sflag:s22] =	dma.local [hbm:s5], s20  }
0x9e: {  	_ =	swait.ge [sflag:s22], s20  }
0x9f: {  	s4 =	ssub.s32 $0x0, s20;
	[sflag:s22] =	ssyncset.done $0x0  }
0xa0: {  	[sflag:s22] =	ssyncadd.s32 s4;
	_ =	sdelay $0x1  }
0xa1: {  	s23 =	simm.s32 $0x1B8B  }
0xa2: {  	_ =	swait.ge [sflag:s23], $0x1  }
0xa3: {  	[sflag:s23] =	ssyncset.done $0x0  }
0xa4: {  	s25 =	simm.s32 $0x1B8E;
	s24 =	sld [smem:$0x3FFE];
	[sflag:s23] =	ssyncadd.s32 $0xFFFFFFFF  }
0xa5: {  	s26 =	simm.s32 $execute0_lowered;
	[smem:$0x3FD2] =	sst s25  }
0xa6: {  	s5 =	sshll.u32 s26, $0x1;
	_ =	strace $0x80000046;
	[dreg:$0x1] =	wrdreg $0xFFFFFFFF  }
0xa7: {  	s28 =	simm.s32 $_size_execute0_lowered;
	s3 =	sadd.s32 s3, s5;
	[dreg:$0x0] =	wrdreg $0x0  }
0xa8: {  	s5 =	sshll.u32 s28, $0x1;
	[dreg:$0x2] =	wrdreg s3  }
0xa9: {  	[dreg:$0x3] =	wrdreg s5  }
0xaa: {  	[dreg:$0x4] =	wrdreg $0xC0  }
0xab: {  	_ =	task [dreg:s7], $0x5FFFF  }
0xac: {  	[dreg:$0x1] =	wrdreg $0xFFFFFFFF  }
0xad: {  	[dreg:$0x0] =	wrdreg $0x60  }
0xae: {  	[dreg:$0x2] =	wrdreg s24  }
0xaf: {  	[dreg:$0x3] =	wrdreg s2  }
0xb0: {  	[dreg:$0x4] =	wrdreg $0x9  }
0xb1: {  	_ =	task.clear_ibuf [dreg:s7], $0x5FFFF;
	_ =	strace $0x90000046  }
0xb2: {  	s29 =	simm.s32 $0x9;
	_ =	strace $0x80000048  }
0xb3: {  	_ =	swait.ge [sflag:s29], $0x1  }
0xb4: {  	[sflag:s29] =	ssyncadd.s32 $0xFFFFFFFF  }
0xb5: {  	_ =	strace $0x90000048  }
0xb6: {  	_ =	sfence  }
0xb7: {  	s30 =	sld [smem:$0x0];
	_ =	sdelay $0x2  }
0xb8: {  	s31 =	sshll.u32 s1, $0xD;
	s1 =	sshrl.u32 s1, $0x2  }
0xb9: {  	s3 =	sand.u32 $0x4000, s31;
	s1 =	sadd.s32 s1, s30  }
0xba: {  	s0 =	sor.u32 s3, s0;
	s1 =	sshll.u32 s1, $0x11  }
0xbb: {  	s0 =	sor.u32 s1, s0  }
0xbc: {  	s0 =	sadd.s32 $0x8F2B, s0  }
0xbd: {  	[sflag:s0] =	ssyncadd.remote.s32 $0x1  }
0xbe: {  	_ =	sfence.sel $0xFFFF  }
0xbf: {  	[dreg:$0x0] =	wrdreg $0xFFFFFFFF;
	(pc) =	sbr.abs _section_cstart, $3  }
0xc0: {  	[dreg:$0x1] =	wrdreg $0xFFFFFFFF  }
0xc1: {  	_ =	task.clear_ibuf [dreg:s7], $0x2FFFF;
	_ =	strace $0x9FFFFFFF  }
0xc2: {  	(tm) =	ssettm $0x7FFFFFFF  }
0xc3: {  	_ =	shalt  }
tec
execute0_lowered:
.L_overlay_start_1:
0x0: {  	(tag) =	ssettag $0x1  }
0x1: {  	s0 =	rddreg [dreg:$0x0]  }
0x2: {  	s8 =	rddreg [dreg:$0x1];
	s3 =	simm.s32 $0x0;
	s1 =	srdreg.scid  }
0x3: {  	s2 =	stileid.u32;
	[smem:$0x7FF] =	sst s3  }
0x4: {  	s1 =	sand.u32 $0x1, s1;
	s4 =	sadd.s32 $0x40C00, s0;
	s2 =	sshll.u32 s2, $0x11  }
0x5: {  	s5 =	sadd.s32 $0xC00, s0;
	s10 =	sadd.s32 $0x80C00, s0;
	s11 =	sadd.s32 $0xC0C00, s0  }
0x6: {  	_ =	strace $0x80000047;
	s6 =	sshll.u32 s1, $0x10;
	[dreg:$0x4] =	wrdreg s10  }
0x7: {  	s1 =	ssub.s32 $0x2, s1;
	[dreg:$0x5] =	wrdreg s11;
	s9 =	sor.u32 s6, s2  }
0x8: {  	s23 =	sshrl.u32 s1, $0x1;
	s29 =	sor.u32 $0x2000, s9;
	[dreg:$0x3] =	wrdreg s9  }
0x9: {  	s24 =	ssub.s32 s1, s23;
	s30 =	sor.u32 $0x3000, s9;
	[dreg:$0x9] =	wrdreg s29  }
0xa: {  	s7 =	sshrl.u32 s9, $0x3;
	[dreg:$0xa] =	wrdreg s30;
	s0 =	smax.u32 s24, $0x1  }
0xb: {  	s19 =	simm.s32 $0x80;
	s13 =	sadd.s32 s10, s7;
	[dreg:$0xd] =	wrdreg s0  }
0xc: {  	s14 =	sadd.s32 s11, s7;
	s28 =	sadd.s32 s7, s8;
	[dreg:$0x6] =	wrdreg s13  }
0xd: {  	s25 =	sand.u32 $0x1C0000, s2;
	s31 =	sadd.s32 $0x1C00, s28;
	[dreg:$0x7] =	wrdreg s14  }
0xe: {  	s26 =	sor.u32 $0x200, s7;
	s2 =	sadd.s32 $0x1E00, s28;
	[dreg:$0xb] =	wrdreg s31  }
0xf: {  	s1 =	simm.s32 $0x0;
	s10 =	sadd.s32 s10, s26;
	[dreg:$0xc] =	wrdreg s2  }
0x10: {  	v0 =	vmov s25;
	s12 =	sadd.s32 s11, s26;
	s11 =	simm.s32 $0x3;
	[dreg:$0x8] =	wrdreg s10  }
.LBB2_1:
0x11: {  	[dreg:$0xe] =	wrdreg s1;
	s0 =	simm.s32 $0x10  }
0x12: {  	s6 =	sadd.s32 $0x0, s13;
	s1 =	simm.s32 $0x100;
	s2 =	simm.s32 $0x0  }
.LBB2_2:
0x13: {  	[tilespmem:s2], [sflag:$0x3] =	stream.linear.gather [hbm4b:s6+s3], $0x80, $0x38;
	[tilespmem:$0x15000] =	vst v63  }
0x14: {  	s6 =	smov.u32 s0;
	s2 =	smov.u32 s1;
	p0 =	sne.s32 s0, $0x1F0  }
.Ltmp0:
0x15: {  	s0 =	sadd.s32 $0x10, s0;
	(pc) =	sbr.rel @p0 .LBB2_2-.Ltmp0, $2  }
0x16: {  	_ =	sdelay $0x2  }
0x17: {  	s1 =	sadd.s32 $0x100, s1;
	s6 =	sadd.s32 s6, s13  }
0x18: {  	[tilespmem:s2], [sflag:$0x3] =	stream.linear.gather [hbm4b:s6+s3], $0x80, $0x38;
	[tilespmem:$0x15000] =	vst v63  }
0x19: {  	s0 =	simm.s32 $0x2000  }
0x1a: {  	s1 =	simm.s32 $0x10;
	s6 =	sadd.s32 $0x0, s14;
	s2 =	simm.s32 $0x2100  }
.LBB2_4:
0x1b: {  	[tilespmem:s0], [sflag:$0x3] =	stream.linear.gather [hbm4b:s6+s3], $0x80, $0x38;
	[tilespmem:$0x15000] =	vst v63  }
0x1c: {  	s6 =	smov.u32 s1;
	s0 =	smov.u32 s2;
	p0 =	sne.s32 s1, $0x1F0  }
.Ltmp1:
0x1d: {  	s1 =	sadd.s32 $0x10, s1;
	(pc) =	sbr.rel @p0 .LBB2_4-.Ltmp1, $2  }
0x1e: {  	_ =	sdelay $0x2  }
0x1f: {  	s2 =	sadd.s32 $0x100, s2;
	s6 =	sadd.s32 s6, s14  }
0x20: {  	[tilespmem:s0], [sflag:$0x3] =	stream.linear.gather [hbm4b:s6+s3], $0x80, $0x38;
	[tilespmem:$0x15000] =	vst v63  }
0x21: {  	_ =	swait.ge [sflag:s11], $0x1000  }
0x22: {  	[sflag:s11] =	ssyncset.done $0x0  }
0x23: {  	[sflag:s11] =	ssyncadd.s32 $0xFFFFF000  }
0x24: {  	_ =	swait.ge [sflag:s11], $0x1000  }
0x25: {  	s0 =	simm.s32 $0x80;
	s1 =	simm.s32 $0x10;
	[sflag:s11] =	ssyncset.done $0x0  }
0x26: {  	s6 =	sadd.s32 $0x0, s10;
	s2 =	simm.s32 $0x180;
	[sflag:s11] =	ssyncadd.s32 $0xFFFFF000  }
.LBB2_6:
0x27: {  	[tilespmem:s0], [sflag:$0x3] =	stream.linear.gather [hbm4b:s6+s3], $0x80, $0x38;
	[tilespmem:$0x15000] =	vst v63  }
0x28: {  	s6 =	smov.u32 s1;
	s0 =	smov.u32 s2;
	p0 =	sne.s32 s1, $0x1F0  }
.Ltmp2:
0x29: {  	s1 =	sadd.s32 $0x10, s1;
	(pc) =	sbr.rel @p0 .LBB2_6-.Ltmp2, $2  }
0x2a: {  	_ =	sdelay $0x2  }
0x2b: {  	s2 =	sadd.s32 $0x100, s2;
	s6 =	sadd.s32 s6, s10  }
0x2c: {  	[tilespmem:s0], [sflag:$0x3] =	stream.linear.gather [hbm4b:s6+s3], $0x80, $0x38;
	[tilespmem:$0x15000] =	vst v63  }
0x2d: {  	s26 =	simm.s32 $0x0;
	s0 =	simm.s32 $0x2080  }
0x2e: {  	s1 =	simm.s32 $0x10;
	s6 =	sadd.s32 $0x0, s12;
	s2 =	simm.s32 $0x2180  }
.LBB2_8:
0x2f: {  	[tilespmem:s0], [sflag:$0x3] =	stream.linear.gather [hbm4b:s6+s26], $0x80, $0x38;
	[tilespmem:$0x15000] =	vst v63  }
0x30: {  	s6 =	smov.u32 s1;
	s0 =	smov.u32 s2;
	p0 =	sne.s32 s1, $0x1F0  }
.Ltmp3:
0x31: {  	s1 =	sadd.s32 $0x10, s1;
	(pc) =	sbr.rel @p0 .LBB2_8-.Ltmp3, $2  }
0x32: {  	_ =	sdelay $0x2  }
0x33: {  	s2 =	sadd.s32 $0x100, s2;
	s6 =	sadd.s32 s6, s12  }
0x34: {  	[tilespmem:s0], [sflag:$0x3] =	stream.linear.gather [hbm4b:s6+s26], $0x80, $0x38;
	[tilespmem:$0x15000] =	vst v63  }
0x35: {  	s28 =	simm.s32 $0x0  }
.LBB2_10:
0x36: {  	s29 =	sand.u32 $0x3FFFFF00, s28  }
0x37: {  	s0 =	sadd.s32 $0x2000, s29  }
0x38: {  	s1 =	sadd.s32 $0x0, s29;
	v1 =	vld [tilespmem:s0+$0x30]  }
0x39: {  	v2 =	vld [tilespmem:s1+$0x30]  }
0x3a: {  	v3 =	vld [tilespmem:s1+$0x10]  }
0x3b: {  	v4 =	vld [tilespmem:s1+$0x0]  }
0x3c: {  	v5 =	vld [tilespmem:s0+$0x0]  }
0x3d: {  	v6 =	vld [tilespmem:s1+$0x20]  }
0x3e: {  	v7 =	vld [tilespmem:s0+$0x10];
	_ =	sdelay $0x2  }
0x3f: {  	v2 =	vmax.f32 v2, $0.0e+00;
	v1 =	vmax.f32 v1, $0.0e+00  }
0x40: {  	v4 =	vmax.f32 v4, $0.0e+00;
	v10 =	vmax.f32 v5, $0.0e+00;
	v5 =	vmax.f32 v6, $0.0e+00  }
0x41: {  	v8 =	vld [tilespmem:s0+$0x20];
	v3 =	vmax.f32 v3, $0.0e+00;
	v6 =	vmax.f32 v7, $0.0e+00;
	v2 =	vmin.f32 v2, $5.110000000e+02  }
0x42: {  	v1 =	vmin.f32 v1, $5.110000000e+02;
	v7 =	vmin.f32 v3, $5.110000000e+02;
	v20 =	vmin.f32 v4, $5.110000000e+02  }
0x43: {  	v13 =	vmin.f32 v6, $5.110000000e+02;
	v9 =	vtrunc.f32 v1;
	v11 =	vtrunc.f32 v2  }
0x44: {  	v4 =	vmin.f32 v5, $5.110000000e+02;
	v3 =	vtrunc.f32 v7;
	v14 =	vtrunc.f32 v13  }
0x45: {  	v15 =	vtrunc.f32 v4;
	v9 =	vcvt.f32.s32 v9  }
0x46: {  	v5 =	vmax.f32 v8, $0.0e+00;
	v8 =	vcvt.f32.s32 v3;
	v14 =	vcvt.f32.s32 v14  }
0x47: {  	v5 =	vmin.f32 v5, $5.110000000e+02;
	v21 =	vcvt.f32.s32 v15;
	v12 =	vcvt.s32.f32 v9  }
0x48: {  	v6 =	vmin.f32 v10, $5.110000000e+02;
	v22 =	vtrunc.f32 v5;
	v15 =	vcvt.f32.s32 v11  }
0x49: {  	s25 =	sshll.u32 s26, $0x3;
	v10 =	vcvt.s32.f32 v8;
	v1 =	vsub.f32 v1, v12;
	v12 =	vtrunc.f32 v20  }
0x4a: {  	s31 =	sadd.s32 $0x8, s25;
	s17 =	sadd.s32 $0x4, s25;
	v8 =	vadd.s32 v8, v0;
	v19 =	vcvt.s32.f32 v15;
	v16 =	vcvt.f32.s32 v12  }
0x4b: {  	p0 =	slt.u32 s17, s31;
	v12 =	vshll.u32 v9, $0x9;
	v9 =	vsub.f32 v7, v10;
	v7 =	vshll.u32 v14, $0x9  }
.Ltmp4:
0x4c: {  	s16 =	simm.s32 $0xA000;
	v10 =	vcvt.s32.f32 v14;
	v3 =	vsub.f32 $1.000000000e+00, v1;
	v17 =	vadd.s32 v7, v8;
	(pc) =	sbr.rel @!p0 .LBB2_12-.Ltmp4, $4  }
0x4d: {  	s15 =	simm.s32 $0xC000;
	s2 =	simm.s32 $0xE000;
	s30 =	simm.s32 $0x10000;
	v7 =	vtrunc.f32 v6;
	v8 =	vadd.s32 v21, v0;
	v11 =	vadd.s32 v16, v0  }
0x4e: {  	s24 =	simm.s32 $0x10040;
	s6 =	simm.s32 $0xC040;
	s13 =	simm.s32 $0xE040;
	v23 =	vcvt.s32.f32 v16;
	v16 =	vcvt.f32.s32 v7;
	v14 =	vsub.f32 v13, v10  }
0x4f: {  	s14 =	sadd.s32 $0x80, s28;
	s21 =	simm.s32 $0x2040;
	s7 =	simm.s32 $0x4040;
	v18 =	vsub.f32 $1.000000000e+00, v9;
	v10 =	vcvt.f32.s32 v22;
	v13 =	vcvt.s32.f32 v21  }
0x50: {  	s8 =	simm.s32 $0x0;
	s0 =	sadd.s32 $0x4000, s29;
	s1 =	simm.s32 $0xA040;
	v7 =	vsub.f32 v20, v23;
	v20 =	vcvt.s32.f32 v16;
	v21 =	vsub.f32 $1.000000000e+00, v14  }
.LBB2_11:
0x51: {  	s25 =	sand.u32 $0x3FFFFF00, s14;
	s17 =	sadd.s32 $0x4, s17;
	v22 =	vmul.f32 v14, v18;
	v23 =	vcvt.s32.f32 v10;
	v15 =	vadd.s32 v15, v0;
	s8 =	sadd.s32 $0x40, s8  }
0x52: {  	s9 =	sadd.s32 s25, s8;
	s18 =	sadd.s32 s25, s21;
	s10 =	sadd.s32 s25, s7;
	v18 =	vmul.f32 v21, v18;
	v21 =	vmul.f32 v21, v9;
	[tilespmem:s0+$0x10] =	vst v17;
	v17 =	vsub.f32 v2, v19  }
0x53: {  	s20 =	sadd.s32 s29, s16;
	s16 =	smov.u32 s1;
	p0 =	slt.u32 s17, s31;
	v6 =	vsub.f32 v6, v20;
	v9 =	vmul.f32 v14, v9;
	v12 =	vadd.s32 v12, v15;
	v2 =	vld [tilespmem:s18+$0x30]  }
0x54: {  	v4 =	vsub.f32 v4, v13;
	v15 =	vshll.u32 v16, $0x9;
	v5 =	vsub.f32 v5, v23;
	v14 =	vld [tilespmem:s9+$0x30];
	[tilespmem:s20+$0x10] =	vst v18  }
0x55: {  	v16 =	vsub.f32 $1.000000000e+00, v6;
	v18 =	vsub.f32 $1.000000000e+00, v17;
	v19 =	vmul.f32 v3, v17;
	v13 =	vld [tilespmem:s9+$0x10]  }
0x56: {  	v23 =	vsub.f32 $1.000000000e+00, v7;
	v11 =	vadd.s32 v15, v11;
	v15 =	vsub.f32 $1.000000000e+00, v5;
	v20 =	vld [tilespmem:s9+$0x20];
	[tilespmem:s0+$0x30] =	vst v12  }
0x57: {  	v24 =	vmul.f32 v16, v7;
	v3 =	vmul.f32 v3, v18;
	v12 =	vld [tilespmem:s9+$0x0];
	[tilespmem:s0+$0x0] =	vst v11;
	s9 =	sadd.s32 s29, s15;
	v11 =	vsub.f32 $1.000000000e+00, v4;
	s15 =	smov.u32 s6  }
0x58: {  	s22 =	sadd.s32 s29, s2;
	v10 =	vshll.u32 v10, $0x9;
	s2 =	smov.u32 s13;
	v16 =	vmul.f32 v16, v23;
	v25 =	vld [tilespmem:s18+$0x0];
	[tilespmem:s9+$0x10] =	vst v21;
	v21 =	vmul.f32 v15, v4  }
0x59: {  	v8 =	vadd.s32 v10, v8;
	v7 =	vmul.f32 v6, v7;
	v26 =	vld [tilespmem:s18+$0x10];
	[tilespmem:s22+$0x10] =	vst v22;
	v22 =	vmul.f32 v5, v11  }
0x5a: {  	s23 =	sadd.s32 s29, s30;
	v27 =	vmul.f32 v5, v4;
	s29 =	smov.u32 s25;
	v10 =	vmax.f32 v14, $0.0e+00;
	v14 =	vmax.f32 v2, $0.0e+00;
	[tilespmem:s0+$0x20] =	vst v8;
	s0 =	smov.u32 s10  }
0x5b: {  	s30 =	smov.u32 s24;
	v2 =	vmin.f32 v10, $5.110000000e+02;
	v5 =	vmin.f32 v14, $5.110000000e+02;
	v8 =	vmul.f32 v1, v18;
	[tilespmem:s23+$0x10] =	vst v9  }
0x5c: {  	v6 =	vmul.f32 v6, v23;
	v10 =	vtrunc.f32 v5;
	v4 =	vmax.f32 v12, $0.0e+00;
	v9 =	vld [tilespmem:s18+$0x20];
	[tilespmem:s20+$0x30] =	vst v3  }
0x5d: {  	v14 =	vtrunc.f32 v2;
	v12 =	vmax.f32 v20, $0.0e+00;
	v3 =	vmax.f32 v25, $0.0e+00;
	[tilespmem:s20+$0x0] =	vst v16  }
0x5e: {  	v13 =	vmax.f32 v13, $0.0e+00;
	v10 =	vcvt.f32.s32 v10;
	v16 =	vmax.f32 v26, $0.0e+00;
	[tilespmem:s9+$0x0] =	vst v24  }
0x5f: {  	v13 =	vmin.f32 v13, $5.110000000e+02;
	[tilespmem:s22+$0x0] =	vst v6;
	v6 =	vmul.f32 v15, v11;
	v11 =	vmul.f32 v1, v17  }
0x60: {  	v20 =	vmin.f32 v4, $5.110000000e+02;
	v1 =	vtrunc.f32 v13;
	v15 =	vcvt.s32.f32 v10;
	[tilespmem:s9+$0x30] =	vst v19  }
0x61: {  	v4 =	vmin.f32 v12, $5.110000000e+02;
	v19 =	vmin.f32 v16, $5.110000000e+02;
	v9 =	vmax.f32 v9, $0.0e+00;
	[tilespmem:s20+$0x20] =	vst v6  }
0x62: {  	v12 =	vcvt.f32.s32 v1;
	v16 =	vtrunc.f32 v19;
	v1 =	vsub.f32 v5, v15;
	[tilespmem:s9+$0x20] =	vst v21  }
0x63: {  	v15 =	vtrunc.f32 v20;
	v5 =	vmin.f32 v9, $5.110000000e+02;
	v9 =	vtrunc.f32 v4;
	[tilespmem:s22+$0x20] =	vst v22  }
0x64: {  	v6 =	vmin.f32 v3, $5.110000000e+02;
	v17 =	vcvt.s32.f32 v12;
	v3 =	vsub.f32 $1.000000000e+00, v1;
	[tilespmem:s23+$0x20] =	vst v27  }
0x65: {  	v16 =	vcvt.f32.s32 v16;
	v18 =	vadd.s32 v12, v0;
	v21 =	vcvt.f32.s32 v9;
	[tilespmem:s22+$0x30] =	vst v8  }
0x66: {  	v12 =	vshll.u32 v10, $0x9;
	v22 =	vtrunc.f32 v5;
	v8 =	vcvt.f32.s32 v15;
	[tilespmem:s23+$0x0] =	vst v7  }
0x67: {  	v9 =	vsub.f32 v13, v17;
	v15 =	vcvt.f32.s32 v14;
	v7 =	vshll.u32 v16, $0x9;
	[tilespmem:s23+$0x30] =	vst v11  }
.Ltmp5:
0x68: {  	v10 =	vcvt.s32.f32 v16;
	v11 =	vadd.s32 v8, v0;
	v17 =	vadd.s32 v7, v18;
	(pc) =	sbr.rel @p0 .LBB2_11-.Ltmp5, $4  }
0x69: {  	v7 =	vtrunc.f32 v6;
	v23 =	vcvt.s32.f32 v8;
	v18 =	vsub.f32 $1.000000000e+00, v9  }
0x6a: {  	s24 =	sadd.s32 $0x40, s24;
	v14 =	vsub.f32 v19, v10;
	v19 =	vcvt.s32.f32 v15;
	v16 =	vcvt.f32.s32 v7  }
0x6b: {  	s1 =	sadd.s32 $0x40, s1;
	s13 =	sadd.s32 $0x40, s13;
	s6 =	sadd.s32 $0x40, s6;
	v13 =	vcvt.s32.f32 v21;
	v10 =	vcvt.f32.s32 v22;
	v8 =	vadd.s32 v21, v0  }
0x6c: {  	s14 =	sadd.s32 $0x80, s14;
	s21 =	sadd.s32 $0x40, s21;
	s7 =	sadd.s32 $0x40, s7;
	v21 =	vsub.f32 $1.000000000e+00, v14;
	v7 =	vsub.f32 v20, v23;
	v20 =	vcvt.s32.f32 v16  }
.LBB2_12:
0x6d: {  	v15 =	vadd.s32 v15, v0  }
0x6e: {  	[tilespmem:s0+$0x10] =	vst v17;
	v46 =	vshll.u32 v16, $0x9;
	v12 =	vadd.s32 v12, v15  }
0x6f: {  	v52 =	vshll.u32 v10, $0x9;
	v11 =	vadd.s32 v46, v11;
	[tilespmem:s0+$0x30] =	vst v12  }
0x70: {  	v2 =	vsub.f32 v2, v19;
	v22 =	vmul.f32 v21, v18;
	v8 =	vadd.s32 v52, v8;
	[tilespmem:s0+$0x0] =	vst v11  }
0x71: {  	s1 =	sadd.s32 s29, s16;
	v47 =	vmul.f32 v21, v9;
	v6 =	vsub.f32 v6, v20;
	[tilespmem:s0+$0x20] =	vst v8  }
0x72: {  	v48 =	vmul.f32 v14, v18;
	v49 =	vcvt.s32.f32 v10;
	s6 =	sadd.s32 s29, s15;
	v51 =	vsub.f32 $1.000000000e+00, v2;
	[tilespmem:s1+$0x10] =	vst v22  }
0x73: {  	v50 =	vmul.f32 v14, v9;
	s2 =	sadd.s32 s29, s2;
	v54 =	vsub.f32 $1.000000000e+00, v7;
	v53 =	vsub.f32 $1.000000000e+00, v6;
	[tilespmem:s6+$0x10] =	vst v47  }
0x74: {  	s7 =	sadd.s32 s29, s30;
	v4 =	vsub.f32 v4, v13;
	v5 =	vsub.f32 v5, v49;
	v55 =	vmul.f32 v3, v51;
	[tilespmem:s2+$0x10] =	vst v48  }
0x75: {  	v56 =	vmul.f32 v53, v54;
	[tilespmem:s7+$0x10] =	vst v50  }
0x76: {  	v59 =	vsub.f32 $1.000000000e+00, v4;
	v58 =	vsub.f32 $1.000000000e+00, v5;
	v3 =	vmul.f32 v3, v2;
	[tilespmem:s1+$0x30] =	vst v55  }
0x77: {  	v57 =	vmul.f32 v53, v7;
	[tilespmem:s1+$0x0] =	vst v56  }
0x78: {  	v61 =	vmul.f32 v58, v59;
	[tilespmem:s6+$0x30] =	vst v3  }
0x79: {  	v63 =	vmul.f32 v1, v51;
	[tilespmem:s6+$0x0] =	vst v57  }
0x7a: {  	v60 =	vmul.f32 v6, v54;
	[tilespmem:s1+$0x20] =	vst v61  }
0x7b: {  	v62 =	vmul.f32 v58, v4;
	[tilespmem:s2+$0x30] =	vst v63  }
0x7c: {  	v1 =	vmul.f32 v1, v2;
	[tilespmem:s2+$0x0] =	vst v60  }
0x7d: {  	v3 =	vmul.f32 v5, v59;
	[tilespmem:s6+$0x20] =	vst v62  }
0x7e: {  	s29 =	sshll.u32 s26, $0x8;
	s26 =	sadd.s32 $0x1, s26;
	v4 =	vmul.f32 v5, v4;
	[tilespmem:s7+$0x30] =	vst v1  }
0x7f: {  	p0 =	sne.s32 s26, $0x20;
	[tilespmem:s2+$0x20] =	vst v3;
	v3 =	vmul.f32 v6, v7  }
.Ltmp6:
0x80: {  	[tilespmem:s7+$0x20] =	vst v4;
	(pc) =	sbr.rel @p0 .LBB2_10-.Ltmp6, $4  }
0x81: {  	s30 =	sadd.s32 $0x6000, s29;
	s31 =	sadd.s32 $0x4000, s29;
	[tilespmem:s7+$0x0] =	vst v3  }
0x82: {  	[tilespmem:s30], [sflag:$0x1] =	stream.indirect.gather [hbm4b:s4+s19], $0x1, s31, s19, $0xb8;
	[tilespmem:$0x15000] =	vst v63  }
0x83: {  	s28 =	sadd.s32 $0x100, s28;
	s0 =	sadd.s32 $0x8000, s29  }
0x84: {  	[tilespmem:s0], [sflag:$0x1] =	stream.indirect.gather [hbm4b:s5+s19], $0x1, s31, s19, $0xb8;
	[tilespmem:$0x15000] =	vst v63  }
0x85: {  	s21 =	simm.s32 $0x4;
	s0 =	simm.s32 $0x0  }
.LBB2_14:
0x86: {  	_ =	swait.ge [sflag:s11], $0x1000  }
0x87: {  	[sflag:s11] =	ssyncset.done $0x0  }
0x88: {  	[dreg:$0xf] =	wrdreg s0;
	[sflag:s11] =	ssyncadd.s32 $0xFFFFF000  }
0x89: {  	_ =	swait.ge [sflag:s11], $0x1000  }
0x8a: {  	s29 =	sshll.u32 s0, $0xD;
	s31 =	rddreg [dreg:$0x9]  }
0x8b: {  	s26 =	sadd.s32 s29, s31  }
0x8c: {  	s2 =	simm.s32 $0x10;
	s1 =	rddreg [dreg:$0x4];
	s0 =	sshrl.u32 s26, $0x3  }
0x8d: {  	s6 =	simm.s32 $0x100;
	[sflag:s11] =	ssyncset.done $0x0;
	s1 =	sadd.s32 s1, s0  }
0x8e: {  	s7 =	simm.s32 $0x0;
	[sflag:s11] =	ssyncadd.s32 $0xFFFFF000;
	s8 =	sadd.s32 $0x0, s1  }
.LBB2_15:
0x8f: {  	[tilespmem:s7], [sflag:$0x3] =	stream.linear.gather [hbm4b:s8+s3], $0x80, $0x38;
	[tilespmem:$0x15000] =	vst v63  }
0x90: {  	s8 =	smov.u32 s2;
	s7 =	smov.u32 s6;
	p0 =	sne.s32 s2, $0x1F0  }
.Ltmp7:
0x91: {  	s2 =	sadd.s32 $0x10, s2;
	(pc) =	sbr.rel @p0 .LBB2_15-.Ltmp7, $2  }
0x92: {  	_ =	sdelay $0x2  }
0x93: {  	s6 =	sadd.s32 $0x100, s6;
	s8 =	sadd.s32 s8, s1  }
0x94: {  	[tilespmem:s7], [sflag:$0x3] =	stream.linear.gather [hbm4b:s8+s3], $0x80, $0x38;
	[tilespmem:$0x15000] =	vst v63  }
0x95: {  	s1 =	rddreg [dreg:$0x5]  }
0x96: {  	s28 =	simm.s32 $0x0;
	s2 =	simm.s32 $0x10;
	s0 =	sadd.s32 s1, s0  }
0x97: {  	s6 =	simm.s32 $0x2100;
	s1 =	simm.s32 $0x2000;
	s7 =	sadd.s32 $0x0, s0  }
.LBB2_17:
0x98: {  	[tilespmem:s1], [sflag:$0x3] =	stream.linear.gather [hbm4b:s7+s28], $0x80, $0x38;
	[tilespmem:$0x15000] =	vst v63  }
0x99: {  	s7 =	smov.u32 s2;
	s1 =	smov.u32 s6;
	p0 =	sne.s32 s2, $0x1F0  }
.Ltmp8:
0x9a: {  	s2 =	sadd.s32 $0x10, s2;
	(pc) =	sbr.rel @p0 .LBB2_17-.Ltmp8, $2  }
0x9b: {  	_ =	sdelay $0x2  }
0x9c: {  	s6 =	sadd.s32 $0x100, s6;
	s7 =	sadd.s32 s7, s0  }
0x9d: {  	[tilespmem:s1], [sflag:$0x3] =	stream.linear.gather [hbm4b:s7+s28], $0x80, $0x38;
	[tilespmem:$0x15000] =	vst v63  }
0x9e: {  	s30 =	simm.s32 $0x0  }
.LBB2_19:
0x9f: {  	s2 =	sor.u32 $0xB0, s30  }
0xa0: {  	s31 =	sor.u32 $0x80, s30;
	v1 =	vld [tilespmem:s2+$0x0]  }
0xa1: {  	v2 =	vld [tilespmem:s31+$0x0]  }
0xa2: {  	v3 =	vld [tilespmem:s2+$0x2000]  }
0xa3: {  	s0 =	sor.u32 $0x90, s30;
	v4 =	vld [tilespmem:s31+$0x2000]  }
0xa4: {  	v5 =	vld [tilespmem:s0+$0x0]  }
0xa5: {  	s15 =	sor.u32 $0xA0, s30  }
0xa6: {  	v7 =	vld [tilespmem:s15+$0x0]  }
0xa7: {  	v1 =	vmax.f32 v1, $0.0e+00;
	v2 =	vmax.f32 v2, $0.0e+00;
	v3 =	vmax.f32 v3, $0.0e+00  }
0xa8: {  	v6 =	vld [tilespmem:s0+$0x2000];
	v4 =	vmax.f32 v4, $0.0e+00;
	v1 =	vmin.f32 v1, $5.110000000e+02;
	v9 =	vmin.f32 v2, $5.110000000e+02  }
0xa9: {  	v3 =	vmin.f32 v3, $5.110000000e+02;
	v10 =	vmin.f32 v4, $5.110000000e+02;
	v4 =	vmax.f32 v5, $0.0e+00  }
0xaa: {  	v2 =	vld [tilespmem:s15+$0x2000];
	v8 =	vtrunc.f32 v1;
	v5 =	vtrunc.f32 v3;
	v12 =	vmin.f32 v4, $5.110000000e+02  }
0xab: {  	v4 =	vmax.f32 v7, $0.0e+00;
	v7 =	vtrunc.f32 v9;
	v8 =	vcvt.f32.s32 v8  }
0xac: {  	v5 =	vcvt.f32.s32 v5;
	v16 =	vmin.f32 v4, $5.110000000e+02;
	v4 =	vtrunc.f32 v10  }
0xad: {  	v6 =	vmax.f32 v6, $0.0e+00;
	v7 =	vcvt.f32.s32 v7;
	v13 =	vtrunc.f32 v16  }
0xae: {  	v14 =	vmin.f32 v6, $5.110000000e+02;
	v21 =	vcvt.f32.s32 v4;
	v11 =	vcvt.s32.f32 v8  }
0xaf: {  	v6 =	vcvt.s32.f32 v5;
	v8 =	vadd.s32 v8, v0;
	v2 =	vmax.f32 v2, $0.0e+00  }
0xb0: {  	v4 =	vcvt.f32.s32 v13;
	v1 =	vsub.f32 v1, v11;
	v17 =	vmin.f32 v2, $5.110000000e+02  }
0xb1: {  	v2 =	vsub.f32 v3, v6;
	v3 =	vtrunc.f32 v12;
	v6 =	vtrunc.f32 v14  }
0xb2: {  	v11 =	vshll.u32 v5, $0x9;
	v15 =	vtrunc.f32 v17;
	v5 =	vcvt.f32.s32 v3  }
0xb3: {  	v22 =	vadd.s32 v11, v8;
	v3 =	vadd.s32 v7, v0;
	v11 =	vcvt.f32.s32 v6  }
0xb4: {  	s6 =	sshll.u32 s28, $0x3;
	v7 =	vcvt.s32.f32 v7;
	v6 =	vshll.u32 v21, $0x9;
	v21 =	vcvt.s32.f32 v21  }
0xb5: {  	s1 =	sadd.s32 $0x8, s6;
	s6 =	sadd.s32 $0x4, s6;
	v18 =	vsub.f32 $1.000000000e+00, v1;
	v19 =	vsub.f32 $1.000000000e+00, v2;
	v8 =	vcvt.f32.s32 v15  }
0xb6: {  	p0 =	slt.u32 s6, s1;
	v23 =	vcvt.s32.f32 v5;
	v13 =	vsub.f32 v9, v7;
	v24 =	vcvt.s32.f32 v11  }
.Ltmp9:
0xb7: {  	v15 =	vsub.f32 v10, v21;
	v10 =	vcvt.s32.f32 v4;
	v20 =	vmul.f32 v2, v18;
	(pc) =	sbr.rel @!p0 .LBB2_21-.Ltmp9, $4  }
0xb8: {  	v7 =	vshll.u32 v11, $0x9;
	v9 =	vsub.f32 v12, v23;
	v12 =	vcvt.s32.f32 v8  }
0xb9: {  	v11 =	vsub.f32 v14, v24;
	v10 =	vsub.f32 v16, v10;
	[tilespmem:s2+$0xE000] =	vst v20;
	v20 =	vmul.f32 v19, v18  }
0xba: {  	[tilespmem:s2+$0x4000] =	vst v22;
	v16 =	vsub.f32 $1.000000000e+00, v13;
	v19 =	vmul.f32 v19, v1;
	v12 =	vsub.f32 v17, v12  }
0xbb: {  	s7 =	sadd.s32 $0xC0, s30;
	v18 =	vmul.f32 v15, v13;
	v17 =	vsub.f32 $1.000000000e+00, v15;
	v14 =	vsub.f32 $1.000000000e+00, v9;
	[tilespmem:s2+$0xA000] =	vst v20  }
.LBB2_20:
0xbc: {  	s8 =	sor.u32 $0x90, s7;
	s14 =	sor.u32 $0xB0, s7;
	s6 =	sadd.s32 $0x4, s6;
	v15 =	vmul.f32 v15, v16;
	v20 =	vsub.f32 $1.000000000e+00, v11;
	v21 =	vsub.f32 $1.000000000e+00, v10;
	[tilespmem:s2+$0xC000] =	vst v19  }
0xbd: {  	s16 =	sor.u32 $0x80, s7;
	s13 =	sor.u32 $0xA0, s7;
	v19 =	vld [tilespmem:s14+$0x0];
	p0 =	slt.u32 s6, s1;
	v16 =	vmul.f32 v17, v16;
	v13 =	vmul.f32 v17, v13;
	[tilespmem:s31+$0x10000] =	vst v18;
	v17 =	vsub.f32 $1.000000000e+00, v12  }
0xbe: {  	v5 =	vadd.s32 v5, v0;
	v18 =	vld [tilespmem:s16+$0x0];
	[tilespmem:s31+$0xE000] =	vst v15;
	v15 =	vmul.f32 v20, v14;
	v20 =	vmul.f32 v20, v9  }
0xbf: {  	v8 =	vshll.u32 v8, $0x9;
	v14 =	vmul.f32 v11, v14;
	v22 =	vld [tilespmem:s14+$0x2000];
	[tilespmem:s31+$0xA000] =	vst v16;
	v16 =	vmul.f32 v17, v21  }
0xc0: {  	v4 =	vadd.s32 v4, v0;
	v23 =	vld [tilespmem:s16+$0x2000];
	[tilespmem:s31+$0xC000] =	vst v13;
	v13 =	vmul.f32 v17, v10;
	v17 =	vmul.f32 v12, v21  }
0xc1: {  	v3 =	vadd.s32 v6, v3;
	v6 =	vmul.f32 v11, v9;
	v9 =	vmul.f32 v12, v10;
	v21 =	vld [tilespmem:s8+$0x0];
	[tilespmem:s0+$0xA000] =	vst v15  }
0xc2: {  	v2 =	vmul.f32 v2, v1;
	v5 =	vadd.s32 v7, v5;
	v10 =	vld [tilespmem:s8+$0x2000];
	v11 =	vmax.f32 v19, $0.0e+00;
	[tilespmem:s0+$0xC000] =	vst v20  }
0xc3: {  	v4 =	vadd.s32 v8, v4;
	v1 =	vmax.f32 v18, $0.0e+00;
	v7 =	vld [tilespmem:s13+$0x0];
	v11 =	vmin.f32 v11, $5.110000000e+02;
	[tilespmem:s0+$0xE000] =	vst v14  }
0xc4: {  	v12 =	vmin.f32 v1, $5.110000000e+02;
	v1 =	vld [tilespmem:s13+$0x2000];
	v8 =	vmax.f32 v22, $0.0e+00;
	v14 =	vtrunc.f32 v11;
	[tilespmem:s15+$0xA000] =	vst v16  }
0xc5: {  	v15 =	vmax.f32 v23, $0.0e+00;
	v8 =	vmin.f32 v8, $5.110000000e+02;
	v14 =	vcvt.f32.s32 v14;
	[tilespmem:s15+$0xC000] =	vst v13  }
0xc6: {  	v15 =	vmin.f32 v15, $5.110000000e+02;
	v13 =	vmax.f32 v21, $0.0e+00;
	v16 =	vtrunc.f32 v8;
	[tilespmem:s15+$0xE000] =	vst v17  }
0xc7: {  	v10 =	vmax.f32 v10, $0.0e+00;
	v16 =	vcvt.f32.s32 v16;
	v17 =	vcvt.s32.f32 v14;
	[tilespmem:s0+$0x10000] =	vst v6  }
0xc8: {  	v18 =	vmin.f32 v13, $5.110000000e+02;
	v10 =	vmin.f32 v10, $5.110000000e+02;
	v6 =	vmax.f32 v7, $0.0e+00;
	[tilespmem:s15+$0x10000] =	vst v9  }
0xc9: {  	v7 =	vmax.f32 v1, $0.0e+00;
	v1 =	vsub.f32 v11, v17;
	v9 =	vcvt.s32.f32 v16;
	[tilespmem:s2+$0x10000] =	vst v2;
	s2 =	smov.u32 s14  }
0xca: {  	v11 =	vtrunc.f32 v12;
	v17 =	vmin.f32 v6, $5.110000000e+02;
	v19 =	vmin.f32 v7, $5.110000000e+02;
	[tilespmem:s31+$0x4000] =	vst v3;
	s31 =	smov.u32 s16  }
0xcb: {  	v3 =	vtrunc.f32 v15;
	v2 =	vsub.f32 v8, v9;
	v20 =	vsub.f32 $1.000000000e+00, v1;
	[tilespmem:s0+$0x4000] =	vst v5;
	s0 =	smov.u32 s8  }
0xcc: {  	v6 =	vtrunc.f32 v10;
	v7 =	vshll.u32 v16, $0x9;
	v5 =	vtrunc.f32 v18;
	[tilespmem:s15+$0x4000] =	vst v4;
	s15 =	smov.u32 s13  }
0xcd: {  	v4 =	vtrunc.f32 v17;
	v21 =	vsub.f32 $1.000000000e+00, v2;
	v8 =	vmul.f32 v2, v20  }
0xce: {  	v13 =	vadd.s32 v14, v0;
	v9 =	vcvt.f32.s32 v11;
	v11 =	vtrunc.f32 v19  }
0xcf: {  	v14 =	vcvt.f32.s32 v3;
	v7 =	vadd.s32 v7, v13;
	v5 =	vcvt.f32.s32 v5;
	[tilespmem:s2+$0xE000] =	vst v8  }
0xd0: {  	v16 =	vcvt.f32.s32 v6;
	v3 =	vadd.s32 v9, v0;
	v4 =	vcvt.f32.s32 v4;
	[tilespmem:s2+$0x4000] =	vst v7  }
0xd1: {  	v9 =	vcvt.s32.f32 v9;
	v6 =	vshll.u32 v14, $0x9;
	v8 =	vcvt.f32.s32 v11  }
0xd2: {  	v11 =	vcvt.s32.f32 v14;
	v14 =	vcvt.s32.f32 v5;
	v7 =	vshll.u32 v16, $0x9  }
.Ltmp10:
0xd3: {  	v13 =	vsub.f32 v12, v9;
	v12 =	vcvt.s32.f32 v16;
	v16 =	vcvt.s32.f32 v4;
	(pc) =	sbr.rel @p0 .LBB2_20-.Ltmp10, $4  }
0xd4: {  	v15 =	vsub.f32 v15, v11;
	v9 =	vsub.f32 v18, v14;
	v14 =	vcvt.s32.f32 v8  }
0xd5: {  	v20 =	vmul.f32 v21, v20;
	v11 =	vsub.f32 v10, v12;
	v10 =	vsub.f32 v17, v16  }
0xd6: {  	v16 =	vsub.f32 $1.000000000e+00, v13;
	v12 =	vsub.f32 v19, v14;
	v19 =	vmul.f32 v21, v1  }
0xd7: {  	s7 =	sadd.s32 $0xC0, s7;
	v17 =	vsub.f32 $1.000000000e+00, v15;
	v18 =	vmul.f32 v15, v13;
	v14 =	vsub.f32 $1.000000000e+00, v9;
	[tilespmem:s2+$0xA000] =	vst v20  }
.LBB2_21:
0xd8: {  	[tilespmem:s2+$0xC000] =	vst v19  }
0xd9: {  	v15 =	vmul.f32 v15, v16;
	v3 =	vadd.s32 v6, v3;
	[tilespmem:s31+$0x10000] =	vst v18  }
0xda: {  	v62 =	vmul.f32 v11, v9;
	[tilespmem:s31+$0x4000] =	vst v3  }
0xdb: {  	v63 =	vmul.f32 v12, v10;
	[tilespmem:s31+$0xE000] =	vst v15  }
0xdc: {  	v1 =	vmul.f32 v2, v1;
	[tilespmem:s0+$0x10000] =	vst v62  }
0xdd: {  	v2 =	vadd.s32 v5, v0;
	[tilespmem:s15+$0x10000] =	vst v63  }
0xde: {  	v53 =	vmul.f32 v17, v16;
	v2 =	vadd.s32 v7, v2;
	[tilespmem:s2+$0x10000] =	vst v1  }
0xdf: {  	v52 =	vsub.f32 $1.000000000e+00, v11;
	v13 =	vmul.f32 v17, v13;
	[tilespmem:s0+$0x4000] =	vst v2  }
0xe0: {  	v58 =	vmul.f32 v11, v14;
	[tilespmem:s31+$0xA000] =	vst v53  }
0xe1: {  	v55 =	vsub.f32 $1.000000000e+00, v10;
	v56 =	vsub.f32 $1.000000000e+00, v12;
	v54 =	vmul.f32 v52, v14;
	[tilespmem:s31+$0xC000] =	vst v13  }
0xe2: {  	v57 =	vmul.f32 v52, v9;
	[tilespmem:s0+$0xE000] =	vst v58  }
0xe3: {  	v59 =	vmul.f32 v56, v55;
	[tilespmem:s0+$0xA000] =	vst v54  }
0xe4: {  	v60 =	vmul.f32 v56, v10;
	[tilespmem:s0+$0xC000] =	vst v57  }
0xe5: {  	s25 =	sshll.u32 s28, $0x8;
	s28 =	sadd.s32 $0x1, s28;
	v61 =	vmul.f32 v12, v55;
	[tilespmem:s15+$0xA000] =	vst v59  }
0xe6: {  	v4 =	vadd.s32 v4, v0;
	p0 =	sne.s32 s28, $0x20;
	v1 =	vshll.u32 v8, $0x9;
	[tilespmem:s15+$0xC000] =	vst v60  }
.Ltmp11:
0xe7: {  	v1 =	vadd.s32 v1, v4;
	[tilespmem:s15+$0xE000] =	vst v61;
	(pc) =	sbr.rel @p0 .LBB2_19-.Ltmp11, $4  }
0xe8: {  	s1 =	sadd.s32 $0x6080, s25;
	s31 =	sadd.s32 $0x4080, s25;
	[tilespmem:s15+$0x4000] =	vst v1  }
0xe9: {  	[tilespmem:s1], [sflag:$0x2] =	stream.indirect.gather [hbm4b:s4+s19], $0x1, s31, s19, $0xb8;
	[tilespmem:$0x15000] =	vst v63  }
0xea: {  	s30 =	sadd.s32 $0x100, s30;
	s0 =	sadd.s32 $0x8080, s25  }
0xeb: {  	[tilespmem:s0], [sflag:$0x2] =	stream.indirect.gather [hbm4b:s5+s19], $0x1, s31, s19, $0xb8;
	[tilespmem:$0x15000] =	vst v63  }
0xec: {  	s1 =	simm.s32 $0x1  }
0xed: {  	_ =	swait.ge [sflag:s1], $0x1000  }
0xee: {  	[sflag:s1] =	ssyncset.done $0x0  }
0xef: {  	s8 =	simm.s32 $0x0;
	[sflag:s1] =	ssyncadd.s32 $0xFFFFF000  }
0xf0: {  	p0 =	por $0x0, $0x0;
	s0 =	sand.u32 $0x40, s8;
	_ =	swait.ge [sflag:s1], $0x1000  }
0xf1: {  	s2 =	sand.u32 $0x1F00, s8;
	s7 =	sor.u32 $0x30, s0;
	[sflag:s1] =	ssyncset.done $0x0  }
0xf2: {  	s13 =	simm.s32 $0x1;
	s9 =	sor.u32 s2, s7;
	[sflag:s1] =	ssyncadd.s32 $0xFFFFF000  }
0xf3: {  	s15 =	simm.s32 $0x40;
	s28 =	simm.s32 $0x80;
	s6 =	sor.u32 $0x20, s0;
	v1 =	vld [tilespmem:s9+$0x6000]  }
0xf4: {  	s13 =	simm.s32 @!p0 $0x0;
	s25 =	sand.u32 $0x40, s15;
	s14 =	sor.u32 s2, s6;
	v2 =	vld [tilespmem:s9+$0x8000]  }
0xf5: {  	s30 =	sand.u32 $0x1F00, s28;
	s13 =	sshll.u32 s13, $0x6;
	s31 =	sor.u32 $0x30, s25;
	v5 =	vld [tilespmem:s14+$0x6000]  }
0xf6: {  	s13 =	sadd.s32 $0x0, s13;
	s1 =	sor.u32 $0x10, s0;
	s0 =	sor.u32 s0, s2;
	v6 =	vld [tilespmem:s14+$0x8000]  }
0xf7: {  	s18 =	sor.u32 s30, s31;
	s20 =	sadd.s32 $0x30, s13;
	s22 =	sadd.s32 $0x10, s13;
	v7 =	vld [tilespmem:s0+$0x6000]  }
0xf8: {  	s23 =	sadd.s32 $0x20, s13;
	s24 =	sor.u32 $0x80, s13;
	s13 =	sor.u32 $0x10, s25;
	v33 =	vld [tilespmem:s18+$0x6000]  }
0xf9: {  	s16 =	sor.u32 s30, s13;
	v34 =	vld [tilespmem:s18+$0x8000]  }
0xfa: {  	s10 =	sor.u32 s2, s1;
	v35 =	vld [tilespmem:s16+$0x6000]  }
0xfb: {  	v3 =	vld [tilespmem:s10+$0x6000]  }
0xfc: {  	v4 =	vld [tilespmem:s10+$0x8000];
	v1 =	vshll.u32 v1, $0x10  }
0xfd: {  	s2 =	sor.u32 $0x80, s20;
	v36 =	vld [tilespmem:s16+$0x8000];
	[tilespmem:s9+$0x13000] =	vst v1;
	v1 =	vshll.u32 v2, $0x10  }
0xfe: {  	v2 =	vld [tilespmem:s0+$0x8000];
	[tilespmem:s2+$0x13000] =	vst v1  }
0xff: {  	v8 =	vld [tilespmem:s9+$0xA000]  }
0x100: {  	v3 =	vshll.u32 v3, $0x10;
	v9 =	vld [tilespmem:s9+$0x13000]  }
0x101: {  	[tilespmem:s10+$0x13000] =	vst v3;
	v3 =	vshll.u32 v4, $0x10;
	v4 =	vld [tilespmem:s9+$0xC000]  }
0x102: {  	v10 =	vld [tilespmem:s9+$0x6000]  }
0x103: {  	v12 =	vld [tilespmem:s9+$0xE000]  }
0x104: {  	s2 =	sor.u32 $0x80, s22;
	v13 =	vld [tilespmem:s9+$0x10000]  }
0x105: {  	[tilespmem:s2+$0x13000] =	vst v3;
	v14 =	vld [tilespmem:s9+$0x8000]  }
0x106: {  	v11 =	vld [tilespmem:s10+$0xA000]  }
0x107: {  	v5 =	vshll.u32 v5, $0x10;
	v15 =	vld [tilespmem:s10+$0x13000]  }
0x108: {  	[tilespmem:s14+$0x13000] =	vst v5;
	v5 =	vshll.u32 v6, $0x10;
	v6 =	vld [tilespmem:s10+$0xC000]  }
0x109: {  	v16 =	vld [tilespmem:s10+$0x6000]  }
0x10a: {  	v24 =	vld [tilespmem:s10+$0xE000]  }
0x10b: {  	s2 =	sor.u32 $0x80, s23;
	v27 =	vld [tilespmem:s10+$0x10000]  }
0x10c: {  	[tilespmem:s2+$0x13000] =	vst v5;
	v28 =	vld [tilespmem:s10+$0x8000]  }
0x10d: {  	v17 =	vld [tilespmem:s14+$0xA000]  }
0x10e: {  	v18 =	vld [tilespmem:s14+$0x13000]  }
0x10f: {  	v7 =	vshll.u32 v7, $0x10;
	v19 =	vld [tilespmem:s14+$0x6000]  }
0x110: {  	[tilespmem:s0+$0x13000] =	vst v7;
	v25 =	vld [tilespmem:s14+$0xE000];
	v7 =	vshll.u32 v2, $0x10  }
0x111: {  	v29 =	vld [tilespmem:s14+$0x10000];
	[tilespmem:s24+$0x13000] =	vst v7  }
0x112: {  	v20 =	vld [tilespmem:s0+$0xA000]  }
0x113: {  	v21 =	vld [tilespmem:s0+$0x13000]  }
0x114: {  	v22 =	vld [tilespmem:s0+$0xC000]  }
0x115: {  	v23 =	vld [tilespmem:s0+$0x6000]  }
0x116: {  	v26 =	vld [tilespmem:s0+$0xE000]  }
0x117: {  	v31 =	vld [tilespmem:s0+$0x10000]  }
0x118: {  	p0 =	por !p0, !p0;
	s17 =	sor.u32 $0x20, s25;
	v32 =	vld [tilespmem:s0+$0x8000];
	s0 =	simm.s32 $0x1  }
0x119: {  	s2 =	sor.u32 s30, s17;
	v30 =	vld [tilespmem:s14+$0x8000];
	s0 =	simm.s32 @!p0 $0x0  }
0x11a: {  	v37 =	vld [tilespmem:s2+$0x6000];
	s0 =	sshll.u32 s0, $0x6  }
0x11b: {  	v38 =	vld [tilespmem:s2+$0x8000];
	s20 =	sadd.s32 $0x80, s0  }
0x11c: {  	v33 =	vshll.u32 v33, $0x10;
	v2 =	vld [tilespmem:s14+$0xC000];
	s0 =	sor.u32 s25, s30;
	s10 =	sadd.s32 $0x30, s20  }
0x11d: {  	v47 =	vshll.u32 v34, $0x10;
	[tilespmem:s18+$0x13000] =	vst v33;
	v39 =	vld [tilespmem:s0+$0x6000];
	s9 =	sor.u32 $0x80, s10  }
0x11e: {  	v48 =	vld [tilespmem:s0+$0x8000];
	[tilespmem:s9+$0x13000] =	vst v47  }
0x11f: {  	v40 =	vld [tilespmem:s18+$0xA000]  }
0x120: {  	v41 =	vld [tilespmem:s18+$0x13000]  }
0x121: {  	v50 =	vld [tilespmem:s18+$0xC000]  }
0x122: {  	v42 =	vld [tilespmem:s18+$0x6000]  }
0x123: {  	v35 =	vshll.u32 v35, $0x10;
	v8 =	vmul.f32 v9, v8;
	v4 =	vmul.f32 v10, v4;
	s22 =	sadd.s32 $0x10, s20;
	v9 =	vld [tilespmem:s18+$0xE000]  }
0x124: {  	v49 =	vshll.u32 v36, $0x10;
	[tilespmem:s16+$0x13000] =	vst v35;
	s9 =	sor.u32 $0x80, s22;
	v10 =	vld [tilespmem:s18+$0x10000]  }
0x125: {  	v4 =	vadd.f32 v4, v8;
	[tilespmem:s9+$0x13000] =	vst v49;
	v8 =	vld [tilespmem:s18+$0x8000]  }
0x126: {  	v1 =	vmul.f32 v1, v12;
	v43 =	vld [tilespmem:s16+$0xA000]  }
0x127: {  	v12 =	vshll.u32 v37, $0x10;
	s23 =	sadd.s32 $0x20, s20;
	v51 =	vld [tilespmem:s16+$0x13000]  }
0x128: {  	v13 =	vmul.f32 v14, v13;
	[tilespmem:s2+$0x13000] =	vst v12;
	v4 =	vadd.f32 v1, v4;
	v1 =	vshll.u32 v38, $0x10;
	s9 =	sor.u32 $0x80, s23;
	v12 =	vld [tilespmem:s16+$0xC000]  }
0x129: {  	[tilespmem:s9+$0x13000] =	vst v1;
	v14 =	vld [tilespmem:s16+$0x6000]  }
0x12a: {  	v11 =	vmul.f32 v15, v11;
	v4 =	vadd.f32 v13, v4;
	v13 =	vld [tilespmem:s2+$0xA000]  }
0x12b: {  	v6 =	vmul.f32 v16, v6;
	v3 =	vmul.f32 v3, v24;
	v52 =	vshll.u32 v39, $0x10;
	v53 =	vld [tilespmem:s2+$0x13000]  }
0x12c: {  	v15 =	vmul.f32 v18, v17;
	v54 =	vmul.f32 v19, v2;
	s24 =	sor.u32 $0x80, s20;
	v2 =	vshll.u32 v48, $0x10;
	v56 =	vld [tilespmem:s2+$0xC000];
	[tilespmem:s0+$0x13000] =	vst v52  }
0x12d: {  	v5 =	vmul.f32 v5, v25;
	v6 =	vadd.f32 v6, v11;
	v55 =	vmul.f32 v21, v20;
	v57 =	vld [tilespmem:s2+$0x6000];
	[tilespmem:s24+$0x13000] =	vst v2  }
0x12e: {  	v11 =	vmul.f32 v23, v22;
	v15 =	vadd.f32 v54, v15;
	v7 =	vmul.f32 v7, v26;
	v58 =	vld [tilespmem:s0+$0xA000]  }
0x12f: {  	v3 =	vadd.f32 v3, v6;
	v59 =	vmul.f32 v41, v40;
	v60 =	vmul.f32 v42, v50;
	v61 =	vld [tilespmem:s0+$0x13000]  }
0x130: {  	s8 =	sand.u32 $0xF80, s8;
	v6 =	vmul.f32 v28, v27;
	v11 =	vadd.f32 v11, v55;
	v5 =	vadd.f32 v5, v15;
	v15 =	vld [tilespmem:s0+$0xC000]  }
0x131: {  	s8 =	sor.u32 $0x12000, s8;
	v62 =	vmul.f32 v30, v29;
	v9 =	vmul.f32 v47, v9;
	v63 =	vld [tilespmem:s0+$0x6000];
	v19 =	vadd.f32 v60, v59  }
0x132: {  	s7 =	sor.u32 s7, s8;
	v3 =	vadd.f32 v6, v3;
	v6 =	vmul.f32 v32, v31;
	v7 =	vadd.f32 v7, v11;
	v11 =	vld [tilespmem:s16+$0xE000]  }
0x133: {  	s1 =	sor.u32 s1, s8;
	[tilespmem:s7+$0x0] =	vst v4;
	v4 =	vadd.f32 v62, v5;
	v5 =	vld [tilespmem:s2+$0xE000];
	v8 =	vmul.f32 v8, v10;
	v9 =	vadd.f32 v9, v19  }
0x134: {  	s25 =	sor.u32 s6, s8;
	s30 =	sand.u32 $0xF80, s15;
	[tilespmem:s1+$0x0] =	vst v3;
	v7 =	vadd.f32 v6, v7;
	v6 =	vld [tilespmem:s0+$0xE000];
	v10 =	vmul.f32 v51, v43;
	v12 =	vmul.f32 v14, v12  }
0x135: {  	s15 =	simm.s32 $0x12000;
	s6 =	sor.u32 $0x12000, s30;
	v3 =	vld [tilespmem:s16+$0x10000];
	[tilespmem:s25+$0x0] =	vst v4;
	v13 =	vmul.f32 v53, v13;
	v14 =	vmul.f32 v57, v56;
	v9 =	vadd.f32 v8, v9  }
0x136: {  	s31 =	sor.u32 s31, s6;
	s20 =	sor.u32 s13, s6;
	[tilespmem:s15+$0x0] =	vst v7;
	v4 =	vadd.f32 v12, v10;
	v10 =	vmul.f32 v61, v58;
	v12 =	vmul.f32 v63, v15;
	v8 =	vld [tilespmem:s16+$0x8000]  }
0x137: {  	s7 =	sor.u32 s17, s6;
	s6 =	simm.s32 $0x80;
	s1 =	simm.s32 $0x4;
	v7 =	vld [tilespmem:s2+$0x10000];
	v11 =	vmul.f32 v49, v11;
	[tilespmem:s31+$0x0] =	vst v9;
	v9 =	vadd.f32 v14, v13  }
.LBB2_23:
0x138: {  	s9 =	sand.u32 $0x40, s6;
	v10 =	vadd.f32 v12, v10;
	v1 =	vmul.f32 v1, v5;
	v5 =	vld [tilespmem:s2+$0x8000];
	s28 =	sadd.s32 $0x80, s28  }
0x139: {  	s2 =	sand.u32 $0x1F00, s28;
	s14 =	sor.u32 $0x10, s9;
	s13 =	sor.u32 $0x30, s9;
	v2 =	vmul.f32 v2, v6;
	v6 =	vld [tilespmem:s0+$0x10000];
	v4 =	vadd.f32 v11, v4  }
0x13a: {  	s16 =	sor.u32 $0x20, s9;
	s8 =	sor.u32 s2, s14;
	s17 =	sor.u32 s2, s13;
	v11 =	vld [tilespmem:s0+$0x8000];
	v1 =	vadd.f32 v1, v9  }
0x13b: {  	s0 =	sor.u32 s9, s2;
	s2 =	sor.u32 s2, s16;
	v9 =	vld [tilespmem:s17+$0x6000];
	v2 =	vadd.f32 v2, v10;
	v3 =	vmul.f32 v8, v3  }
0x13c: {  	s1 =	sadd.s32 $0x4, s1;
	p0 =	por !p0, !p0;
	s9 =	simm.s32 $0x1;
	v8 =	vld [tilespmem:s17+$0x8000]  }
0x13d: {  	p1 =	slt.u32 s1, $0xFC;
	s9 =	simm.s32 @!p0 $0x0;
	v10 =	vld [tilespmem:s8+$0x6000];
	v3 =	vadd.f32 v3, v4;
	v4 =	vmul.f32 v5, v7  }
0x13e: {  	s9 =	sshll.u32 s9, $0x6;
	v5 =	vld [tilespmem:s8+$0x8000]  }
0x13f: {  	s9 =	sadd.s32 s9, s28;
	v7 =	vld [tilespmem:s2+$0x6000];
	v6 =	vmul.f32 v11, v6;
	[tilespmem:s20+$0x0] =	vst v3;
	v3 =	vadd.f32 v4, v1  }
0x140: {  	s10 =	sadd.s32 $0x10, s9;
	s18 =	sadd.s32 $0x20, s9;
	s20 =	sadd.s32 $0x30, s9;
	v1 =	vld [tilespmem:s2+$0x8000];
	v4 =	vshll.u32 v9, $0x10  }
0x141: {  	s10 =	sor.u32 $0x80, s10;
	s18 =	sor.u32 $0x80, s18;
	s20 =	sor.u32 $0x80, s20;
	v9 =	vld [tilespmem:s0+$0x6000];
	[tilespmem:s17+$0x13000] =	vst v4;
	v4 =	vshll.u32 v8, $0x10;
	v6 =	vadd.f32 v6, v2  }
0x142: {  	s9 =	sor.u32 $0x80, s9;
	v2 =	vld [tilespmem:s0+$0x8000];
	v8 =	vshll.u32 v10, $0x10;
	[tilespmem:s20+$0x13000] =	vst v4  }
0x143: {  	[tilespmem:s8+$0x13000] =	vst v8;
	v11 =	vshll.u32 v5, $0x10;
	v5 =	vld [tilespmem:s17+$0xA000]  }
0x144: {  	[tilespmem:s10+$0x13000] =	vst v11;
	v7 =	vshll.u32 v7, $0x10;
	v8 =	vld [tilespmem:s17+$0x13000]  }
0x145: {  	[tilespmem:s2+$0x13000] =	vst v7;
	v1 =	vshll.u32 v1, $0x10;
	v7 =	vld [tilespmem:s17+$0xC000]  }
0x146: {  	v9 =	vshll.u32 v9, $0x10;
	[tilespmem:s18+$0x13000] =	vst v1;
	v10 =	vld [tilespmem:s17+$0x6000]  }
0x147: {  	[tilespmem:s0+$0x13000] =	vst v9;
	v2 =	vshll.u32 v2, $0x10;
	v9 =	vld [tilespmem:s8+$0xA000]  }
0x148: {  	[tilespmem:s9+$0x13000] =	vst v2;
	v12 =	vld [tilespmem:s17+$0xE000]  }
0x149: {  	s15 =	sadd.s32 $0x40, s15;
	v13 =	vld [tilespmem:s17+$0x10000];
	[tilespmem:s7+$0x0] =	vst v3  }
0x14a: {  	v3 =	vld [tilespmem:s17+$0x8000];
	[tilespmem:s15+$0x0] =	vst v6  }
0x14b: {  	v5 =	vmul.f32 v8, v5;
	v6 =	vld [tilespmem:s8+$0x13000];
	v7 =	vmul.f32 v10, v7  }
0x14c: {  	v8 =	vld [tilespmem:s8+$0xC000]  }
0x14d: {  	v10 =	vld [tilespmem:s8+$0x6000];
	v5 =	vadd.f32 v7, v5;
	v4 =	vmul.f32 v4, v12  }
0x14e: {  	v7 =	vld [tilespmem:s2+$0xA000]  }
0x14f: {  	v12 =	vld [tilespmem:s2+$0x13000];
	v4 =	vadd.f32 v4, v5;
	v3 =	vmul.f32 v3, v13  }
0x150: {  	s7 =	sand.u32 $0xF80, s6;
	v5 =	vmul.f32 v6, v9;
	v6 =	vld [tilespmem:s2+$0xC000]  }
0x151: {  	s9 =	sor.u32 $0x12000, s7;
	v9 =	vld [tilespmem:s2+$0x6000];
	v3 =	vadd.f32 v3, v4  }
0x152: {  	s20 =	sor.u32 s14, s9;
	s7 =	sor.u32 s16, s9;
	s9 =	sor.u32 s13, s9;
	v13 =	vld [tilespmem:s0+$0xA000];
	v4 =	vmul.f32 v10, v8  }
0x153: {  	v8 =	vld [tilespmem:s0+$0x13000];
	[tilespmem:s9+$0x0] =	vst v3  }
0x154: {  	v14 =	vld [tilespmem:s0+$0xC000];
	v4 =	vadd.f32 v4, v5;
	v3 =	vmul.f32 v12, v7  }
0x155: {  	v7 =	vld [tilespmem:s0+$0x6000]  }
0x156: {  	v15 =	vld [tilespmem:s8+$0xE000];
	v9 =	vmul.f32 v9, v6  }
.Ltmp12:
0x157: {  	v5 =	vld [tilespmem:s2+$0xE000];
	(pc) =	sbr.rel @p1 .LBB2_23-.Ltmp12, $4  }
0x158: {  	v10 =	vmul.f32 v8, v13;
	v6 =	vld [tilespmem:s0+$0xE000];
	v9 =	vadd.f32 v9, v3  }
0x159: {  	v3 =	vld [tilespmem:s8+$0x10000]  }
0x15a: {  	v12 =	vmul.f32 v7, v14;
	v8 =	vld [tilespmem:s8+$0x8000]  }
0x15b: {  	s6 =	sadd.s32 $0x40, s6;
	v11 =	vmul.f32 v11, v15;
	v7 =	vld [tilespmem:s2+$0x10000]  }
0x15c: {  	v13 =	vld [tilespmem:s2+$0x8000]  }
0x15d: {  	v14 =	vld [tilespmem:s0+$0x10000]  }
0x15e: {  	v15 =	vld [tilespmem:s0+$0x8000];
	_ =	sdelay $0x1  }
0x15f: {  	v1 =	vmul.f32 v1, v5;
	v4 =	vadd.f32 v11, v4;
	v3 =	vmul.f32 v8, v3  }
0x160: {  	v10 =	vadd.f32 v12, v10;
	v2 =	vmul.f32 v2, v6  }
0x161: {  	v1 =	vadd.f32 v1, v9;
	v62 =	vmul.f32 v13, v7;
	v3 =	vadd.f32 v3, v4  }
0x162: {  	v2 =	vadd.f32 v2, v10;
	v63 =	vmul.f32 v15, v14  }
0x163: {  	v1 =	vadd.f32 v62, v1;
	[tilespmem:s20+$0x0] =	vst v3  }
0x164: {  	v2 =	vadd.f32 v63, v2;
	s22 =	rddreg [dreg:$0x3]  }
0x165: {  	s1 =	sadd.s32 $0x40, s15;
	s0 =	sor.u32 s22, s29;
	[tilespmem:s7+$0x0] =	vst v1  }
0x166: {  	s24 =	rddreg [dreg:$0x1];
	s25 =	simm.s32 $0x0;
	[tilespmem:s1+$0x0] =	vst v2;
	s23 =	sshrl.u32 s0, $0x3  }
0x167: {  	s28 =	simm.s32 $0x12000;
	[dreg:$0x10] =	wrdreg s23;
	s0 =	sadd.s32 s24, s23  }
0x168: {  	[hbm4b:s0+s25] =	stream.linear.scatter [tilespmem:s28], [sflag:$0x4], $0x1000, $0x38;
	[tilespmem:$0x15000] =	vst v63  }
0x169: {  	_ =	swait.ge [sflag:s21], $0x1000  }
0x16a: {  	[sflag:s21] =	ssyncset.done $0x0  }
0x16b: {  	[sflag:s21] =	ssyncadd.s32 $0xFFFFF000  }
0x16c: {  	_ =	swait.ge [sflag:s11], $0x1000  }
0x16d: {  	[sflag:s11] =	ssyncset.done $0x0  }
0x16e: {  	[sflag:s11] =	ssyncadd.s32 $0xFFFFF000  }
0x16f: {  	_ =	swait.ge [sflag:s11], $0x1000  }
0x170: {  	s30 =	rddreg [dreg:$0xa]  }
0x171: {  	s0 =	sadd.s32 s29, s30  }
0x172: {  	s2 =	simm.s32 $0x80;
	s31 =	rddreg [dreg:$0x4];
	s0 =	sshrl.u32 s0, $0x3  }
0x173: {  	s6 =	simm.s32 $0x10;
	[sflag:s11] =	ssyncset.done $0x0;
	s1 =	sadd.s32 s31, s0  }
0x174: {  	s7 =	simm.s32 $0x180;
	[sflag:s11] =	ssyncadd.s32 $0xFFFFF000;
	s8 =	sadd.s32 $0x0, s1  }
.LBB2_25:
0x175: {  	[tilespmem:s2], [sflag:$0x3] =	stream.linear.gather [hbm4b:s8+s3], $0x80, $0x38;
	[tilespmem:$0x15000] =	vst v63  }
0x176: {  	s8 =	smov.u32 s6;
	s2 =	smov.u32 s7;
	p0 =	sne.s32 s6, $0x1F0  }
.Ltmp13:
0x177: {  	s6 =	sadd.s32 $0x10, s6;
	(pc) =	sbr.rel @p0 .LBB2_25-.Ltmp13, $2  }
0x178: {  	_ =	sdelay $0x2  }
0x179: {  	s7 =	sadd.s32 $0x100, s7;
	s8 =	sadd.s32 s8, s1  }
0x17a: {  	[tilespmem:s2], [sflag:$0x3] =	stream.linear.gather [hbm4b:s8+s3], $0x80, $0x38;
	[tilespmem:$0x15000] =	vst v63  }
0x17b: {  	s1 =	rddreg [dreg:$0x5]  }
0x17c: {  	s2 =	simm.s32 $0x10;
	s0 =	sadd.s32 s1, s0  }
0x17d: {  	s6 =	simm.s32 $0x2180;
	s1 =	simm.s32 $0x2080;
	s7 =	sadd.s32 $0x0, s0  }
.LBB2_27:
0x17e: {  	[tilespmem:s1], [sflag:$0x3] =	stream.linear.gather [hbm4b:s7+s3], $0x80, $0x38;
	[tilespmem:$0x15000] =	vst v63  }
0x17f: {  	s7 =	smov.u32 s2;
	s1 =	smov.u32 s6;
	p0 =	seq.s32 s2, $0x1F0  }
.Ltmp14:
0x180: {  	s2 =	sadd.s32 $0x10, s2;
	(pc) =	sbr.rel @!p0 .LBB2_27-.Ltmp14, $2  }
0x181: {  	_ =	sdelay $0x2  }
0x182: {  	s6 =	sadd.s32 $0x100, s6;
	s7 =	sadd.s32 s7, s0  }
0x183: {  	[tilespmem:s1], [sflag:$0x3] =	stream.linear.gather [hbm4b:s7+s3], $0x80, $0x38;
	[tilespmem:$0x15000] =	vst v63  }
0x184: {  	s0 =	sand.u32 $0x3C0000, s26  }
0x185: {  	s29 =	simm.s32 $0x0;
	s26 =	simm.s32 $0x0;
	v1 =	vmov s0  }
.LBB2_29:
0x186: {  	s30 =	sand.u32 $0x3FFFFF00, s26  }
0x187: {  	s0 =	sadd.s32 $0x2000, s30  }
0x188: {  	s1 =	sadd.s32 $0x0, s30;
	v2 =	vld [tilespmem:s0+$0x30]  }
0x189: {  	v3 =	vld [tilespmem:s1+$0x30]  }
0x18a: {  	v4 =	vld [tilespmem:s1+$0x10]  }
0x18b: {  	v5 =	vld [tilespmem:s1+$0x0]  }
0x18c: {  	v6 =	vld [tilespmem:s0+$0x0]  }
0x18d: {  	v7 =	vld [tilespmem:s1+$0x20]  }
0x18e: {  	v8 =	vld [tilespmem:s0+$0x10];
	_ =	sdelay $0x2  }
0x18f: {  	v3 =	vmax.f32 v3, $0.0e+00;
	v2 =	vmax.f32 v2, $0.0e+00  }
0x190: {  	v5 =	vmax.f32 v5, $0.0e+00;
	v11 =	vmax.f32 v6, $0.0e+00;
	v6 =	vmax.f32 v7, $0.0e+00  }
0x191: {  	v9 =	vld [tilespmem:s0+$0x20];
	v4 =	vmax.f32 v4, $0.0e+00;
	v7 =	vmax.f32 v8, $0.0e+00;
	v3 =	vmin.f32 v3, $5.110000000e+02  }
0x192: {  	v2 =	vmin.f32 v2, $5.110000000e+02;
	v8 =	vmin.f32 v4, $5.110000000e+02;
	v21 =	vmin.f32 v5, $5.110000000e+02  }
0x193: {  	v14 =	vmin.f32 v7, $5.110000000e+02;
	v10 =	vtrunc.f32 v2;
	v12 =	vtrunc.f32 v3  }
0x194: {  	v5 =	vmin.f32 v6, $5.110000000e+02;
	v4 =	vtrunc.f32 v8;
	v15 =	vtrunc.f32 v14  }
0x195: {  	v16 =	vtrunc.f32 v5;
	v10 =	vcvt.f32.s32 v10  }
0x196: {  	v6 =	vmax.f32 v9, $0.0e+00;
	v9 =	vcvt.f32.s32 v4;
	v15 =	vcvt.f32.s32 v15  }
0x197: {  	v6 =	vmin.f32 v6, $5.110000000e+02;
	v22 =	vcvt.f32.s32 v16;
	v13 =	vcvt.s32.f32 v10  }
0x198: {  	v7 =	vmin.f32 v11, $5.110000000e+02;
	v23 =	vtrunc.f32 v6;
	v16 =	vcvt.f32.s32 v12  }
0x199: {  	s28 =	sshll.u32 s29, $0x3;
	v11 =	vcvt.s32.f32 v9;
	v2 =	vsub.f32 v2, v13;
	v13 =	vtrunc.f32 v21  }
0x19a: {  	s16 =	sadd.s32 $0x8, s28;
	s24 =	sadd.s32 $0x4, s28;
	v9 =	vadd.s32 v9, v1;
	v20 =	vcvt.s32.f32 v16;
	v17 =	vcvt.f32.s32 v13  }
0x19b: {  	p0 =	slt.u32 s24, s16;
	v13 =	vshll.u32 v10, $0x9;
	v10 =	vsub.f32 v8, v11;
	v8 =	vshll.u32 v15, $0x9  }
.Ltmp15:
0x19c: {  	s17 =	simm.s32 $0xA000;
	v11 =	vcvt.s32.f32 v15;
	v4 =	vsub.f32 $1.000000000e+00, v2;
	v18 =	vadd.s32 v8, v9;
	(pc) =	sbr.rel @!p0 .LBB2_31-.Ltmp15, $4  }
0x19d: {  	s15 =	simm.s32 $0xC000;
	s2 =	simm.s32 $0xE000;
	s31 =	simm.s32 $0x10000;
	v8 =	vtrunc.f32 v7;
	v9 =	vadd.s32 v22, v1;
	v12 =	vadd.s32 v17, v1  }
0x19e: {  	s6 =	simm.s32 $0xA040;
	s13 =	simm.s32 $0xC040;
	s14 =	simm.s32 $0xE040;
	v24 =	vcvt.s32.f32 v17;
	v17 =	vcvt.f32.s32 v8;
	v15 =	vsub.f32 v14, v11  }
0x19f: {  	s21 =	sadd.s32 $0x80, s26;
	s7 =	simm.s32 $0x2040;
	s8 =	simm.s32 $0x4040;
	v19 =	vsub.f32 $1.000000000e+00, v10;
	v11 =	vcvt.f32.s32 v23;
	v14 =	vcvt.s32.f32 v22  }
0x1a0: {  	s20 =	simm.s32 $0x0;
	s0 =	sadd.s32 $0x4000, s30;
	s1 =	simm.s32 $0x10040;
	v8 =	vsub.f32 v21, v24;
	v21 =	vcvt.s32.f32 v17;
	v22 =	vsub.f32 $1.000000000e+00, v15  }
.LBB2_30:
0x1a1: {  	s9 =	sand.u32 $0x3FFFFF00, s21;
	s24 =	sadd.s32 $0x4, s24;
	v23 =	vmul.f32 v15, v19;
	v24 =	vcvt.s32.f32 v11;
	v16 =	vadd.s32 v16, v1;
	s20 =	sadd.s32 $0x40, s20  }
0x1a2: {  	s10 =	sadd.s32 s9, s20;
	s28 =	sadd.s32 s9, s7;
	s11 =	sadd.s32 s9, s8;
	v19 =	vmul.f32 v22, v19;
	v22 =	vmul.f32 v22, v10;
	[tilespmem:s0+$0x10] =	vst v18;
	v18 =	vsub.f32 v3, v20  }
0x1a3: {  	s22 =	sadd.s32 s30, s17;
	s17 =	smov.u32 s6;
	p0 =	slt.u32 s24, s16;
	v7 =	vsub.f32 v7, v21;
	v10 =	vmul.f32 v15, v10;
	v13 =	vadd.s32 v13, v16;
	v3 =	vld [tilespmem:s28+$0x30]  }
0x1a4: {  	v5 =	vsub.f32 v5, v14;
	v16 =	vshll.u32 v17, $0x9;
	v6 =	vsub.f32 v6, v24;
	v15 =	vld [tilespmem:s10+$0x30];
	[tilespmem:s22+$0x10] =	vst v19  }
0x1a5: {  	v17 =	vsub.f32 $1.000000000e+00, v7;
	v19 =	vsub.f32 $1.000000000e+00, v18;
	v20 =	vmul.f32 v4, v18;
	v14 =	vld [tilespmem:s10+$0x10]  }
0x1a6: {  	v24 =	vsub.f32 $1.000000000e+00, v8;
	v12 =	vadd.s32 v16, v12;
	v16 =	vsub.f32 $1.000000000e+00, v6;
	v21 =	vld [tilespmem:s10+$0x20];
	[tilespmem:s0+$0x30] =	vst v13  }
0x1a7: {  	s25 =	sadd.s32 s30, s15;
	s15 =	smov.u32 s13;
	v25 =	vmul.f32 v17, v8;
	v4 =	vmul.f32 v4, v19;
	v13 =	vld [tilespmem:s10+$0x0];
	[tilespmem:s0+$0x0] =	vst v12;
	v12 =	vsub.f32 $1.000000000e+00, v5  }
0x1a8: {  	s23 =	sadd.s32 s30, s2;
	v11 =	vshll.u32 v11, $0x9;
	s2 =	smov.u32 s14;
	v17 =	vmul.f32 v17, v24;
	v26 =	vld [tilespmem:s28+$0x0];
	[tilespmem:s25+$0x10] =	vst v22;
	v22 =	vmul.f32 v16, v5  }
0x1a9: {  	v9 =	vadd.s32 v11, v9;
	v8 =	vmul.f32 v7, v8;
	v27 =	vld [tilespmem:s28+$0x10];
	[tilespmem:s23+$0x10] =	vst v23;
	v23 =	vmul.f32 v6, v12  }
0x1aa: {  	s18 =	sadd.s32 s30, s31;
	s30 =	smov.u32 s9;
	v28 =	vmul.f32 v6, v5;
	v11 =	vmax.f32 v15, $0.0e+00;
	v15 =	vmax.f32 v3, $0.0e+00;
	[tilespmem:s0+$0x20] =	vst v9;
	s0 =	smov.u32 s11  }
0x1ab: {  	s31 =	smov.u32 s1;
	v3 =	vmin.f32 v11, $5.110000000e+02;
	v6 =	vmin.f32 v15, $5.110000000e+02;
	v9 =	vmul.f32 v2, v19;
	[tilespmem:s18+$0x10] =	vst v10  }
0x1ac: {  	v7 =	vmul.f32 v7, v24;
	v11 =	vtrunc.f32 v6;
	v5 =	vmax.f32 v13, $0.0e+00;
	v10 =	vld [tilespmem:s28+$0x20];
	[tilespmem:s22+$0x30] =	vst v4  }
0x1ad: {  	v15 =	vtrunc.f32 v3;
	v13 =	vmax.f32 v21, $0.0e+00;
	v4 =	vmax.f32 v26, $0.0e+00;
	[tilespmem:s22+$0x0] =	vst v17  }
0x1ae: {  	v14 =	vmax.f32 v14, $0.0e+00;
	v11 =	vcvt.f32.s32 v11;
	v17 =	vmax.f32 v27, $0.0e+00;
	[tilespmem:s25+$0x0] =	vst v25  }
0x1af: {  	v14 =	vmin.f32 v14, $5.110000000e+02;
	[tilespmem:s23+$0x0] =	vst v7;
	v7 =	vmul.f32 v16, v12;
	v12 =	vmul.f32 v2, v18  }
0x1b0: {  	v21 =	vmin.f32 v5, $5.110000000e+02;
	v2 =	vtrunc.f32 v14;
	v16 =	vcvt.s32.f32 v11;
	[tilespmem:s25+$0x30] =	vst v20  }
0x1b1: {  	v5 =	vmin.f32 v13, $5.110000000e+02;
	v20 =	vmin.f32 v17, $5.110000000e+02;
	v10 =	vmax.f32 v10, $0.0e+00;
	[tilespmem:s22+$0x20] =	vst v7  }
0x1b2: {  	v13 =	vcvt.f32.s32 v2;
	v17 =	vtrunc.f32 v20;
	v2 =	vsub.f32 v6, v16;
	[tilespmem:s25+$0x20] =	vst v22  }
0x1b3: {  	v16 =	vtrunc.f32 v21;
	v6 =	vmin.f32 v10, $5.110000000e+02;
	v10 =	vtrunc.f32 v5;
	[tilespmem:s23+$0x20] =	vst v23  }
0x1b4: {  	v7 =	vmin.f32 v4, $5.110000000e+02;
	v18 =	vcvt.s32.f32 v13;
	v4 =	vsub.f32 $1.000000000e+00, v2;
	[tilespmem:s18+$0x20] =	vst v28  }
0x1b5: {  	v17 =	vcvt.f32.s32 v17;
	v19 =	vadd.s32 v13, v1;
	v22 =	vcvt.f32.s32 v10;
	[tilespmem:s23+$0x30] =	vst v9  }
0x1b6: {  	v13 =	vshll.u32 v11, $0x9;
	v23 =	vtrunc.f32 v6;
	v9 =	vcvt.f32.s32 v16;
	[tilespmem:s18+$0x0] =	vst v8  }
0x1b7: {  	v10 =	vsub.f32 v14, v18;
	v16 =	vcvt.f32.s32 v15;
	v8 =	vshll.u32 v17, $0x9;
	[tilespmem:s18+$0x30] =	vst v12  }
.Ltmp16:
0x1b8: {  	v11 =	vcvt.s32.f32 v17;
	v12 =	vadd.s32 v9, v1;
	v18 =	vadd.s32 v8, v19;
	(pc) =	sbr.rel @p0 .LBB2_30-.Ltmp16, $4  }
0x1b9: {  	v8 =	vtrunc.f32 v7;
	v24 =	vcvt.s32.f32 v9;
	v19 =	vsub.f32 $1.000000000e+00, v10  }
0x1ba: {  	s1 =	sadd.s32 $0x40, s1;
	v15 =	vsub.f32 v20, v11;
	v20 =	vcvt.s32.f32 v16;
	v17 =	vcvt.f32.s32 v8  }
0x1bb: {  	s6 =	sadd.s32 $0x40, s6;
	s13 =	sadd.s32 $0x40, s13;
	s14 =	sadd.s32 $0x40, s14;
	v14 =	vcvt.s32.f32 v22;
	v11 =	vcvt.f32.s32 v23;
	v9 =	vadd.s32 v22, v1  }
0x1bc: {  	s21 =	sadd.s32 $0x80, s21;
	s7 =	sadd.s32 $0x40, s7;
	s8 =	sadd.s32 $0x40, s8;
	v22 =	vsub.f32 $1.000000000e+00, v15;
	v8 =	vsub.f32 v21, v24;
	v21 =	vcvt.s32.f32 v17  }
.LBB2_31:
0x1bd: {  	v16 =	vadd.s32 v16, v1  }
0x1be: {  	[tilespmem:s0+$0x10] =	vst v18;
	v43 =	vshll.u32 v17, $0x9;
	v13 =	vadd.s32 v13, v16  }
0x1bf: {  	v49 =	vshll.u32 v11, $0x9;
	v12 =	vadd.s32 v43, v12;
	[tilespmem:s0+$0x30] =	vst v13  }
0x1c0: {  	v3 =	vsub.f32 v3, v20;
	v23 =	vmul.f32 v22, v19;
	v9 =	vadd.s32 v49, v9;
	[tilespmem:s0+$0x0] =	vst v12  }
0x1c1: {  	s1 =	sadd.s32 s30, s17;
	v44 =	vmul.f32 v22, v10;
	v7 =	vsub.f32 v7, v21;
	[tilespmem:s0+$0x20] =	vst v9  }
0x1c2: {  	v45 =	vmul.f32 v15, v19;
	v46 =	vcvt.s32.f32 v11;
	s6 =	sadd.s32 s30, s15;
	v48 =	vsub.f32 $1.000000000e+00, v3;
	[tilespmem:s1+$0x10] =	vst v23  }
0x1c3: {  	v47 =	vmul.f32 v15, v10;
	s2 =	sadd.s32 s30, s2;
	v51 =	vsub.f32 $1.000000000e+00, v8;
	v50 =	vsub.f32 $1.000000000e+00, v7;
	[tilespmem:s6+$0x10] =	vst v44  }
0x1c4: {  	s7 =	sadd.s32 s30, s31;
	v5 =	vsub.f32 v5, v14;
	v6 =	vsub.f32 v6, v46;
	v52 =	vmul.f32 v4, v48;
	[tilespmem:s2+$0x10] =	vst v45  }
0x1c5: {  	v53 =	vmul.f32 v50, v51;
	[tilespmem:s7+$0x10] =	vst v47  }
0x1c6: {  	v56 =	vsub.f32 $1.000000000e+00, v5;
	v58 =	vmul.f32 v4, v3;
	v55 =	vsub.f32 $1.000000000e+00, v6;
	[tilespmem:s1+$0x30] =	vst v52  }
0x1c7: {  	v54 =	vmul.f32 v50, v8;
	[tilespmem:s1+$0x0] =	vst v53  }
0x1c8: {  	v59 =	vmul.f32 v55, v56;
	[tilespmem:s6+$0x30] =	vst v58  }
0x1c9: {  	v62 =	vmul.f32 v2, v48;
	[tilespmem:s6+$0x0] =	vst v54  }
0x1ca: {  	v57 =	vmul.f32 v7, v51;
	[tilespmem:s1+$0x20] =	vst v59  }
0x1cb: {  	v60 =	vmul.f32 v55, v5;
	[tilespmem:s2+$0x30] =	vst v62  }
0x1cc: {  	v2 =	vmul.f32 v2, v3;
	[tilespmem:s2+$0x0] =	vst v57  }
0x1cd: {  	v61 =	vmul.f32 v6, v56;
	[tilespmem:s6+$0x20] =	vst v60  }
0x1ce: {  	s28 =	sshll.u32 s29, $0x8;
	s29 =	sadd.s32 $0x1, s29;
	v63 =	vmul.f32 v7, v8;
	[tilespmem:s7+$0x30] =	vst v2  }
0x1cf: {  	p0 =	sne.s32 s29, $0x20;
	v5 =	vmul.f32 v6, v5;
	[tilespmem:s2+$0x20] =	vst v61  }
.Ltmp17:
0x1d0: {  	[tilespmem:s7+$0x0] =	vst v63;
	(pc) =	sbr.rel @p0 .LBB2_29-.Ltmp17, $4  }
0x1d1: {  	s30 =	sadd.s32 $0x6000, s28;
	s31 =	sadd.s32 $0x4000, s28;
	[tilespmem:s7+$0x20] =	vst v5  }
0x1d2: {  	[tilespmem:s30], [sflag:$0x1] =	stream.indirect.gather [hbm4b:s4+s19], $0x1, s31, s19, $0xb8;
	[tilespmem:$0x15000] =	vst v63  }
0x1d3: {  	s26 =	sadd.s32 $0x100, s26;
	s0 =	sadd.s32 $0x8000, s28  }
0x1d4: {  	[tilespmem:s0], [sflag:$0x1] =	stream.indirect.gather [hbm4b:s5+s19], $0x1, s31, s19, $0xb8;
	[tilespmem:$0x15000] =	vst v63  }
0x1d5: {  	s2 =	simm.s32 $0x2  }
0x1d6: {  	p0 =	por $0x0, $0x0;
	s0 =	simm.s32 $0x1;
	_ =	swait.ge [sflag:s2], $0x1000  }
0x1d7: {  	s0 =	simm.s32 @!p0 $0x0;
	[sflag:s2] =	ssyncset.done $0x0  }
0x1d8: {  	s0 =	sshll.u32 s0, $0x6;
	[sflag:s2] =	ssyncadd.s32 $0xFFFFF000  }
0x1d9: {  	s1 =	sadd.s32 $0x0, s0;
	_ =	swait.ge [sflag:s2], $0x1000  }
0x1da: {  	s0 =	sadd.s32 $0x30, s1;
	[sflag:s2] =	ssyncset.done $0x0  }
0x1db: {  	s23 =	sadd.s32 $0x10, s1;
	s9 =	sor.u32 $0x80, s0;
	[sflag:s2] =	ssyncadd.s32 $0xFFFFF000  }
0x1dc: {  	s6 =	sadd.s32 $0x20, s1;
	s24 =	sor.u32 $0x80, s23;
	v1 =	vld [tilespmem:s9+$0x6000]  }
0x1dd: {  	s13 =	sor.u32 $0x80, s6;
	v2 =	vld [tilespmem:s24+$0x6000]  }
0x1de: {  	s8 =	simm.s32 $0x0;
	s15 =	sor.u32 $0x80, s1;
	v3 =	vld [tilespmem:s13+$0x6000]  }
0x1df: {  	s25 =	sand.u32 $0x40, s8;
	s26 =	sand.u32 $0x1F00, s8;
	v4 =	vld [tilespmem:s15+$0x6000]  }
0x1e0: {  	s10 =	sadd.s32 $0x13000, s26;
	s7 =	sor.u32 $0x30, s25  }
0x1e1: {  	s28 =	sor.u32 $0x10, s25;
	s11 =	sor.u32 s7, s10;
	v1 =	vshll.u32 v1, $0x10  }
0x1e2: {  	s14 =	sor.u32 s28, s10;
	v2 =	vshll.u32 v2, $0x10;
	[tilespmem:s11+$0x0] =	vst v1  }
0x1e3: {  	[tilespmem:s14+$0x0] =	vst v2;
	v2 =	vld [tilespmem:s9+$0x8000]  }
0x1e4: {  	v1 =	vshll.u32 v3, $0x10;
	v3 =	vshll.u32 v4, $0x10;
	v4 =	vld [tilespmem:s24+$0x8000]  }
0x1e5: {  	v5 =	vld [tilespmem:s9+$0xA000]  }
0x1e6: {  	v6 =	vld [tilespmem:s9+$0xC000]  }
0x1e7: {  	v7 =	vld [tilespmem:s9+$0x6000]  }
0x1e8: {  	v10 =	vld [tilespmem:s9+$0xE000]  }
0x1e9: {  	v12 =	vld [tilespmem:s9+$0x10000]  }
0x1ea: {  	v16 =	vld [tilespmem:s24+$0xA000]  }
0x1eb: {  	v17 =	vld [tilespmem:s24+$0xC000]  }
0x1ec: {  	v18 =	vld [tilespmem:s24+$0x6000]  }
0x1ed: {  	s31 =	sor.u32 $0x20, s25;
	v25 =	vld [tilespmem:s24+$0xE000]  }
0x1ee: {  	s16 =	sor.u32 s31, s10;
	v28 =	vld [tilespmem:s24+$0x10000]  }
0x1ef: {  	s2 =	sor.u32 s25, s10;
	[tilespmem:s16+$0x0] =	vst v1;
	v29 =	vld [tilespmem:s24+$0x8000]  }
0x1f0: {  	[tilespmem:s2+$0x0] =	vst v3;
	v1 =	vld [tilespmem:s13+$0x8000]  }
0x1f1: {  	v3 =	vld [tilespmem:s15+$0x8000]  }
0x1f2: {  	v19 =	vld [tilespmem:s13+$0xA000]  }
0x1f3: {  	v20 =	vld [tilespmem:s13+$0xC000]  }
0x1f4: {  	v21 =	vld [tilespmem:s13+$0x6000]  }
0x1f5: {  	v22 =	vld [tilespmem:s15+$0xA000]  }
0x1f6: {  	v23 =	vld [tilespmem:s15+$0xC000]  }
0x1f7: {  	v24 =	vld [tilespmem:s15+$0x6000]  }
0x1f8: {  	v26 =	vld [tilespmem:s13+$0xE000]  }
0x1f9: {  	v27 =	vld [tilespmem:s15+$0xE000];
	v13 =	vshll.u32 v3, $0x10  }
0x1fa: {  	v30 =	vld [tilespmem:s13+$0x10000];
	[tilespmem:s15+$0x13000] =	vst v13  }
0x1fb: {  	p0 =	por !p0, !p0;
	v2 =	vshll.u32 v2, $0x10;
	v15 =	vld [tilespmem:s2+$0x0];
	s2 =	simm.s32 $0x1  }
0x1fc: {  	v34 =	vld [tilespmem:s13+$0x8000];
	v4 =	vshll.u32 v4, $0x10;
	[tilespmem:s9+$0x13000] =	vst v2;
	s2 =	simm.s32 @!p0 $0x0  }
0x1fd: {  	[tilespmem:s24+$0x13000] =	vst v4;
	v11 =	vshll.u32 v1, $0x10;
	v8 =	vld [tilespmem:s11+$0x0];
	s2 =	sshll.u32 s2, $0x6  }
0x1fe: {  	v9 =	vld [tilespmem:s14+$0x0];
	[tilespmem:s13+$0x13000] =	vst v11;
	s11 =	sadd.s32 $0x80, s2  }
0x1ff: {  	v14 =	vld [tilespmem:s16+$0x0];
	s2 =	sadd.s32 $0x30, s11;
	s29 =	sor.u32 $0x80, s11  }
0x200: {  	s14 =	sadd.s32 $0x10, s11;
	s16 =	sor.u32 $0x80, s2;
	v33 =	vld [tilespmem:s29+$0x6000]  }
0x201: {  	s26 =	sor.u32 $0x80, s14;
	v1 =	vld [tilespmem:s16+$0x6000]  }
0x202: {  	s30 =	simm.s32 $0x80;
	v31 =	vld [tilespmem:s26+$0x6000]  }
0x203: {  	s21 =	sand.u32 $0x1F00, s30;
	s0 =	simm.s32 $0x40;
	v35 =	vld [tilespmem:s15+$0x10000]  }
0x204: {  	s20 =	sand.u32 $0x40, s0;
	v36 =	vld [tilespmem:s15+$0x8000];
	s18 =	sadd.s32 $0x20, s11;
	s11 =	sadd.s32 $0x13000, s21  }
0x205: {  	s22 =	sor.u32 $0x30, s20;
	v3 =	vld [tilespmem:s9+$0x8000];
	s2 =	sor.u32 $0x80, s18;
	s9 =	sor.u32 s20, s11;
	v50 =	vshll.u32 v33, $0x10  }
0x206: {  	s23 =	sor.u32 $0x10, s20;
	s17 =	sor.u32 s22, s11;
	v32 =	vld [tilespmem:s2+$0x6000];
	v1 =	vshll.u32 v1, $0x10;
	[tilespmem:s9+$0x0] =	vst v50  }
0x207: {  	s18 =	sor.u32 s23, s11;
	v31 =	vshll.u32 v31, $0x10;
	[tilespmem:s17+$0x0] =	vst v1;
	v37 =	vld [tilespmem:s29+$0x8000]  }
0x208: {  	v6 =	vmul.f32 v7, v6;
	v5 =	vmul.f32 v8, v5;
	[tilespmem:s18+$0x0] =	vst v31;
	v49 =	vld [tilespmem:s16+$0x8000]  }
0x209: {  	v51 =	vld [tilespmem:s26+$0x8000]  }
0x20a: {  	v2 =	vmul.f32 v2, v10;
	v5 =	vadd.f32 v6, v5;
	v38 =	vld [tilespmem:s16+$0xA000]  }
0x20b: {  	v8 =	vld [tilespmem:s16+$0xC000]  }
0x20c: {  	v12 =	vmul.f32 v3, v12;
	v5 =	vadd.f32 v2, v5;
	v53 =	vld [tilespmem:s16+$0x6000]  }
0x20d: {  	v54 =	vld [tilespmem:s16+$0xE000]  }
0x20e: {  	v14 =	vmul.f32 v14, v19;
	v12 =	vadd.f32 v12, v5;
	v5 =	vmul.f32 v21, v20;
	v55 =	vld [tilespmem:s16+$0x10000]  }
0x20f: {  	v17 =	vmul.f32 v18, v17;
	s24 =	sor.u32 $0x20, s20;
	v9 =	vmul.f32 v9, v16;
	v56 =	vld [tilespmem:s16+$0x8000];
	v7 =	vshll.u32 v49, $0x10  }
0x210: {  	s25 =	sor.u32 s24, s11;
	v1 =	vshll.u32 v32, $0x10;
	v5 =	vadd.f32 v5, v14;
	v14 =	vld [tilespmem:s26+$0xA000];
	[tilespmem:s16+$0x13000] =	vst v7  }
0x211: {  	v59 =	vmul.f32 v4, v25;
	v11 =	vmul.f32 v11, v26;
	v9 =	vadd.f32 v17, v9;
	[tilespmem:s25+$0x0] =	vst v1;
	v6 =	vld [tilespmem:s17+$0x0]  }
0x212: {  	v52 =	vld [tilespmem:s2+$0x8000]  }
0x213: {  	v9 =	vadd.f32 v59, v9;
	v60 =	vld [tilespmem:s26+$0xC000];
	v11 =	vadd.f32 v11, v5;
	v5 =	vmul.f32 v29, v28  }
0x214: {  	s8 =	sand.u32 $0xF80, s8;
	v58 =	vmul.f32 v24, v23;
	v62 =	vmul.f32 v34, v30;
	v61 =	vld [tilespmem:s26+$0x6000]  }
0x215: {  	s8 =	sor.u32 $0x12000, s8;
	v15 =	vmul.f32 v15, v22;
	v63 =	vld [tilespmem:s2+$0xA000];
	v9 =	vadd.f32 v5, v9;
	v1 =	vshll.u32 v51, $0x10  }
0x216: {  	s6 =	sor.u32 s28, s8;
	v5 =	vld [tilespmem:s2+$0xC000];
	v8 =	vmul.f32 v53, v8;
	[tilespmem:s26+$0x13000] =	vst v1;
	v6 =	vmul.f32 v6, v38  }
0x217: {  	v13 =	vmul.f32 v13, v27;
	v15 =	vadd.f32 v58, v15;
	[tilespmem:s6+$0x0] =	vst v9;
	v2 =	vshll.u32 v52, $0x10;
	v10 =	vld [tilespmem:s18+$0x0]  }
0x218: {  	v3 =	vshll.u32 v37, $0x10;
	v9 =	vld [tilespmem:s29+$0xA000];
	v7 =	vmul.f32 v7, v54;
	[tilespmem:s2+$0x13000] =	vst v2;
	v6 =	vadd.f32 v8, v6  }
0x219: {  	s7 =	sor.u32 s7, s8;
	[tilespmem:s29+$0x13000] =	vst v3;
	v57 =	vld [tilespmem:s25+$0x0];
	v8 =	vadd.f32 v13, v15;
	v13 =	vmul.f32 v36, v35  }
0x21a: {  	[tilespmem:s7+$0x0] =	vst v12;
	v11 =	vadd.f32 v62, v11;
	v12 =	vmul.f32 v56, v55;
	v4 =	vld [tilespmem:s9+$0x0];
	v6 =	vadd.f32 v7, v6  }
0x21b: {  	s1 =	sor.u32 s31, s8;
	s28 =	sand.u32 $0xF80, s0;
	v7 =	vld [tilespmem:s2+$0x6000];
	v13 =	vadd.f32 v13, v8  }
0x21c: {  	s15 =	simm.s32 $0x12000;
	[tilespmem:s1+$0x0] =	vst v11;
	s6 =	sor.u32 $0x12000, s28;
	v11 =	vmul.f32 v10, v14;
	v14 =	vmul.f32 v61, v60;
	v10 =	vld [tilespmem:s29+$0x6000];
	v6 =	vadd.f32 v12, v6  }
0x21d: {  	p0 =	por !p0, !p0;
	s31 =	sor.u32 s22, s6;
	v8 =	vld [tilespmem:s29+$0xC000];
	[tilespmem:s15+$0x0] =	vst v13  }
0x21e: {  	s1 =	simm.s32 $0x4;
	s7 =	sor.u32 s23, s6;
	s6 =	sor.u32 s24, s6;
	v12 =	vmul.f32 v57, v63;
	[tilespmem:s31+$0x0] =	vst v6;
	v6 =	vadd.f32 v14, v11;
	v11 =	vld [tilespmem:s26+$0xE000]  }
.LBB2_33:
0x21f: {  	s8 =	simm.s32 $0x1  }
0x220: {  	s1 =	sadd.s32 $0x4, s1;
	v5 =	vmul.f32 v7, v5;
	v7 =	vld [tilespmem:s2+$0xE000];
	s8 =	simm.s32 @!p0 $0x0  }
0x221: {  	s30 =	sadd.s32 $0x80, s30;
	p1 =	slt.u32 s1, $0xFC;
	v4 =	vmul.f32 v4, v9;
	s8 =	sshll.u32 s8, $0x6;
	v9 =	vld [tilespmem:s29+$0xE000]  }
0x222: {  	v5 =	vadd.f32 v5, v12;
	s8 =	sadd.s32 s8, s30;
	v13 =	vld [tilespmem:s26+$0x10000]  }
0x223: {  	v8 =	vmul.f32 v10, v8;
	s9 =	sadd.s32 $0x10, s8;
	s10 =	sadd.s32 $0x20, s8;
	s11 =	sadd.s32 $0x30, s8;
	v10 =	vld [tilespmem:s26+$0x8000]  }
0x224: {  	v1 =	vmul.f32 v1, v11;
	s26 =	sor.u32 $0x80, s9;
	s10 =	sor.u32 $0x80, s10;
	s16 =	sor.u32 $0x80, s11;
	v11 =	vld [tilespmem:s2+$0x10000]  }
0x225: {  	s11 =	sor.u32 $0x80, s8;
	v4 =	vadd.f32 v8, v4;
	v2 =	vmul.f32 v2, v7;
	v12 =	vld [tilespmem:s16+$0x6000]  }
0x226: {  	v1 =	vadd.f32 v1, v6;
	v7 =	vld [tilespmem:s26+$0x6000];
	v3 =	vmul.f32 v3, v9  }
0x227: {  	s0 =	sadd.s32 $0x40, s0;
	v2 =	vadd.f32 v2, v5;
	v6 =	vld [tilespmem:s10+$0x6000]  }
0x228: {  	s14 =	sand.u32 $0x40, s0;
	s8 =	sand.u32 $0x1F00, s30;
	v5 =	vld [tilespmem:s11+$0x6000];
	v3 =	vadd.f32 v3, v4;
	v4 =	vmul.f32 v10, v13  }
0x229: {  	s13 =	sor.u32 $0x10, s14;
	s17 =	sadd.s32 $0x13000, s8;
	s8 =	sor.u32 $0x30, s14;
	v8 =	vld [tilespmem:s2+$0x8000]  }
0x22a: {  	s9 =	sor.u32 s14, s17;
	s14 =	sor.u32 $0x20, s14;
	s18 =	sor.u32 s8, s17;
	v9 =	vshll.u32 v12, $0x10;
	v10 =	vld [tilespmem:s29+$0x10000];
	v1 =	vadd.f32 v4, v1  }
0x22b: {  	s20 =	sor.u32 s13, s17;
	s17 =	sor.u32 s14, s17;
	s2 =	smov.u32 s10;
	v4 =	vshll.u32 v7, $0x10;
	[tilespmem:s18+$0x0] =	vst v9;
	v7 =	vld [tilespmem:s29+$0x8000]  }
0x22c: {  	s29 =	smov.u32 s11;
	[tilespmem:s20+$0x0] =	vst v4;
	v4 =	vshll.u32 v6, $0x10;
	v6 =	vld [tilespmem:s16+$0x8000]  }
0x22d: {  	v5 =	vshll.u32 v5, $0x10;
	v9 =	vld [tilespmem:s26+$0x8000];
	[tilespmem:s17+$0x0] =	vst v4  }
0x22e: {  	[tilespmem:s9+$0x0] =	vst v5;
	v4 =	vld [tilespmem:s2+$0x8000];
	v5 =	vmul.f32 v8, v11  }
0x22f: {  	v8 =	vld [tilespmem:s29+$0x8000];
	[tilespmem:s7+$0x0] =	vst v1  }
0x230: {  	v11 =	vld [tilespmem:s16+$0xA000];
	v7 =	vmul.f32 v7, v10;
	v5 =	vadd.f32 v5, v2  }
0x231: {  	v6 =	vshll.u32 v6, $0x10;
	v10 =	vld [tilespmem:s16+$0xC000]  }
0x232: {  	v1 =	vshll.u32 v9, $0x10;
	[tilespmem:s16+$0x13000] =	vst v6;
	v9 =	vld [tilespmem:s16+$0x6000];
	v7 =	vadd.f32 v7, v3  }
0x233: {  	[tilespmem:s26+$0x13000] =	vst v1;
	v2 =	vshll.u32 v4, $0x10;
	v4 =	vld [tilespmem:s18+$0x0]  }
0x234: {  	v3 =	vshll.u32 v8, $0x10;
	v8 =	vld [tilespmem:s20+$0x0];
	[tilespmem:s2+$0x13000] =	vst v2  }
0x235: {  	[tilespmem:s29+$0x13000] =	vst v3;
	v12 =	vld [tilespmem:s16+$0xE000]  }
0x236: {  	s15 =	sadd.s32 $0x40, s15;
	v13 =	vld [tilespmem:s16+$0x10000];
	[tilespmem:s6+$0x0] =	vst v5  }
0x237: {  	v5 =	vld [tilespmem:s16+$0x8000];
	[tilespmem:s15+$0x0] =	vst v7  }
0x238: {  	v9 =	vmul.f32 v9, v10;
	v14 =	vld [tilespmem:s17+$0x0];
	v7 =	vmul.f32 v4, v11  }
0x239: {  	v4 =	vld [tilespmem:s9+$0x0]  }
0x23a: {  	v10 =	vld [tilespmem:s26+$0xA000];
	v7 =	vadd.f32 v9, v7;
	v6 =	vmul.f32 v6, v12  }
0x23b: {  	v11 =	vld [tilespmem:s26+$0xC000]  }
0x23c: {  	s6 =	sand.u32 $0xF80, s0;
	v12 =	vld [tilespmem:s26+$0x6000];
	v6 =	vadd.f32 v6, v7;
	v7 =	vmul.f32 v5, v13  }
0x23d: {  	s9 =	sor.u32 $0x12000, s6;
	v13 =	vld [tilespmem:s2+$0xA000]  }
0x23e: {  	s7 =	sor.u32 s13, s9;
	v5 =	vld [tilespmem:s2+$0xC000];
	v6 =	vadd.f32 v7, v6  }
.Ltmp18:
0x23f: {  	s6 =	sor.u32 s14, s9;
	s8 =	sor.u32 s8, s9;
	v15 =	vmul.f32 v8, v10;
	v7 =	vld [tilespmem:s2+$0x6000];
	(pc) =	sbr.rel @p1 .LBB2_33-.Ltmp18, $4  }
0x240: {  	v9 =	vld [tilespmem:s29+$0xA000];
	[tilespmem:s8+$0x0] =	vst v6  }
0x241: {  	v8 =	vld [tilespmem:s29+$0xC000];
	v6 =	vmul.f32 v12, v11  }
0x242: {  	v10 =	vld [tilespmem:s29+$0x6000];
	v12 =	vmul.f32 v14, v13  }
0x243: {  	p0 =	por !p0, !p0;
	v6 =	vadd.f32 v6, v15;
	v11 =	vld [tilespmem:s26+$0xE000]  }
0x244: {  	v13 =	vld [tilespmem:s2+$0xE000]  }
0x245: {  	v15 =	vld [tilespmem:s26+$0x10000]  }
0x246: {  	v16 =	vld [tilespmem:s26+$0x8000]  }
0x247: {  	v17 =	vld [tilespmem:s2+$0x10000]  }
0x248: {  	v18 =	vld [tilespmem:s2+$0x8000]  }
0x249: {  	v14 =	vld [tilespmem:s29+$0xE000];
	v5 =	vmul.f32 v7, v5  }
0x24a: {  	v59 =	vld [tilespmem:s29+$0x10000];
	v1 =	vmul.f32 v1, v11  }
0x24b: {  	v60 =	vld [tilespmem:s29+$0x8000];
	v4 =	vmul.f32 v4, v9;
	v5 =	vadd.f32 v5, v12;
	v2 =	vmul.f32 v2, v13  }
0x24c: {  	v8 =	vmul.f32 v10, v8;
	v61 =	vmul.f32 v16, v15;
	v1 =	vadd.f32 v1, v6  }
0x24d: {  	v62 =	vmul.f32 v18, v17;
	v2 =	vadd.f32 v2, v5  }
0x24e: {  	v4 =	vadd.f32 v8, v4;
	v3 =	vmul.f32 v3, v14;
	v1 =	vadd.f32 v61, v1  }
0x24f: {  	v2 =	vadd.f32 v62, v2  }
0x250: {  	v63 =	vmul.f32 v60, v59;
	v3 =	vadd.f32 v3, v4;
	[tilespmem:s7+$0x0] =	vst v1  }
0x251: {  	s1 =	rddreg [dreg:$0x1];
	[tilespmem:s6+$0x0] =	vst v2  }
0x252: {  	v1 =	vadd.f32 v63, v3;
	s28 =	rddreg [dreg:$0x10]  }
0x253: {  	s0 =	sadd.s32 $0x40, s15;
	s1 =	sadd.s32 s28, s1  }
0x254: {  	s30 =	simm.s32 $0x12000;
	s21 =	simm.s32 $0x4;
	[tilespmem:s0+$0x0] =	vst v1;
	s29 =	sadd.s32 $0x200, s1  }
0x255: {  	[hbm4b:s29+s3] =	stream.linear.scatter [tilespmem:s30], [sflag:$0x4], $0x1000, $0x38;
	[tilespmem:$0x15000] =	vst v63  }
0x256: {  	_ =	swait.ge [sflag:s21], $0x1000  }
0x257: {  	s31 =	rddreg [dreg:$0xf]  }
0x258: {  	s0 =	sadd.s32 $0x1, s31  }
0x259: {  	p0 =	sne.s32 s0, $0x7  }
.Ltmp19:
0x25a: {  	_ = 	snop;
	(pc) =	sbr.rel @p0 .LBB2_14-.Ltmp19, $3  }
0x25b: {  	_ =	sdelay $0x1  }
0x25c: {  	[sflag:s21] =	ssyncset.done $0x0  }
0x25d: {  	s11 =	simm.s32 $0x3;
	[sflag:s21] =	ssyncadd.s32 $0xFFFFF000  }
0x25e: {  	_ =	swait.ge [sflag:s11], $0x1000  }
0x25f: {  	[sflag:s11] =	ssyncset.done $0x0  }
0x260: {  	[sflag:s11] =	ssyncadd.s32 $0xFFFFF000  }
0x261: {  	_ =	swait.ge [sflag:s11], $0x1000  }
0x262: {  	[sflag:s11] =	ssyncset.done $0x0  }
0x263: {  	s26 =	simm.s32 $0x0;
	s25 =	simm.s32 $0x0;
	[sflag:s11] =	ssyncadd.s32 $0xFFFFF000  }
.LBB2_36:
0x264: {  	s2 =	sor.u32 $0xB0, s25  }
0x265: {  	s28 =	sor.u32 $0x80, s25;
	v1 =	vld [tilespmem:s2+$0x0]  }
0x266: {  	v2 =	vld [tilespmem:s28+$0x0]  }
0x267: {  	v3 =	vld [tilespmem:s2+$0x2000]  }
0x268: {  	s0 =	sor.u32 $0x90, s25;
	v4 =	vld [tilespmem:s28+$0x2000]  }
0x269: {  	v5 =	vld [tilespmem:s0+$0x0]  }
0x26a: {  	s15 =	sor.u32 $0xA0, s25  }
0x26b: {  	v7 =	vld [tilespmem:s15+$0x0]  }
0x26c: {  	v1 =	vmax.f32 v1, $0.0e+00;
	v2 =	vmax.f32 v2, $0.0e+00;
	v3 =	vmax.f32 v3, $0.0e+00  }
0x26d: {  	v6 =	vld [tilespmem:s0+$0x2000];
	v4 =	vmax.f32 v4, $0.0e+00;
	v1 =	vmin.f32 v1, $5.110000000e+02;
	v9 =	vmin.f32 v2, $5.110000000e+02  }
0x26e: {  	v3 =	vmin.f32 v3, $5.110000000e+02;
	v10 =	vmin.f32 v4, $5.110000000e+02;
	v4 =	vmax.f32 v5, $0.0e+00  }
0x26f: {  	v2 =	vld [tilespmem:s15+$0x2000];
	v8 =	vtrunc.f32 v1;
	v5 =	vtrunc.f32 v3;
	v12 =	vmin.f32 v4, $5.110000000e+02  }
0x270: {  	v4 =	vmax.f32 v7, $0.0e+00;
	v7 =	vtrunc.f32 v9;
	v8 =	vcvt.f32.s32 v8  }
0x271: {  	v5 =	vcvt.f32.s32 v5;
	v16 =	vmin.f32 v4, $5.110000000e+02;
	v4 =	vtrunc.f32 v10  }
0x272: {  	v6 =	vmax.f32 v6, $0.0e+00;
	v7 =	vcvt.f32.s32 v7;
	v13 =	vtrunc.f32 v16  }
0x273: {  	v14 =	vmin.f32 v6, $5.110000000e+02;
	v21 =	vcvt.f32.s32 v4;
	v11 =	vcvt.s32.f32 v8  }
0x274: {  	v6 =	vcvt.s32.f32 v5;
	v8 =	vadd.s32 v8, v0;
	v2 =	vmax.f32 v2, $0.0e+00  }
0x275: {  	v4 =	vcvt.f32.s32 v13;
	v1 =	vsub.f32 v1, v11;
	v17 =	vmin.f32 v2, $5.110000000e+02  }
0x276: {  	v2 =	vsub.f32 v3, v6;
	v3 =	vtrunc.f32 v12;
	v6 =	vtrunc.f32 v14  }
0x277: {  	v11 =	vshll.u32 v5, $0x9;
	v15 =	vtrunc.f32 v17;
	v5 =	vcvt.f32.s32 v3  }
0x278: {  	v22 =	vadd.s32 v11, v8;
	v3 =	vadd.s32 v7, v0;
	v11 =	vcvt.f32.s32 v6  }
0x279: {  	s6 =	sshll.u32 s26, $0x3;
	v7 =	vcvt.s32.f32 v7;
	v6 =	vshll.u32 v21, $0x9;
	v21 =	vcvt.s32.f32 v21  }
0x27a: {  	s1 =	sadd.s32 $0x8, s6;
	s6 =	sadd.s32 $0x4, s6;
	v18 =	vsub.f32 $1.000000000e+00, v1;
	v19 =	vsub.f32 $1.000000000e+00, v2;
	v8 =	vcvt.f32.s32 v15  }
0x27b: {  	p0 =	slt.u32 s6, s1;
	v23 =	vcvt.s32.f32 v5;
	v13 =	vsub.f32 v9, v7;
	v24 =	vcvt.s32.f32 v11  }
.Ltmp20:
0x27c: {  	v15 =	vsub.f32 v10, v21;
	v10 =	vcvt.s32.f32 v4;
	v20 =	vmul.f32 v2, v18;
	(pc) =	sbr.rel @!p0 .LBB2_38-.Ltmp20, $4  }
0x27d: {  	v7 =	vshll.u32 v11, $0x9;
	v9 =	vsub.f32 v12, v23;
	v12 =	vcvt.s32.f32 v8  }
0x27e: {  	v11 =	vsub.f32 v14, v24;
	v10 =	vsub.f32 v16, v10;
	[tilespmem:s2+$0xE000] =	vst v20;
	v20 =	vmul.f32 v19, v18  }
0x27f: {  	[tilespmem:s2+$0x4000] =	vst v22;
	v16 =	vsub.f32 $1.000000000e+00, v13;
	v19 =	vmul.f32 v19, v1;
	v12 =	vsub.f32 v17, v12  }
0x280: {  	s7 =	sadd.s32 $0xC0, s25;
	v18 =	vmul.f32 v15, v13;
	v17 =	vsub.f32 $1.000000000e+00, v15;
	v14 =	vsub.f32 $1.000000000e+00, v9;
	[tilespmem:s2+$0xA000] =	vst v20  }
.LBB2_37:
0x281: {  	s8 =	sor.u32 $0x90, s7;
	s14 =	sor.u32 $0xB0, s7;
	s6 =	sadd.s32 $0x4, s6;
	v15 =	vmul.f32 v15, v16;
	v20 =	vsub.f32 $1.000000000e+00, v11;
	v21 =	vsub.f32 $1.000000000e+00, v10;
	[tilespmem:s2+$0xC000] =	vst v19  }
0x282: {  	s16 =	sor.u32 $0x80, s7;
	s13 =	sor.u32 $0xA0, s7;
	v19 =	vld [tilespmem:s14+$0x0];
	p0 =	slt.u32 s6, s1;
	v16 =	vmul.f32 v17, v16;
	v13 =	vmul.f32 v17, v13;
	[tilespmem:s28+$0x10000] =	vst v18;
	v17 =	vsub.f32 $1.000000000e+00, v12  }
0x283: {  	v5 =	vadd.s32 v5, v0;
	v18 =	vld [tilespmem:s16+$0x0];
	[tilespmem:s28+$0xE000] =	vst v15;
	v15 =	vmul.f32 v20, v14;
	v20 =	vmul.f32 v20, v9  }
0x284: {  	v8 =	vshll.u32 v8, $0x9;
	v14 =	vmul.f32 v11, v14;
	v22 =	vld [tilespmem:s14+$0x2000];
	[tilespmem:s28+$0xA000] =	vst v16;
	v16 =	vmul.f32 v17, v21  }
0x285: {  	v4 =	vadd.s32 v4, v0;
	v23 =	vld [tilespmem:s16+$0x2000];
	[tilespmem:s28+$0xC000] =	vst v13;
	v13 =	vmul.f32 v17, v10;
	v17 =	vmul.f32 v12, v21  }
0x286: {  	v3 =	vadd.s32 v6, v3;
	v6 =	vmul.f32 v11, v9;
	v9 =	vmul.f32 v12, v10;
	v21 =	vld [tilespmem:s8+$0x0];
	[tilespmem:s0+$0xA000] =	vst v15  }
0x287: {  	v2 =	vmul.f32 v2, v1;
	v5 =	vadd.s32 v7, v5;
	v10 =	vld [tilespmem:s8+$0x2000];
	v11 =	vmax.f32 v19, $0.0e+00;
	[tilespmem:s0+$0xC000] =	vst v20  }
0x288: {  	v4 =	vadd.s32 v8, v4;
	v1 =	vmax.f32 v18, $0.0e+00;
	v7 =	vld [tilespmem:s13+$0x0];
	v11 =	vmin.f32 v11, $5.110000000e+02;
	[tilespmem:s0+$0xE000] =	vst v14  }
0x289: {  	v12 =	vmin.f32 v1, $5.110000000e+02;
	v1 =	vld [tilespmem:s13+$0x2000];
	v8 =	vmax.f32 v22, $0.0e+00;
	v14 =	vtrunc.f32 v11;
	[tilespmem:s15+$0xA000] =	vst v16  }
0x28a: {  	v15 =	vmax.f32 v23, $0.0e+00;
	v8 =	vmin.f32 v8, $5.110000000e+02;
	v14 =	vcvt.f32.s32 v14;
	[tilespmem:s15+$0xC000] =	vst v13  }
0x28b: {  	v15 =	vmin.f32 v15, $5.110000000e+02;
	v13 =	vmax.f32 v21, $0.0e+00;
	v16 =	vtrunc.f32 v8;
	[tilespmem:s15+$0xE000] =	vst v17  }
0x28c: {  	v10 =	vmax.f32 v10, $0.0e+00;
	v16 =	vcvt.f32.s32 v16;
	v17 =	vcvt.s32.f32 v14;
	[tilespmem:s0+$0x10000] =	vst v6  }
0x28d: {  	v18 =	vmin.f32 v13, $5.110000000e+02;
	v10 =	vmin.f32 v10, $5.110000000e+02;
	v6 =	vmax.f32 v7, $0.0e+00;
	[tilespmem:s15+$0x10000] =	vst v9  }
0x28e: {  	v7 =	vmax.f32 v1, $0.0e+00;
	v1 =	vsub.f32 v11, v17;
	v9 =	vcvt.s32.f32 v16;
	[tilespmem:s2+$0x10000] =	vst v2;
	s2 =	smov.u32 s14  }
0x28f: {  	v11 =	vtrunc.f32 v12;
	v17 =	vmin.f32 v6, $5.110000000e+02;
	v19 =	vmin.f32 v7, $5.110000000e+02;
	[tilespmem:s28+$0x4000] =	vst v3;
	s28 =	smov.u32 s16  }
0x290: {  	v3 =	vtrunc.f32 v15;
	v2 =	vsub.f32 v8, v9;
	v20 =	vsub.f32 $1.000000000e+00, v1;
	[tilespmem:s0+$0x4000] =	vst v5;
	s0 =	smov.u32 s8  }
0x291: {  	v6 =	vtrunc.f32 v10;
	v7 =	vshll.u32 v16, $0x9;
	v5 =	vtrunc.f32 v18;
	[tilespmem:s15+$0x4000] =	vst v4;
	s15 =	smov.u32 s13  }
0x292: {  	v4 =	vtrunc.f32 v17;
	v21 =	vsub.f32 $1.000000000e+00, v2;
	v8 =	vmul.f32 v2, v20  }
0x293: {  	v13 =	vadd.s32 v14, v0;
	v9 =	vcvt.f32.s32 v11;
	v11 =	vtrunc.f32 v19  }
0x294: {  	v14 =	vcvt.f32.s32 v3;
	v7 =	vadd.s32 v7, v13;
	v5 =	vcvt.f32.s32 v5;
	[tilespmem:s2+$0xE000] =	vst v8  }
0x295: {  	v16 =	vcvt.f32.s32 v6;
	v3 =	vadd.s32 v9, v0;
	v4 =	vcvt.f32.s32 v4;
	[tilespmem:s2+$0x4000] =	vst v7  }
0x296: {  	v9 =	vcvt.s32.f32 v9;
	v6 =	vshll.u32 v14, $0x9;
	v8 =	vcvt.f32.s32 v11  }
0x297: {  	v11 =	vcvt.s32.f32 v14;
	v14 =	vcvt.s32.f32 v5;
	v7 =	vshll.u32 v16, $0x9  }
.Ltmp21:
0x298: {  	v13 =	vsub.f32 v12, v9;
	v12 =	vcvt.s32.f32 v16;
	v16 =	vcvt.s32.f32 v4;
	(pc) =	sbr.rel @p0 .LBB2_37-.Ltmp21, $4  }
0x299: {  	v15 =	vsub.f32 v15, v11;
	v9 =	vsub.f32 v18, v14;
	v14 =	vcvt.s32.f32 v8  }
0x29a: {  	v20 =	vmul.f32 v21, v20;
	v11 =	vsub.f32 v10, v12;
	v10 =	vsub.f32 v17, v16  }
0x29b: {  	v16 =	vsub.f32 $1.000000000e+00, v13;
	v12 =	vsub.f32 v19, v14;
	v19 =	vmul.f32 v21, v1  }
0x29c: {  	s7 =	sadd.s32 $0xC0, s7;
	v17 =	vsub.f32 $1.000000000e+00, v15;
	v18 =	vmul.f32 v15, v13;
	v14 =	vsub.f32 $1.000000000e+00, v9;
	[tilespmem:s2+$0xA000] =	vst v20  }
.LBB2_38:
0x29d: {  	[tilespmem:s2+$0xC000] =	vst v19  }
0x29e: {  	v15 =	vmul.f32 v15, v16;
	v3 =	vadd.s32 v6, v3;
	[tilespmem:s28+$0x10000] =	vst v18  }
0x29f: {  	v62 =	vmul.f32 v11, v9;
	[tilespmem:s28+$0x4000] =	vst v3  }
0x2a0: {  	v63 =	vmul.f32 v12, v10;
	[tilespmem:s28+$0xE000] =	vst v15  }
0x2a1: {  	v1 =	vmul.f32 v2, v1;
	[tilespmem:s0+$0x10000] =	vst v62  }
0x2a2: {  	v2 =	vadd.s32 v5, v0;
	[tilespmem:s15+$0x10000] =	vst v63  }
0x2a3: {  	v53 =	vmul.f32 v17, v16;
	v2 =	vadd.s32 v7, v2;
	[tilespmem:s2+$0x10000] =	vst v1  }
0x2a4: {  	v52 =	vsub.f32 $1.000000000e+00, v11;
	v13 =	vmul.f32 v17, v13;
	[tilespmem:s0+$0x4000] =	vst v2  }
0x2a5: {  	v58 =	vmul.f32 v11, v14;
	[tilespmem:s28+$0xA000] =	vst v53  }
0x2a6: {  	v55 =	vsub.f32 $1.000000000e+00, v10;
	v56 =	vsub.f32 $1.000000000e+00, v12;
	v54 =	vmul.f32 v52, v14;
	[tilespmem:s28+$0xC000] =	vst v13  }
0x2a7: {  	v57 =	vmul.f32 v52, v9;
	[tilespmem:s0+$0xE000] =	vst v58  }
0x2a8: {  	v59 =	vmul.f32 v56, v55;
	[tilespmem:s0+$0xA000] =	vst v54  }
0x2a9: {  	v60 =	vmul.f32 v56, v10;
	[tilespmem:s0+$0xC000] =	vst v57  }
0x2aa: {  	s30 =	sshll.u32 s26, $0x8;
	s26 =	sadd.s32 $0x1, s26;
	v61 =	vmul.f32 v12, v55;
	[tilespmem:s15+$0xA000] =	vst v59  }
0x2ab: {  	v4 =	vadd.s32 v4, v0;
	p0 =	sne.s32 s26, $0x20;
	v1 =	vshll.u32 v8, $0x9;
	[tilespmem:s15+$0xC000] =	vst v60  }
.Ltmp22:
0x2ac: {  	v1 =	vadd.s32 v1, v4;
	[tilespmem:s15+$0xE000] =	vst v61;
	(pc) =	sbr.rel @p0 .LBB2_36-.Ltmp22, $4  }
0x2ad: {  	s1 =	sadd.s32 $0x6080, s30;
	s31 =	sadd.s32 $0x4080, s30;
	[tilespmem:s15+$0x4000] =	vst v1  }
0x2ae: {  	[tilespmem:s1], [sflag:$0x2] =	stream.indirect.gather [hbm4b:s4+s19], $0x1, s31, s19, $0xb8;
	[tilespmem:$0x15000] =	vst v63  }
0x2af: {  	s25 =	sadd.s32 $0x100, s25;
	s0 =	sadd.s32 $0x8080, s30  }
0x2b0: {  	[tilespmem:s0], [sflag:$0x2] =	stream.indirect.gather [hbm4b:s5+s19], $0x1, s31, s19, $0xb8;
	[tilespmem:$0x15000] =	vst v63  }
0x2b1: {  	s1 =	simm.s32 $0x1  }
0x2b2: {  	_ =	swait.ge [sflag:s1], $0x1000  }
0x2b3: {  	[sflag:s1] =	ssyncset.done $0x0  }
0x2b4: {  	s8 =	simm.s32 $0x0;
	[sflag:s1] =	ssyncadd.s32 $0xFFFFF000  }
0x2b5: {  	s0 =	sand.u32 $0x40, s8;
	_ =	swait.ge [sflag:s1], $0x1000  }
0x2b6: {  	s2 =	sand.u32 $0x1F00, s8;
	s7 =	sor.u32 $0x30, s0;
	[sflag:s1] =	ssyncset.done $0x0  }
0x2b7: {  	s9 =	sor.u32 s2, s7;
	[sflag:s1] =	ssyncadd.s32 $0xFFFFF000  }
0x2b8: {  	s6 =	sor.u32 $0x20, s0;
	v1 =	vld [tilespmem:s9+$0x6000]  }
0x2b9: {  	p0 =	por $0x0, $0x0;
	s11 =	simm.s32 $0x1;
	s13 =	sor.u32 s2, s6;
	v2 =	vld [tilespmem:s9+$0x8000]  }
0x2ba: {  	s11 =	simm.s32 @!p0 $0x0;
	s1 =	sor.u32 $0x10, s0;
	v5 =	vld [tilespmem:s13+$0x6000]  }
0x2bb: {  	s11 =	sshll.u32 s11, $0x6;
	s10 =	sor.u32 s2, s1;
	v6 =	vld [tilespmem:s13+$0x8000]  }
0x2bc: {  	s11 =	sadd.s32 $0x0, s11;
	v3 =	vld [tilespmem:s10+$0x6000]  }
0x2bd: {  	s29 =	sadd.s32 $0x30, s11;
	s0 =	sor.u32 s0, s2;
	v4 =	vld [tilespmem:s10+$0x8000];
	v1 =	vshll.u32 v1, $0x10  }
0x2be: {  	v7 =	vld [tilespmem:s0+$0x6000];
	s2 =	sor.u32 $0x80, s29;
	[tilespmem:s9+$0x13000] =	vst v1;
	v1 =	vshll.u32 v2, $0x10  }
0x2bf: {  	v2 =	vld [tilespmem:s0+$0x8000];
	[tilespmem:s2+$0x13000] =	vst v1  }
0x2c0: {  	v8 =	vld [tilespmem:s9+$0xA000]  }
0x2c1: {  	v3 =	vshll.u32 v3, $0x10;
	v9 =	vld [tilespmem:s9+$0x13000]  }
0x2c2: {  	[tilespmem:s10+$0x13000] =	vst v3;
	v3 =	vshll.u32 v4, $0x10;
	v4 =	vld [tilespmem:s9+$0xC000]  }
0x2c3: {  	v10 =	vld [tilespmem:s9+$0x6000]  }
0x2c4: {  	s30 =	sadd.s32 $0x10, s11;
	v12 =	vld [tilespmem:s9+$0xE000]  }
0x2c5: {  	s2 =	sor.u32 $0x80, s30;
	v13 =	vld [tilespmem:s9+$0x10000]  }
0x2c6: {  	[tilespmem:s2+$0x13000] =	vst v3;
	v14 =	vld [tilespmem:s9+$0x8000]  }
0x2c7: {  	v11 =	vld [tilespmem:s10+$0xA000]  }
0x2c8: {  	v5 =	vshll.u32 v5, $0x10;
	v15 =	vld [tilespmem:s10+$0x13000]  }
0x2c9: {  	[tilespmem:s13+$0x13000] =	vst v5;
	v5 =	vshll.u32 v6, $0x10;
	v6 =	vld [tilespmem:s10+$0xC000]  }
0x2ca: {  	v16 =	vld [tilespmem:s10+$0x6000]  }
0x2cb: {  	s31 =	sadd.s32 $0x20, s11;
	v24 =	vld [tilespmem:s10+$0xE000]  }
0x2cc: {  	s2 =	sor.u32 $0x80, s31;
	v27 =	vld [tilespmem:s10+$0x10000]  }
0x2cd: {  	[tilespmem:s2+$0x13000] =	vst v5;
	v28 =	vld [tilespmem:s10+$0x8000]  }
0x2ce: {  	v17 =	vld [tilespmem:s13+$0xA000]  }
0x2cf: {  	v18 =	vld [tilespmem:s13+$0x13000]  }
0x2d0: {  	v19 =	vld [tilespmem:s13+$0x6000]  }
0x2d1: {  	v25 =	vld [tilespmem:s13+$0xE000]  }
0x2d2: {  	v7 =	vshll.u32 v7, $0x10;
	v29 =	vld [tilespmem:s13+$0x10000]  }
0x2d3: {  	[tilespmem:s0+$0x13000] =	vst v7;
	s9 =	sor.u32 $0x80, s11;
	v30 =	vld [tilespmem:s13+$0x8000];
	v7 =	vshll.u32 v2, $0x10  }
0x2d4: {  	v2 =	vld [tilespmem:s13+$0xC000];
	[tilespmem:s9+$0x13000] =	vst v7  }
0x2d5: {  	v20 =	vld [tilespmem:s0+$0xA000]  }
0x2d6: {  	v21 =	vld [tilespmem:s0+$0x13000]  }
0x2d7: {  	v22 =	vld [tilespmem:s0+$0xC000]  }
0x2d8: {  	s15 =	simm.s32 $0x40;
	v23 =	vld [tilespmem:s0+$0x6000]  }
0x2d9: {  	s25 =	simm.s32 $0x80;
	s11 =	sand.u32 $0x40, s15;
	v26 =	vld [tilespmem:s0+$0xE000]  }
0x2da: {  	s14 =	sor.u32 $0x30, s11;
	s13 =	sand.u32 $0x1F00, s25;
	v31 =	vld [tilespmem:s0+$0x10000]  }
0x2db: {  	s20 =	sor.u32 s13, s14;
	v32 =	vld [tilespmem:s0+$0x8000]  }
0x2dc: {  	s22 =	sor.u32 $0x10, s11;
	v33 =	vld [tilespmem:s20+$0x6000]  }
0x2dd: {  	p0 =	por !p0, !p0;
	s16 =	sor.u32 s13, s22;
	v34 =	vld [tilespmem:s20+$0x8000];
	s0 =	simm.s32 $0x1  }
0x2de: {  	s17 =	sor.u32 $0x20, s11;
	v35 =	vld [tilespmem:s16+$0x6000];
	s0 =	simm.s32 @!p0 $0x0  }
0x2df: {  	s2 =	sor.u32 s13, s17;
	v36 =	vld [tilespmem:s16+$0x8000];
	s0 =	sshll.u32 s0, $0x6  }
0x2e0: {  	v37 =	vld [tilespmem:s2+$0x6000];
	s18 =	sadd.s32 $0x80, s0  }
0x2e1: {  	v38 =	vld [tilespmem:s2+$0x8000];
	s0 =	sor.u32 s11, s13;
	s23 =	sadd.s32 $0x30, s18;
	v33 =	vshll.u32 v33, $0x10  }
0x2e2: {  	v39 =	vld [tilespmem:s0+$0x6000];
	v47 =	vshll.u32 v34, $0x10;
	s9 =	sor.u32 $0x80, s23;
	[tilespmem:s20+$0x13000] =	vst v33  }
0x2e3: {  	v48 =	vld [tilespmem:s0+$0x8000];
	[tilespmem:s9+$0x13000] =	vst v47  }
0x2e4: {  	v40 =	vld [tilespmem:s20+$0xA000]  }
0x2e5: {  	v41 =	vld [tilespmem:s20+$0x13000]  }
0x2e6: {  	v50 =	vld [tilespmem:s20+$0xC000]  }
0x2e7: {  	v42 =	vld [tilespmem:s20+$0x6000]  }
0x2e8: {  	v8 =	vmul.f32 v9, v8;
	v4 =	vmul.f32 v10, v4;
	s24 =	sadd.s32 $0x10, s18;
	v35 =	vshll.u32 v35, $0x10;
	v9 =	vld [tilespmem:s20+$0xE000]  }
0x2e9: {  	v49 =	vshll.u32 v36, $0x10;
	[tilespmem:s16+$0x13000] =	vst v35;
	s9 =	sor.u32 $0x80, s24;
	v10 =	vld [tilespmem:s20+$0x10000]  }
0x2ea: {  	v4 =	vadd.f32 v4, v8;
	[tilespmem:s9+$0x13000] =	vst v49;
	v8 =	vld [tilespmem:s20+$0x8000]  }
0x2eb: {  	v1 =	vmul.f32 v1, v12;
	v43 =	vld [tilespmem:s16+$0xA000]  }
0x2ec: {  	s26 =	sadd.s32 $0x20, s18;
	v12 =	vshll.u32 v37, $0x10;
	v51 =	vld [tilespmem:s16+$0x13000]  }
0x2ed: {  	v13 =	vmul.f32 v14, v13;
	v4 =	vadd.f32 v1, v4;
	v1 =	vshll.u32 v38, $0x10;
	[tilespmem:s2+$0x13000] =	vst v12;
	s9 =	sor.u32 $0x80, s26;
	v12 =	vld [tilespmem:s16+$0xC000]  }
0x2ee: {  	[tilespmem:s9+$0x13000] =	vst v1;
	v14 =	vld [tilespmem:s16+$0x6000]  }
0x2ef: {  	v11 =	vmul.f32 v15, v11;
	v4 =	vadd.f32 v13, v4;
	v13 =	vld [tilespmem:s2+$0xA000]  }
0x2f0: {  	v6 =	vmul.f32 v16, v6;
	v3 =	vmul.f32 v3, v24;
	v52 =	vshll.u32 v39, $0x10;
	v53 =	vld [tilespmem:s2+$0x13000]  }
0x2f1: {  	v15 =	vmul.f32 v18, v17;
	v54 =	vmul.f32 v19, v2;
	s28 =	sor.u32 $0x80, s18;
	v2 =	vshll.u32 v48, $0x10;
	[tilespmem:s0+$0x13000] =	vst v52;
	v56 =	vld [tilespmem:s2+$0xC000]  }
0x2f2: {  	v5 =	vmul.f32 v5, v25;
	v6 =	vadd.f32 v6, v11;
	v55 =	vmul.f32 v21, v20;
	v57 =	vld [tilespmem:s2+$0x6000];
	[tilespmem:s28+$0x13000] =	vst v2  }
0x2f3: {  	v11 =	vmul.f32 v23, v22;
	v15 =	vadd.f32 v54, v15;
	v7 =	vmul.f32 v7, v26;
	v58 =	vld [tilespmem:s0+$0xA000]  }
0x2f4: {  	v3 =	vadd.f32 v3, v6;
	v61 =	vld [tilespmem:s0+$0x13000];
	v59 =	vmul.f32 v41, v40;
	v60 =	vmul.f32 v42, v50  }
0x2f5: {  	s8 =	sand.u32 $0xF80, s8;
	v6 =	vmul.f32 v28, v27;
	v11 =	vadd.f32 v11, v55;
	v5 =	vadd.f32 v5, v15;
	v15 =	vld [tilespmem:s0+$0xC000]  }
0x2f6: {  	s8 =	sor.u32 $0x12000, s8;
	v62 =	vmul.f32 v30, v29;
	v63 =	vld [tilespmem:s0+$0x6000];
	v9 =	vmul.f32 v47, v9;
	v19 =	vadd.f32 v60, v59  }
0x2f7: {  	s7 =	sor.u32 s7, s8;
	v3 =	vadd.f32 v6, v3;
	v6 =	vmul.f32 v32, v31;
	v7 =	vadd.f32 v7, v11;
	v11 =	vld [tilespmem:s16+$0xE000]  }
0x2f8: {  	s1 =	sor.u32 s1, s8;
	[tilespmem:s7+$0x0] =	vst v4;
	v4 =	vadd.f32 v62, v5;
	v5 =	vld [tilespmem:s2+$0xE000];
	v8 =	vmul.f32 v8, v10;
	v9 =	vadd.f32 v9, v19  }
0x2f9: {  	s29 =	sor.u32 s6, s8;
	s30 =	sand.u32 $0xF80, s15;
	[tilespmem:s1+$0x0] =	vst v3;
	v7 =	vadd.f32 v6, v7;
	v6 =	vld [tilespmem:s0+$0xE000];
	v10 =	vmul.f32 v51, v43;
	v12 =	vmul.f32 v14, v12  }
0x2fa: {  	s15 =	simm.s32 $0x12000;
	s6 =	sor.u32 $0x12000, s30;
	v3 =	vld [tilespmem:s16+$0x10000];
	[tilespmem:s29+$0x0] =	vst v4;
	v13 =	vmul.f32 v53, v13;
	v14 =	vmul.f32 v57, v56;
	v9 =	vadd.f32 v8, v9  }
0x2fb: {  	s31 =	sor.u32 s14, s6;
	s20 =	sor.u32 s22, s6;
	[tilespmem:s15+$0x0] =	vst v7;
	v4 =	vadd.f32 v12, v10;
	v10 =	vmul.f32 v61, v58;
	v12 =	vmul.f32 v63, v15;
	v8 =	vld [tilespmem:s16+$0x8000]  }
0x2fc: {  	s7 =	sor.u32 s17, s6;
	s6 =	simm.s32 $0x80;
	s1 =	simm.s32 $0x4;
	v7 =	vld [tilespmem:s2+$0x10000];
	v11 =	vmul.f32 v49, v11;
	[tilespmem:s31+$0x0] =	vst v9;
	v9 =	vadd.f32 v14, v13  }
.LBB2_40:
0x2fd: {  	s9 =	sand.u32 $0x40, s6;
	v10 =	vadd.f32 v12, v10;
	v1 =	vmul.f32 v1, v5;
	v5 =	vld [tilespmem:s2+$0x8000];
	s25 =	sadd.s32 $0x80, s25  }
0x2fe: {  	s2 =	sand.u32 $0x1F00, s25;
	s14 =	sor.u32 $0x10, s9;
	s13 =	sor.u32 $0x30, s9;
	v2 =	vmul.f32 v2, v6;
	v6 =	vld [tilespmem:s0+$0x10000];
	v4 =	vadd.f32 v11, v4  }
0x2ff: {  	s16 =	sor.u32 $0x20, s9;
	s8 =	sor.u32 s2, s14;
	s17 =	sor.u32 s2, s13;
	v11 =	vld [tilespmem:s0+$0x8000];
	v1 =	vadd.f32 v1, v9  }
0x300: {  	s0 =	sor.u32 s9, s2;
	s2 =	sor.u32 s2, s16;
	v9 =	vld [tilespmem:s17+$0x6000];
	v2 =	vadd.f32 v2, v10;
	v3 =	vmul.f32 v8, v3  }
0x301: {  	s1 =	sadd.s32 $0x4, s1;
	p0 =	por !p0, !p0;
	s9 =	simm.s32 $0x1;
	v8 =	vld [tilespmem:s17+$0x8000]  }
0x302: {  	p1 =	slt.u32 s1, $0xFC;
	s9 =	simm.s32 @!p0 $0x0;
	v10 =	vld [tilespmem:s8+$0x6000];
	v3 =	vadd.f32 v3, v4;
	v4 =	vmul.f32 v5, v7  }
0x303: {  	s9 =	sshll.u32 s9, $0x6;
	v5 =	vld [tilespmem:s8+$0x8000]  }
0x304: {  	s9 =	sadd.s32 s9, s25;
	v7 =	vld [tilespmem:s2+$0x6000];
	v6 =	vmul.f32 v11, v6;
	[tilespmem:s20+$0x0] =	vst v3;
	v3 =	vadd.f32 v4, v1  }
0x305: {  	s10 =	sadd.s32 $0x10, s9;
	s11 =	sadd.s32 $0x20, s9;
	s18 =	sadd.s32 $0x30, s9;
	v1 =	vld [tilespmem:s2+$0x8000];
	v4 =	vshll.u32 v9, $0x10  }
0x306: {  	s10 =	sor.u32 $0x80, s10;
	s11 =	sor.u32 $0x80, s11;
	s18 =	sor.u32 $0x80, s18;
	v9 =	vld [tilespmem:s0+$0x6000];
	[tilespmem:s17+$0x13000] =	vst v4;
	v4 =	vshll.u32 v8, $0x10;
	v6 =	vadd.f32 v6, v2  }
0x307: {  	s9 =	sor.u32 $0x80, s9;
	v2 =	vld [tilespmem:s0+$0x8000];
	v8 =	vshll.u32 v10, $0x10;
	[tilespmem:s18+$0x13000] =	vst v4  }
0x308: {  	[tilespmem:s8+$0x13000] =	vst v8;
	v11 =	vshll.u32 v5, $0x10;
	v5 =	vld [tilespmem:s17+$0xA000]  }
0x309: {  	[tilespmem:s10+$0x13000] =	vst v11;
	v7 =	vshll.u32 v7, $0x10;
	v8 =	vld [tilespmem:s17+$0x13000]  }
0x30a: {  	[tilespmem:s2+$0x13000] =	vst v7;
	v1 =	vshll.u32 v1, $0x10;
	v7 =	vld [tilespmem:s17+$0xC000]  }
0x30b: {  	v9 =	vshll.u32 v9, $0x10;
	[tilespmem:s11+$0x13000] =	vst v1;
	v10 =	vld [tilespmem:s17+$0x6000]  }
0x30c: {  	[tilespmem:s0+$0x13000] =	vst v9;
	v2 =	vshll.u32 v2, $0x10;
	v9 =	vld [tilespmem:s8+$0xA000]  }
0x30d: {  	[tilespmem:s9+$0x13000] =	vst v2;
	v12 =	vld [tilespmem:s17+$0xE000]  }
0x30e: {  	s15 =	sadd.s32 $0x40, s15;
	v13 =	vld [tilespmem:s17+$0x10000];
	[tilespmem:s7+$0x0] =	vst v3  }
0x30f: {  	v3 =	vld [tilespmem:s17+$0x8000];
	[tilespmem:s15+$0x0] =	vst v6  }
0x310: {  	v5 =	vmul.f32 v8, v5;
	v6 =	vld [tilespmem:s8+$0x13000];
	v7 =	vmul.f32 v10, v7  }
0x311: {  	v8 =	vld [tilespmem:s8+$0xC000]  }
0x312: {  	v10 =	vld [tilespmem:s8+$0x6000];
	v5 =	vadd.f32 v7, v5;
	v4 =	vmul.f32 v4, v12  }
0x313: {  	v7 =	vld [tilespmem:s2+$0xA000]  }
0x314: {  	v12 =	vld [tilespmem:s2+$0x13000];
	v4 =	vadd.f32 v4, v5;
	v3 =	vmul.f32 v3, v13  }
0x315: {  	s7 =	sand.u32 $0xF80, s6;
	v5 =	vmul.f32 v6, v9;
	v6 =	vld [tilespmem:s2+$0xC000]  }
0x316: {  	s9 =	sor.u32 $0x12000, s7;
	v9 =	vld [tilespmem:s2+$0x6000];
	v3 =	vadd.f32 v3, v4  }
0x317: {  	s20 =	sor.u32 s14, s9;
	s7 =	sor.u32 s16, s9;
	s9 =	sor.u32 s13, s9;
	v13 =	vld [tilespmem:s0+$0xA000];
	v4 =	vmul.f32 v10, v8  }
0x318: {  	v8 =	vld [tilespmem:s0+$0x13000];
	[tilespmem:s9+$0x0] =	vst v3  }
0x319: {  	v14 =	vld [tilespmem:s0+$0xC000];
	v4 =	vadd.f32 v4, v5;
	v3 =	vmul.f32 v12, v7  }
0x31a: {  	v7 =	vld [tilespmem:s0+$0x6000]  }
0x31b: {  	v15 =	vld [tilespmem:s8+$0xE000];
	v9 =	vmul.f32 v9, v6  }
.Ltmp23:
0x31c: {  	v5 =	vld [tilespmem:s2+$0xE000];
	(pc) =	sbr.rel @p1 .LBB2_40-.Ltmp23, $4  }
0x31d: {  	v10 =	vmul.f32 v8, v13;
	v6 =	vld [tilespmem:s0+$0xE000];
	v9 =	vadd.f32 v9, v3  }
0x31e: {  	v3 =	vld [tilespmem:s8+$0x10000]  }
0x31f: {  	v12 =	vmul.f32 v7, v14;
	v8 =	vld [tilespmem:s8+$0x8000]  }
0x320: {  	s6 =	sadd.s32 $0x40, s6;
	v11 =	vmul.f32 v11, v15;
	v7 =	vld [tilespmem:s2+$0x10000]  }
0x321: {  	v13 =	vld [tilespmem:s2+$0x8000]  }
0x322: {  	v14 =	vld [tilespmem:s0+$0x10000]  }
0x323: {  	v15 =	vld [tilespmem:s0+$0x8000];
	_ =	sdelay $0x1  }
0x324: {  	v10 =	vadd.f32 v12, v10;
	v1 =	vmul.f32 v1, v5  }
0x325: {  	v2 =	vmul.f32 v2, v6;
	v4 =	vadd.f32 v11, v4;
	v3 =	vmul.f32 v8, v3  }
0x326: {  	v1 =	vadd.f32 v1, v9;
	v5 =	vmul.f32 v13, v7  }
0x327: {  	v2 =	vadd.f32 v2, v10;
	v3 =	vadd.f32 v3, v4;
	v4 =	vmul.f32 v15, v14  }
0x328: {  	v1 =	vadd.f32 v5, v1  }
0x329: {  	[tilespmem:s20+$0x0] =	vst v3;
	v2 =	vadd.f32 v4, v2  }
0x32a: {  	s14 =	sadd.s32 $0x40, s15;
	[tilespmem:s7+$0x0] =	vst v1  }
0x32b: {  	[tilespmem:s14+$0x0] =	vst v2  }
0x32c: {  	s1 =	simm.s32 $0x0;
	s25 =	simm.s32 $0x12000;
	s0 =	rddreg [dreg:$0xb]  }
0x32d: {  	[hbm4b:s0+s1] =	stream.linear.scatter [tilespmem:s25], [sflag:$0x4], $0x1000, $0x38;
	[tilespmem:$0x15000] =	vst v63  }
0x32e: {  	_ =	swait.ge [sflag:s21], $0x1000  }
0x32f: {  	[sflag:s21] =	ssyncset.done $0x0  }
0x330: {  	s6 =	simm.s32 $0x2;
	[sflag:s21] =	ssyncadd.s32 $0xFFFFF000  }
0x331: {  	p0 =	por $0x0, $0x0;
	s0 =	simm.s32 $0x1;
	_ =	swait.ge [sflag:s6], $0x1000  }
0x332: {  	s0 =	simm.s32 @!p0 $0x0;
	[sflag:s6] =	ssyncset.done $0x0  }
0x333: {  	s0 =	sshll.u32 s0, $0x6;
	[sflag:s6] =	ssyncadd.s32 $0xFFFFF000  }
0x334: {  	s15 =	sadd.s32 $0x0, s0;
	_ =	swait.ge [sflag:s6], $0x1000  }
0x335: {  	s0 =	sadd.s32 $0x30, s15;
	[sflag:s6] =	ssyncset.done $0x0  }
0x336: {  	s16 =	sadd.s32 $0x10, s15;
	s9 =	sor.u32 $0x80, s0;
	[sflag:s6] =	ssyncadd.s32 $0xFFFFF000  }
0x337: {  	s17 =	sadd.s32 $0x20, s15;
	s18 =	sor.u32 $0x80, s16;
	v1 =	vld [tilespmem:s9+$0x6000]  }
0x338: {  	s13 =	sor.u32 $0x80, s17;
	v2 =	vld [tilespmem:s18+$0x6000]  }
0x339: {  	s16 =	sor.u32 $0x80, s15;
	v3 =	vld [tilespmem:s13+$0x6000]  }
0x33a: {  	s22 =	sand.u32 $0x1F00, s1;
	s20 =	sand.u32 $0x40, s1;
	v4 =	vld [tilespmem:s16+$0x6000]  }
0x33b: {  	s10 =	sadd.s32 $0x13000, s22;
	s8 =	sor.u32 $0x30, s20  }
0x33c: {  	s7 =	sor.u32 $0x10, s20;
	s11 =	sor.u32 s8, s10;
	v1 =	vshll.u32 v1, $0x10  }
0x33d: {  	s14 =	sor.u32 s7, s10;
	v2 =	vshll.u32 v2, $0x10;
	[tilespmem:s11+$0x0] =	vst v1  }
0x33e: {  	[tilespmem:s14+$0x0] =	vst v2;
	v2 =	vld [tilespmem:s9+$0x8000]  }
0x33f: {  	v1 =	vshll.u32 v3, $0x10;
	v3 =	vshll.u32 v4, $0x10;
	v4 =	vld [tilespmem:s18+$0x8000]  }
0x340: {  	v5 =	vld [tilespmem:s9+$0xA000]  }
0x341: {  	v6 =	vld [tilespmem:s9+$0xC000]  }
0x342: {  	v7 =	vld [tilespmem:s9+$0x6000]  }
0x343: {  	v10 =	vld [tilespmem:s9+$0xE000]  }
0x344: {  	v12 =	vld [tilespmem:s9+$0x10000]  }
0x345: {  	v16 =	vld [tilespmem:s18+$0xA000]  }
0x346: {  	v17 =	vld [tilespmem:s18+$0xC000]  }
0x347: {  	v18 =	vld [tilespmem:s18+$0x6000]  }
0x348: {  	s6 =	sor.u32 $0x20, s20;
	v25 =	vld [tilespmem:s18+$0xE000]  }
0x349: {  	s23 =	sor.u32 s6, s10;
	v28 =	vld [tilespmem:s18+$0x10000]  }
0x34a: {  	s2 =	sor.u32 s20, s10;
	[tilespmem:s23+$0x0] =	vst v1;
	v29 =	vld [tilespmem:s18+$0x8000]  }
0x34b: {  	[tilespmem:s2+$0x0] =	vst v3;
	v1 =	vld [tilespmem:s13+$0x8000]  }
0x34c: {  	v3 =	vld [tilespmem:s16+$0x8000]  }
0x34d: {  	v19 =	vld [tilespmem:s13+$0xA000]  }
0x34e: {  	v20 =	vld [tilespmem:s13+$0xC000]  }
0x34f: {  	v21 =	vld [tilespmem:s13+$0x6000]  }
0x350: {  	v22 =	vld [tilespmem:s16+$0xA000]  }
0x351: {  	v23 =	vld [tilespmem:s16+$0xC000]  }
0x352: {  	v24 =	vld [tilespmem:s16+$0x6000]  }
0x353: {  	v26 =	vld [tilespmem:s13+$0xE000]  }
0x354: {  	v27 =	vld [tilespmem:s16+$0xE000];
	v13 =	vshll.u32 v3, $0x10  }
0x355: {  	v30 =	vld [tilespmem:s13+$0x10000];
	[tilespmem:s16+$0x13000] =	vst v13  }
0x356: {  	p0 =	por !p0, !p0;
	v15 =	vld [tilespmem:s2+$0x0];
	s2 =	simm.s32 $0x1  }
0x357: {  	v34 =	vld [tilespmem:s13+$0x8000];
	s2 =	simm.s32 @!p0 $0x0  }
0x358: {  	v35 =	vld [tilespmem:s16+$0x10000];
	s2 =	sshll.u32 s2, $0x6  }
0x359: {  	v36 =	vld [tilespmem:s16+$0x8000];
	s24 =	sadd.s32 $0x80, s2  }
0x35a: {  	v3 =	vld [tilespmem:s9+$0x8000];
	s2 =	sadd.s32 $0x30, s24;
	s28 =	sor.u32 $0x80, s24  }
0x35b: {  	s30 =	sadd.s32 $0x10, s24;
	s31 =	sor.u32 $0x80, s2;
	v33 =	vld [tilespmem:s28+$0x6000]  }
0x35c: {  	v2 =	vshll.u32 v2, $0x10;
	v11 =	vshll.u32 v1, $0x10;
	s26 =	sor.u32 $0x80, s30;
	v1 =	vld [tilespmem:s31+$0x6000]  }
0x35d: {  	s29 =	simm.s32 $0x80;
	v4 =	vshll.u32 v4, $0x10;
	[tilespmem:s9+$0x13000] =	vst v2;
	v31 =	vld [tilespmem:s26+$0x6000]  }
0x35e: {  	s0 =	simm.s32 $0x40;
	[tilespmem:s18+$0x13000] =	vst v4;
	s18 =	sand.u32 $0x1F00, s29;
	v8 =	vld [tilespmem:s11+$0x0]  }
0x35f: {  	s15 =	sand.u32 $0x40, s0;
	v9 =	vld [tilespmem:s14+$0x0];
	[tilespmem:s13+$0x13000] =	vst v11;
	s11 =	sadd.s32 $0x13000, s18;
	s14 =	sadd.s32 $0x20, s24  }
0x360: {  	s20 =	sor.u32 $0x30, s15;
	v14 =	vld [tilespmem:s23+$0x0];
	s9 =	sor.u32 s15, s11;
	s2 =	sor.u32 $0x80, s14;
	v50 =	vshll.u32 v33, $0x10  }
0x361: {  	s22 =	sor.u32 $0x10, s15;
	s17 =	sor.u32 s20, s11;
	v32 =	vld [tilespmem:s2+$0x6000];
	v1 =	vshll.u32 v1, $0x10;
	[tilespmem:s9+$0x0] =	vst v50  }
0x362: {  	s18 =	sor.u32 s22, s11;
	v31 =	vshll.u32 v31, $0x10;
	[tilespmem:s17+$0x0] =	vst v1;
	v37 =	vld [tilespmem:s28+$0x8000]  }
0x363: {  	v6 =	vmul.f32 v7, v6;
	v5 =	vmul.f32 v8, v5;
	[tilespmem:s18+$0x0] =	vst v31;
	v49 =	vld [tilespmem:s31+$0x8000]  }
0x364: {  	v51 =	vld [tilespmem:s26+$0x8000]  }
0x365: {  	v2 =	vmul.f32 v2, v10;
	v5 =	vadd.f32 v6, v5;
	v38 =	vld [tilespmem:s31+$0xA000]  }
0x366: {  	v8 =	vld [tilespmem:s31+$0xC000]  }
0x367: {  	v12 =	vmul.f32 v3, v12;
	v5 =	vadd.f32 v2, v5;
	v53 =	vld [tilespmem:s31+$0x6000]  }
0x368: {  	v54 =	vld [tilespmem:s31+$0xE000]  }
0x369: {  	v14 =	vmul.f32 v14, v19;
	v12 =	vadd.f32 v12, v5;
	v5 =	vmul.f32 v21, v20;
	v55 =	vld [tilespmem:s31+$0x10000]  }
0x36a: {  	v17 =	vmul.f32 v18, v17;
	s23 =	sor.u32 $0x20, s15;
	v9 =	vmul.f32 v9, v16;
	v56 =	vld [tilespmem:s31+$0x8000];
	v7 =	vshll.u32 v49, $0x10  }
0x36b: {  	s24 =	sor.u32 s23, s11;
	v1 =	vshll.u32 v32, $0x10;
	v5 =	vadd.f32 v5, v14;
	v14 =	vld [tilespmem:s26+$0xA000];
	[tilespmem:s31+$0x13000] =	vst v7  }
0x36c: {  	v59 =	vmul.f32 v4, v25;
	v11 =	vmul.f32 v11, v26;
	v9 =	vadd.f32 v17, v9;
	[tilespmem:s24+$0x0] =	vst v1;
	v6 =	vld [tilespmem:s17+$0x0]  }
0x36d: {  	v52 =	vld [tilespmem:s2+$0x8000]  }
0x36e: {  	v9 =	vadd.f32 v59, v9;
	v60 =	vld [tilespmem:s26+$0xC000];
	v11 =	vadd.f32 v11, v5;
	v5 =	vmul.f32 v29, v28  }
0x36f: {  	s1 =	sand.u32 $0xF80, s1;
	v58 =	vmul.f32 v24, v23;
	v62 =	vmul.f32 v34, v30;
	v61 =	vld [tilespmem:s26+$0x6000]  }
0x370: {  	s1 =	sor.u32 $0x12000, s1;
	v15 =	vmul.f32 v15, v22;
	v63 =	vld [tilespmem:s2+$0xA000];
	v9 =	vadd.f32 v5, v9;
	v1 =	vshll.u32 v51, $0x10  }
0x371: {  	s7 =	sor.u32 s7, s1;
	v5 =	vld [tilespmem:s2+$0xC000];
	v8 =	vmul.f32 v53, v8;
	[tilespmem:s26+$0x13000] =	vst v1;
	v6 =	vmul.f32 v6, v38  }
0x372: {  	v13 =	vmul.f32 v13, v27;
	v15 =	vadd.f32 v58, v15;
	[tilespmem:s7+$0x0] =	vst v9;
	v2 =	vshll.u32 v52, $0x10;
	v10 =	vld [tilespmem:s18+$0x0]  }
0x373: {  	v3 =	vshll.u32 v37, $0x10;
	v9 =	vld [tilespmem:s28+$0xA000];
	v7 =	vmul.f32 v7, v54;
	[tilespmem:s2+$0x13000] =	vst v2;
	v6 =	vadd.f32 v8, v6  }
0x374: {  	v13 =	vadd.f32 v13, v15;
	v15 =	vmul.f32 v36, v35;
	[tilespmem:s28+$0x13000] =	vst v3;
	v57 =	vld [tilespmem:s24+$0x0]  }
0x375: {  	s8 =	sor.u32 s8, s1;
	v11 =	vadd.f32 v62, v11;
	v4 =	vld [tilespmem:s9+$0x0];
	v6 =	vadd.f32 v7, v6;
	v7 =	vmul.f32 v56, v55  }
0x376: {  	s1 =	sor.u32 s6, s1;
	s30 =	sand.u32 $0xF80, s0;
	[tilespmem:s8+$0x0] =	vst v12;
	v12 =	vadd.f32 v15, v13;
	v8 =	vld [tilespmem:s2+$0x6000]  }
0x377: {  	s6 =	sor.u32 $0x12000, s30;
	[tilespmem:s1+$0x0] =	vst v11;
	v13 =	vmul.f32 v61, v60;
	v11 =	vmul.f32 v10, v14;
	v10 =	vld [tilespmem:s28+$0x6000];
	v6 =	vadd.f32 v7, v6  }
0x378: {  	p0 =	por !p0, !p0;
	[tilespmem:s25+$0x0] =	vst v12;
	s31 =	sor.u32 s20, s6;
	v7 =	vld [tilespmem:s28+$0xC000]  }
0x379: {  	s1 =	simm.s32 $0x4;
	s7 =	sor.u32 s22, s6;
	s6 =	sor.u32 s23, s6;
	v12 =	vmul.f32 v57, v63;
	[tilespmem:s31+$0x0] =	vst v6;
	v6 =	vadd.f32 v13, v11;
	v11 =	vld [tilespmem:s26+$0xE000]  }
.LBB2_42:
0x37a: {  	s8 =	simm.s32 $0x1  }
0x37b: {  	s1 =	sadd.s32 $0x4, s1;
	v5 =	vmul.f32 v8, v5;
	v8 =	vld [tilespmem:s2+$0xE000];
	s8 =	simm.s32 @!p0 $0x0  }
0x37c: {  	s29 =	sadd.s32 $0x80, s29;
	p1 =	slt.u32 s1, $0xFC;
	v4 =	vmul.f32 v4, v9;
	s8 =	sshll.u32 s8, $0x6;
	v9 =	vld [tilespmem:s28+$0xE000]  }
0x37d: {  	v5 =	vadd.f32 v5, v12;
	s8 =	sadd.s32 s8, s29;
	v13 =	vld [tilespmem:s26+$0x10000]  }
0x37e: {  	v7 =	vmul.f32 v10, v7;
	s9 =	sadd.s32 $0x10, s8;
	s10 =	sadd.s32 $0x20, s8;
	s11 =	sadd.s32 $0x30, s8;
	v10 =	vld [tilespmem:s26+$0x8000]  }
0x37f: {  	v1 =	vmul.f32 v1, v11;
	s26 =	sor.u32 $0x80, s9;
	s10 =	sor.u32 $0x80, s10;
	s15 =	sor.u32 $0x80, s11;
	v11 =	vld [tilespmem:s2+$0x10000]  }
0x380: {  	s11 =	sor.u32 $0x80, s8;
	v4 =	vadd.f32 v7, v4;
	v2 =	vmul.f32 v2, v8;
	v12 =	vld [tilespmem:s15+$0x6000]  }
0x381: {  	v1 =	vadd.f32 v1, v6;
	v7 =	vld [tilespmem:s26+$0x6000];
	v3 =	vmul.f32 v3, v9  }
0x382: {  	s0 =	sadd.s32 $0x40, s0;
	v2 =	vadd.f32 v2, v5;
	v6 =	vld [tilespmem:s10+$0x6000]  }
0x383: {  	s14 =	sand.u32 $0x40, s0;
	s8 =	sand.u32 $0x1F00, s29;
	v5 =	vld [tilespmem:s11+$0x6000];
	v3 =	vadd.f32 v3, v4;
	v4 =	vmul.f32 v10, v13  }
0x384: {  	s13 =	sor.u32 $0x10, s14;
	s16 =	sadd.s32 $0x13000, s8;
	s8 =	sor.u32 $0x30, s14;
	v8 =	vld [tilespmem:s2+$0x8000]  }
0x385: {  	s9 =	sor.u32 s14, s16;
	s14 =	sor.u32 $0x20, s14;
	s17 =	sor.u32 s8, s16;
	v9 =	vshll.u32 v12, $0x10;
	v10 =	vld [tilespmem:s28+$0x10000];
	v1 =	vadd.f32 v4, v1  }
0x386: {  	s18 =	sor.u32 s13, s16;
	s16 =	sor.u32 s14, s16;
	s2 =	smov.u32 s10;
	v4 =	vshll.u32 v7, $0x10;
	[tilespmem:s17+$0x0] =	vst v9;
	v7 =	vld [tilespmem:s28+$0x8000]  }
0x387: {  	s28 =	smov.u32 s11;
	[tilespmem:s18+$0x0] =	vst v4;
	v4 =	vshll.u32 v6, $0x10;
	v6 =	vld [tilespmem:s15+$0x8000]  }
0x388: {  	v5 =	vshll.u32 v5, $0x10;
	v9 =	vld [tilespmem:s26+$0x8000];
	[tilespmem:s16+$0x0] =	vst v4  }
0x389: {  	[tilespmem:s9+$0x0] =	vst v5;
	v4 =	vld [tilespmem:s2+$0x8000];
	v5 =	vmul.f32 v8, v11  }
0x38a: {  	v8 =	vld [tilespmem:s28+$0x8000];
	[tilespmem:s7+$0x0] =	vst v1  }
0x38b: {  	v11 =	vld [tilespmem:s15+$0xA000];
	v7 =	vmul.f32 v7, v10;
	v5 =	vadd.f32 v5, v2  }
0x38c: {  	v6 =	vshll.u32 v6, $0x10;
	v10 =	vld [tilespmem:s15+$0xC000]  }
0x38d: {  	v1 =	vshll.u32 v9, $0x10;
	[tilespmem:s15+$0x13000] =	vst v6;
	v9 =	vld [tilespmem:s15+$0x6000];
	v7 =	vadd.f32 v7, v3  }
0x38e: {  	[tilespmem:s26+$0x13000] =	vst v1;
	v2 =	vshll.u32 v4, $0x10;
	v4 =	vld [tilespmem:s17+$0x0]  }
0x38f: {  	v3 =	vshll.u32 v8, $0x10;
	v8 =	vld [tilespmem:s18+$0x0];
	[tilespmem:s2+$0x13000] =	vst v2  }
0x390: {  	[tilespmem:s28+$0x13000] =	vst v3;
	v12 =	vld [tilespmem:s15+$0xE000]  }
0x391: {  	s25 =	sadd.s32 $0x40, s25;
	v13 =	vld [tilespmem:s15+$0x10000];
	[tilespmem:s6+$0x0] =	vst v5  }
0x392: {  	v5 =	vld [tilespmem:s15+$0x8000];
	[tilespmem:s25+$0x0] =	vst v7  }
0x393: {  	v9 =	vmul.f32 v9, v10;
	v14 =	vld [tilespmem:s16+$0x0];
	v7 =	vmul.f32 v4, v11  }
0x394: {  	v4 =	vld [tilespmem:s9+$0x0]  }
0x395: {  	v10 =	vld [tilespmem:s26+$0xA000];
	v7 =	vadd.f32 v9, v7;
	v6 =	vmul.f32 v6, v12  }
0x396: {  	v11 =	vld [tilespmem:s26+$0xC000]  }
0x397: {  	s6 =	sand.u32 $0xF80, s0;
	v12 =	vld [tilespmem:s26+$0x6000];
	v6 =	vadd.f32 v6, v7;
	v7 =	vmul.f32 v5, v13  }
0x398: {  	s9 =	sor.u32 $0x12000, s6;
	v13 =	vld [tilespmem:s2+$0xA000]  }
0x399: {  	s7 =	sor.u32 s13, s9;
	v5 =	vld [tilespmem:s2+$0xC000];
	v6 =	vadd.f32 v7, v6  }
.Ltmp24:
0x39a: {  	s6 =	sor.u32 s14, s9;
	s8 =	sor.u32 s8, s9;
	v15 =	vmul.f32 v8, v10;
	v8 =	vld [tilespmem:s2+$0x6000];
	(pc) =	sbr.rel @p1 .LBB2_42-.Ltmp24, $4  }
0x39b: {  	v9 =	vld [tilespmem:s28+$0xA000];
	[tilespmem:s8+$0x0] =	vst v6  }
0x39c: {  	v7 =	vld [tilespmem:s28+$0xC000];
	v6 =	vmul.f32 v12, v11  }
0x39d: {  	v10 =	vld [tilespmem:s28+$0x6000];
	v12 =	vmul.f32 v14, v13  }
0x39e: {  	p0 =	por !p0, !p0;
	v6 =	vadd.f32 v6, v15;
	v11 =	vld [tilespmem:s26+$0xE000]  }
0x39f: {  	v13 =	vld [tilespmem:s2+$0xE000]  }
0x3a0: {  	v14 =	vld [tilespmem:s28+$0xE000]  }
0x3a1: {  	v15 =	vld [tilespmem:s26+$0x10000]  }
0x3a2: {  	v16 =	vld [tilespmem:s26+$0x8000]  }
0x3a3: {  	v17 =	vld [tilespmem:s2+$0x10000]  }
0x3a4: {  	v18 =	vld [tilespmem:s2+$0x8000]  }
0x3a5: {  	v5 =	vmul.f32 v8, v5;
	v59 =	vld [tilespmem:s28+$0x10000]  }
0x3a6: {  	v60 =	vld [tilespmem:s28+$0x8000];
	v4 =	vmul.f32 v4, v9;
	v7 =	vmul.f32 v10, v7  }
0x3a7: {  	v1 =	vmul.f32 v1, v11  }
0x3a8: {  	v5 =	vadd.f32 v5, v12;
	v4 =	vadd.f32 v7, v4;
	v2 =	vmul.f32 v2, v13  }
0x3a9: {  	v3 =	vmul.f32 v3, v14;
	v61 =	vmul.f32 v16, v15;
	v1 =	vadd.f32 v1, v6  }
0x3aa: {  	v62 =	vmul.f32 v18, v17;
	v2 =	vadd.f32 v2, v5  }
0x3ab: {  	v63 =	vmul.f32 v60, v59;
	v3 =	vadd.f32 v3, v4;
	v1 =	vadd.f32 v61, v1  }
0x3ac: {  	v2 =	vadd.f32 v62, v2  }
0x3ad: {  	[tilespmem:s7+$0x0] =	vst v1;
	v1 =	vadd.f32 v63, v3  }
0x3ae: {  	s0 =	sadd.s32 $0x40, s25;
	[tilespmem:s6+$0x0] =	vst v2  }
0x3af: {  	[tilespmem:s0+$0x0] =	vst v1  }
0x3b0: {  	s1 =	simm.s32 $0x12000;
	s0 =	rddreg [dreg:$0xc]  }
0x3b1: {  	[hbm4b:s0+s3] =	stream.linear.scatter [tilespmem:s1], [sflag:$0x4], $0x1000, $0x38;
	[tilespmem:$0x15000] =	vst v63  }
0x3b2: {  	_ =	swait.ge [sflag:s21], $0x1000  }
0x3b3: {  	s30 =	rddreg [dreg:$0xe]  }
0x3b4: {  	s31 =	rddreg [dreg:$0xd];
	s1 =	sadd.s32 $0x1, s30  }
0x3b5: {  	p0 =	sne.s32 s1, s31  }
.Ltmp25:
0x3b6: {  	_ = 	snop;
	(pc) =	sbr.rel @p0 .LBB2_1-.Ltmp25, $4  }
0x3b7: {  	_ = 	snop  }
0x3b8: {  	s13 =	rddreg [dreg:$0x6]  }
0x3b9: {  	[sflag:s21] =	ssyncset.done $0x0;
	s14 =	rddreg [dreg:$0x7]  }
0x3ba: {  	s11 =	simm.s32 $0x3;
	s10 =	rddreg [dreg:$0x8];
	[sflag:s21] =	ssyncadd.s32 $0xFFFFF000  }
0x3bb: {  	_ =	sfence.sel $0x180000  }
0x3bc: {  	[bflag:$0x0] =	sbarrier.arrive $0xFFFF  }
0x3bd: {  	_ =	strace $0x90000047  }
0x3be: {  	s0 =	stileid.u32;
	[bflag:$0x2] =	sbarrier.arrive $0xFFFF  }
0x3bf: {  	p0 =	sne.s32 s0, $0x0;
	s0 =	rddreg [dreg:$0x2]  }
0x3c0: {  	s0 =	sadd.s32 @!p0 $0x100000, s0  }
0x3c1: {  	[sflag:s0] =	ssyncadd.tile.s32 @!p0 $0x1;
	_ =	shalt  }
.Lfunc_end2:
_tile_overlayer_lowered:
.L_overlay_start_2:
0x3c2: {  	(tag) =	ssettag $0x2  }
0x3c3: {  	s0 =	rddreg [dreg:$0x0];
	s2 =	stileid.u32  }
0x3c4: {  	s1 =	rddreg [dreg:$0x1];
	p0 =	sne.s32 s2, $0x0  }
0x3c5: {  	s3 =	rddreg [dreg:$0x2];
	[bflag:$0x3] =	sbarrier.arrive $0xFFFF;
	s2 =	simm.s32 @!p0 $0x1C04  }
0x3c6: {  	[timem:s3], [sflag:s2] =	dma.local @!p0 [hbm:s0], s1  }
0x3c7: {  	s0 =	simm.s32 @!p0 $0x4  }
0x3c8: {  	_ =	swait.ge @!p0 [sflag:s0], s1  }
0x3c9: {  	s1 =	ssub.s32 @!p0 $0x0, s1;
	[sflag:s0] =	ssyncset.done @!p0 $0x0  }
0x3ca: {  	[sflag:s0] =	ssyncadd.s32 @!p0 s1  }
0x3cb: {  	[bflag:$0x3] =	sbarrier.arrive $0xFFFF  }
0x3cc: {  	_ =	shalt  }

</sc_bundles>
